<compile_context>
chip_gen: v7x
topology: tpu7x:2x2x1
jax: 0.10.2.dev20260603
libtpu: 0.0.44.dev20260713+nightly
codegen_flags: <defaults>
</compile_context>

<pallas_src>
import functools

import jax
import jax.numpy as jnp
from jax import lax
from jax.experimental import pallas as pl
from jax.experimental.pallas import tpu as pltpu
from jax.experimental.pallas import tpu_sc as plsc

VOCAB = 1000000
EMBED_DIM = 64
BATCH = 4096
SEQ_LEN = 200

NC = 2
NS = 16
NW = NC * NS
B_TOTAL = BATCH * SEQ_LEN
IDX_MINOR = 128
B_PER_W = BATCH // NW
ROWS_PER_BIG = 16
IDXROWS_PER_BIG = ROWS_PER_BIG * SEQ_LEN // IDX_MINOR
G_BIG = B_PER_W // ROWS_PER_BIG
SUBS = 5
STREAMS_PER_SUB = IDXROWS_PER_BIG // SUBS
SUB_LOOKUPS = STREAMS_PER_SUB * IDX_MINOR

SUB_PATTERNS = (
    ((0, 0, 200), (1, 0, 200), (2, 0, 200), (3, 0, 40)),
    ((3, 40, 160), (4, 0, 200), (5, 0, 200), (6, 0, 80)),
    ((6, 80, 120), (7, 0, 200), (8, 0, 200), (9, 0, 120)),
    ((9, 120, 80), (10, 0, 200), (11, 0, 200), (12, 0, 160)),
    ((12, 160, 40), (13, 0, 200), (14, 0, 200), (15, 0, 200)),
)


def _gather_body(x_hbm, table_hbm, out_hbm, idx_v, rows_v0, rows_v1,
                 gsem, wsem0, wsem1):
    wid = lax.axis_index("s") * NC + lax.axis_index("c")
    idxrow_base = wid * (G_BIG * IDXROWS_PER_BIG)
    batch_base = wid * B_PER_W
    bufs = ((rows_v0, wsem0), (rows_v1, wsem1))

    def _pieces(rows_v, out_base, s):
        off = 0
        for (br, s0, ns) in SUB_PATTERNS[s]:
            yield (rows_v.at[pl.ds(off, ns)],
                   out_hbm.at[out_base + br, pl.ds(s0, ns)])
            off += ns

    def big(g, carry):
        pltpu.sync_copy(
            x_hbm.at[pl.ds(idxrow_base + g * IDXROWS_PER_BIG,
                           IDXROWS_PER_BIG)],
            idx_v)
        out_base = batch_base + g * ROWS_PER_BIG
        for s in range(SUBS):
            rows_v, wsem = bufs[s % 2]

            def _wait_prev():
                for src, dst in _pieces(rows_v, out_base, s):
                    pltpu.make_async_copy(src, dst, wsem).wait()
            if s < 2:
                @pl.when(g >= 1)
                def _w():
                    _wait_prev()
            else:
                _wait_prev()

            handles = [
                pltpu.async_copy(
                    table_hbm.at[idx_v.at[SUBS * s + j]],
                    rows_v.at[pl.ds(IDX_MINOR * j, IDX_MINOR)], gsem)
                for j in range(STREAMS_PER_SUB)
            ]
            for h in handles:
                h.wait()
            for src, dst in _pieces(rows_v, out_base, s):
                pltpu.async_copy(src, dst, wsem)
        return carry

    lax.fori_loop(0, G_BIG, big, 0)
    last_base = batch_base + (G_BIG - 1) * ROWS_PER_BIG
    for s, (rows_v, wsem) in ((4, bufs[0]), (3, bufs[1])):
        for src, dst in _pieces(rows_v, last_base, s):
            pltpu.make_async_copy(src, dst, wsem).wait()


@functools.partial(jax.jit)
def kernel(x, weight):
    x2d = x.reshape(B_TOTAL // IDX_MINOR, IDX_MINOR).astype(jnp.int32)
    mesh = plsc.VectorSubcoreMesh(core_axis_name="c", subcore_axis_name="s")
    run = pl.kernel(
        _gather_body,
        out_type=jax.ShapeDtypeStruct((BATCH, SEQ_LEN, EMBED_DIM),
                                      jnp.float32),
        mesh=mesh,
        scratch_types=[
            pltpu.VMEM((IDXROWS_PER_BIG, IDX_MINOR), jnp.int32),
            pltpu.VMEM((SUB_LOOKUPS, EMBED_DIM), jnp.float32),
            pltpu.VMEM((SUB_LOOKUPS, EMBED_DIM), jnp.float32),
            pltpu.SemaphoreType.DMA,
            pltpu.SemaphoreType.DMA,
            pltpu.SemaphoreType.DMA,
        ],
        compiler_params=pltpu.CompilerParams(use_tc_tiling_on_sc=False),
    )
    return run(x2d, weight)

# --- scband reference (transcript-rebuilt; emitter-appended) ---
"""Pipeline reference for scband-embedding-54855322305299 (READ-ONLY COPY).

The authoritative reference and input builder live on the scoring server;
editing this copy changes nothing except your own understanding.
"""

import jax, jax.numpy as jnp
import numpy as np

VOCAB = 1000000
EMBED_DIM = 64
BATCH = 4096
SEQ_LEN = 200

def setup_inputs(seed: int = 0) -> dict:
    key = jax.random.key(seed)
    k_idx, k_w = jax.random.split(key)
    x = jax.random.randint(k_idx, (BATCH, SEQ_LEN), 0, VOCAB, dtype=jnp.int64 if jax.config.read('jax_enable_x64') else jnp.int32)
    weight = jax.random.normal(k_w, (VOCAB, EMBED_DIM), dtype=jnp.float32)
    return {"x": x, "weight": weight}

def reference(x, weight):
    # Embedding.forward: x = self.embed(x); return self.dropout(x)
    # dropout p=0.0 -> identity (eval/no-op)
    out = jnp.take(weight, x, axis=0)  # [batch, seq_len, embed_dim]
    return out

if __name__ == "__main__":
    import jax
    _d = setup_inputs()
    print(jax.jit(kernel)(*tuple(_d.values())))

</pallas_src>

<mosaic_0001>
#map = affine_map<(d0, d1) -> (0, 0)>
#map1 = affine_map<(d0, d1) -> (0, 0, 0)>
module attributes {stable_mosaic.version = 14 : i64} {
  func.func @_gather_body(%arg0: i32, %arg1: i32, %arg2: memref<6400x128xi32, #tpu.memory_space<hbm>>, %arg3: memref<1000000x64xf32, #tpu.memory_space<hbm>>, %arg4: memref<4096x200x64xf32, #tpu.memory_space<hbm>>, %arg5: memref<25x128xi32, #tpu.memory_space<vmem>>, %arg6: memref<640x64xf32, #tpu.memory_space<vmem>>, %arg7: memref<640x64xf32, #tpu.memory_space<vmem>>, %arg8: memref<!tpu.dma_semaphore, #tpu.memory_space<semaphore_mem>>, %arg9: memref<!tpu.dma_semaphore, #tpu.memory_space<semaphore_mem>>, %arg10: memref<!tpu.dma_semaphore, #tpu.memory_space<semaphore_mem>>) attributes {dimension_semantics = [#tpu.dimension_semantics<core_parallel>, #tpu.dimension_semantics<subcore_parallel>], iteration_bounds = array<i64: 2, 16>, scalar_prefetch = 0 : i64, scratch_operands = 6 : i64, tpu.core_type = #tpu.core_type<sc_vector_subcore>, window_params = [{transform_indices = #map}, {transform_indices = #map}, {transform_indices = #map1}]} {
    %mul3A = arith.constant 2 : i32
    %mul3A_0 = arith.muli %arg1, %mul3A : i32
    %add3A = arith.addi %mul3A_0, %arg0 : i32
    %mul3A_1 = arith.constant 200 : i32
    %mul3A_2 = arith.muli %add3A, %mul3A_1 : i32
    %mul3A_3 = arith.constant 128 : i32
    %mul3A_4 = arith.muli %add3A, %mul3A_3 : i32
    %scan3A = arith.constant 0 : i32
    %scan3A_5 = arith.constant 0 : i32
    %scan3A_6 = arith.constant 8 : i32
    %scan3A_7 = arith.addi %scan3A_5, %scan3A_6 : i32
    %scan3A_8 = arith.constant 1 : i32
    scf.for %scan3A_139 = %scan3A_5 to %scan3A_7 step %scan3A_8  : i32 {
      %mul3A_140 = arith.constant 25 : i32
      %mul3A_141 = arith.muli %scan3A_139, %mul3A_140 : i32
      %add3A_142 = arith.addi %mul3A_2, %mul3A_141 : i32
      "tpu.region"() ({
        %run_scoped3A = tpu.sem_alloc : memref<!tpu.dma_semaphore, #tpu.memory_space<semaphore_mem>>
        %dma_start3A_1164 = arith.constant 0 : i32
        %dma_start3A_1165 = tpu.memref_slice %arg2[%add3A_142, %dma_start3A_1164] : memref<6400x128xi32, #tpu.memory_space<hbm>> -> memref<25x128xi32, #tpu.memory_space<hbm>>
        %dma_start3A_1166 = arith.constant 0 : i32
        %dma_start3A_1167 = tpu.memref_slice %arg2[%add3A_142, %dma_start3A_1166] : memref<6400x128xi32, #tpu.memory_space<hbm>> -> memref<25x128xi32, #tpu.memory_space<hbm>>
        tpu.enqueue_dma source(%dma_start3A_1167 : memref<25x128xi32, #tpu.memory_space<hbm>>) target(%arg5 : memref<25x128xi32, #tpu.memory_space<vmem>>) target_semaphore(%run_scoped3A : memref<!tpu.dma_semaphore, #tpu.memory_space<semaphore_mem>>)
        %dma_wait3A_1168 = arith.constant 0 : i32
        %dma_wait3A_1169 = tpu.memref_slice %arg2[%add3A_142, %dma_wait3A_1168] : memref<6400x128xi32, #tpu.memory_space<hbm>> -> memref<25x128xi32, #tpu.memory_space<hbm>>
        %dma_wait3A_1170 = arith.constant 0 : i32
        %dma_wait3A_1171 = tpu.memref_slice %arg2[%add3A_142, %dma_wait3A_1170] : memref<6400x128xi32, #tpu.memory_space<hbm>> -> memref<25x128xi32, #tpu.memory_space<hbm>>
        tpu.wait_dma2 semaphore(%run_scoped3A : memref<!tpu.dma_semaphore, #tpu.memory_space<semaphore_mem>>) src(%dma_wait3A_1171 : memref<25x128xi32, #tpu.memory_space<hbm>>) dst(%arg5 : memref<25x128xi32, #tpu.memory_space<vmem>>)
        tpu.yield
      }) : () -> ()
      %mul3A_143 = arith.constant 16 : i32
      %mul3A_144 = arith.muli %scan3A_139, %mul3A_143 : i32
      %add3A_145 = arith.addi %mul3A_4, %mul3A_144 : i32
      %ge3A = arith.constant 1 : i32
      %ge3A_146 = arith.cmpi sge, %scan3A_139, %ge3A : i32
      %convert_element_type3A = arith.extui %ge3A_146 : i1 to i32
      %cond3A = arith.constant 0 : i32
      %cond3A_147 = arith.cmpi ne, %convert_element_type3A, %cond3A : i32
      scf.if %cond3A_147 {
        %add3A_1164 = arith.constant 0 : i32
        %add3A_1165 = arith.addi %add3A_145, %add3A_1164 : i32
        %dma_wait3A_1166 = arith.constant 0 : i32
        %dma_wait3A_1167 = arith.constant 0 : i32
        %dma_wait3A_1168 = tpu.memref_slice %arg6[%dma_wait3A_1166, %dma_wait3A_1167] : memref<640x64xf32, #tpu.memory_space<vmem>> -> memref<200x64xf32, #tpu.memory_space<vmem>>
        %dma_wait3A_1169 = arith.constant 0 : i32
        %dma_wait3A_1170 = arith.constant 0 : i32
        %dma_wait3A_1171 = tpu.memref_slice %arg4[%add3A_1165, %dma_wait3A_1169, %dma_wait3A_1170] : memref<4096x200x64xf32, #tpu.memory_space<hbm>> -> memref<1x200x64xf32, #tpu.memory_space<hbm>>
        %dma_wait3A_1172 = tpu.memref_squeeze %dma_wait3A_1171 : memref<1x200x64xf32, #tpu.memory_space<hbm>> -> memref<200x64xf32, #tpu.memory_space<hbm>>
        %dma_wait3A_1173 = arith.constant 0 : i32
        %dma_wait3A_1174 = arith.constant 0 : i32
        %dma_wait3A_1175 = tpu.memref_slice %arg4[%add3A_1165, %dma_wait3A_1173, %dma_wait3A_1174] : memref<4096x200x64xf32, #tpu.memory_space<hbm>> -> memref<1x200x64xf32, #tpu.memory_space<hbm>>
        %dma_wait3A_1176 = tpu.memref_squeeze %dma_wait3A_1175 : memref<1x200x64xf32, #tpu.memory_space<hbm>> -> memref<200x64xf32, #tpu.memory_space<hbm>>
        %dma_wait3A_1177 = arith.constant 0 : i32
        %dma_wait3A_1178 = arith.constant 0 : i32
        %dma_wait3A_1179 = tpu.memref_slice %arg6[%dma_wait3A_1177, %dma_wait3A_1178] : memref<640x64xf32, #tpu.memory_space<vmem>> -> memref<200x64xf32, #tpu.memory_space<vmem>>
        tpu.wait_dma2 semaphore(%arg9 : memref<!tpu.dma_semaphore, #tpu.memory_space<semaphore_mem>>) src(%dma_wait3A_1179 : memref<200x64xf32, #tpu.memory_space<vmem>>) dst(%dma_wait3A_1176 : memref<200x64xf32, #tpu.memory_space<hbm>>)
        %add3A_1180 = arith.constant 1 : i32
        %add3A_1181 = arith.addi %add3A_145, %add3A_1180 : i32
        %dma_wait3A_1182 = arith.constant 200 : i32
        %dma_wait3A_1183 = arith.constant 0 : i32
        %dma_wait3A_1184 = tpu.memref_slice %arg6[%dma_wait3A_1182, %dma_wait3A_1183] : memref<640x64xf32, #tpu.memory_space<vmem>> -> memref<200x64xf32, #tpu.memory_space<vmem>>
        %dma_wait3A_1185 = arith.constant 0 : i32
        %dma_wait3A_1186 = arith.constant 0 : i32
        %dma_wait3A_1187 = tpu.memref_slice %arg4[%add3A_1181, %dma_wait3A_1185, %dma_wait3A_1186] : memref<4096x200x64xf32, #tpu.memory_space<hbm>> -> memref<1x200x64xf32, #tpu.memory_space<hbm>>
        %dma_wait3A_1188 = tpu.memref_squeeze %dma_wait3A_1187 : memref<1x200x64xf32, #tpu.memory_space<hbm>> -> memref<200x64xf32, #tpu.memory_space<hbm>>
        %dma_wait3A_1189 = arith.constant 0 : i32
        %dma_wait3A_1190 = arith.constant 0 : i32
        %dma_wait3A_1191 = tpu.memref_slice %arg4[%add3A_1181, %dma_wait3A_1189, %dma_wait3A_1190] : memref<4096x200x64xf32, #tpu.memory_space<hbm>> -> memref<1x200x64xf32, #tpu.memory_space<hbm>>
        %dma_wait3A_1192 = tpu.memref_squeeze %dma_wait3A_1191 : memref<1x200x64xf32, #tpu.memory_space<hbm>> -> memref<200x64xf32, #tpu.memory_space<hbm>>
        %dma_wait3A_1193 = arith.constant 200 : i32
        %dma_wait3A_1194 = arith.constant 0 : i32
        %dma_wait3A_1195 = tpu.memref_slice %arg6[%dma_wait3A_1193, %dma_wait3A_1194] : memref<640x64xf32, #tpu.memory_space<vmem>> -> memref<200x64xf32, #tpu.memory_space<vmem>>
        tpu.wait_dma2 semaphore(%arg9 : memref<!tpu.dma_semaphore, #tpu.memory_space<semaphore_mem>>) src(%dma_wait3A_1195 : memref<200x64xf32, #tpu.memory_space<vmem>>) dst(%dma_wait3A_1192 : memref<200x64xf32, #tpu.memory_space<hbm>>)
        %add3A_1196 = arith.constant 2 : i32
        %add3A_1197 = arith.addi %add3A_145, %add3A_1196 : i32
        %dma_wait3A_1198 = arith.constant 400 : i32
        %dma_wait3A_1199 = arith.constant 0 : i32
        %dma_wait3A_1200 = tpu.memref_slice %arg6[%dma_wait3A_1198, %dma_wait3A_1199] : memref<640x64xf32, #tpu.memory_space<vmem>> -> memref<200x64xf32, #tpu.memory_space<vmem>>
        %dma_wait3A_1201 = arith.constant 0 : i32
        %dma_wait3A_1202 = arith.constant 0 : i32
        %dma_wait3A_1203 = tpu.memref_slice %arg4[%add3A_1197, %dma_wait3A_1201, %dma_wait3A_1202] : memref<4096x200x64xf32, #tpu.memory_space<hbm>> -> memref<1x200x64xf32, #tpu.memory_space<hbm>>
        %dma_wait3A_1204 = tpu.memref_squeeze %dma_wait3A_1203 : memref<1x200x64xf32, #tpu.memory_space<hbm>> -> memref<200x64xf32, #tpu.memory_space<hbm>>
        %dma_wait3A_1205 = arith.constant 0 : i32
        %dma_wait3A_1206 = arith.constant 0 : i32
        %dma_wait3A_1207 = tpu.memref_slice %arg4[%add3A_1197, %dma_wait3A_1205, %dma_wait3A_1206] : memref<4096x200x64xf32, #tpu.memory_space<hbm>> -> memref<1x200x64xf32, #tpu.memory_space<hbm>>
        %dma_wait3A_1208 = tpu.memref_squeeze %dma_wait3A_1207 : memref<1x200x64xf32, #tpu.memory_space<hbm>> -> memref<200x64xf32, #tpu.memory_space<hbm>>
        %dma_wait3A_1209 = arith.constant 400 : i32
        %dma_wait3A_1210 = arith.constant 0 : i32
        %dma_wait3A_1211 = tpu.memref_slice %arg6[%dma_wait3A_1209, %dma_wait3A_1210] : memref<640x64xf32, #tpu.memory_space<vmem>> -> memref<200x64xf32, #tpu.memory_space<vmem>>
        tpu.wait_dma2 semaphore(%arg9 : memref<!tpu.dma_semaphore, #tpu.memory_space<semaphore_mem>>) src(%dma_wait3A_1211 : memref<200x64xf32, #tpu.memory_space<vmem>>) dst(%dma_wait3A_1208 : memref<200x64xf32, #tpu.memory_space<hbm>>)
        %add3A_1212 = arith.constant 3 : i32
        %add3A_1213 = arith.addi %add3A_145, %add3A_1212 : i32
        %dma_wait3A_1214 = arith.constant 600 : i32
        %dma_wait3A_1215 = arith.constant 0 : i32
        %dma_wait3A_1216 = tpu.memref_slice %arg6[%dma_wait3A_1214, %dma_wait3A_1215] : memref<640x64xf32, #tpu.memory_space<vmem>> -> memref<40x64xf32, #tpu.memory_space<vmem>>
        %dma_wait3A_1217 = arith.constant 0 : i32
        %dma_wait3A_1218 = arith.constant 0 : i32
        %dma_wait3A_1219 = tpu.memref_slice %arg4[%add3A_1213, %dma_wait3A_1217, %dma_wait3A_1218] : memref<4096x200x64xf32, #tpu.memory_space<hbm>> -> memref<1x40x64xf32, #tpu.memory_space<hbm>>
        %dma_wait3A_1220 = tpu.memref_squeeze %dma_wait3A_1219 : memref<1x40x64xf32, #tpu.memory_space<hbm>> -> memref<40x64xf32, #tpu.memory_space<hbm>>
        %dma_wait3A_1221 = arith.constant 0 : i32
        %dma_wait3A_1222 = arith.constant 0 : i32
        %dma_wait3A_1223 = tpu.memref_slice %arg4[%add3A_1213, %dma_wait3A_1221, %dma_wait3A_1222] : memref<4096x200x64xf32, #tpu.memory_space<hbm>> -> memref<1x40x64xf32, #tpu.memory_space<hbm>>
        %dma_wait3A_1224 = tpu.memref_squeeze %dma_wait3A_1223 : memref<1x40x64xf32, #tpu.memory_space<hbm>> -> memref<40x64xf32, #tpu.memory_space<hbm>>
        %dma_wait3A_1225 = arith.constant 600 : i32
        %dma_wait3A_1226 = arith.constant 0 : i32
        %dma_wait3A_1227 = tpu.memref_slice %arg6[%dma_wait3A_1225, %dma_wait3A_1226] : memref<640x64xf32, #tpu.memory_space<vmem>> -> memref<40x64xf32, #tpu.memory_space<vmem>>
        tpu.wait_dma2 semaphore(%arg9 : memref<!tpu.dma_semaphore, #tpu.memory_space<semaphore_mem>>) src(%dma_wait3A_1227 : memref<40x64xf32, #tpu.memory_space<vmem>>) dst(%dma_wait3A_1224 : memref<40x64xf32, #tpu.memory_space<hbm>>)
      } else {
      }
      %dma_start3A = arith.constant 0 : i32
      %dma_start3A_148 = arith.constant 0 : i32
      %dma_start3A_149 = arith.constant 0 : i32
      %dma_start3A_150 = tpu.memref_slice %arg6[%dma_start3A_148, %dma_start3A_149] : memref<640x64xf32, #tpu.memory_space<vmem>> -> memref<128x64xf32, #tpu.memory_space<vmem>>
      %dma_start3A_151 = arith.constant 0 : i32
      %dma_start3A_152 = tpu.memref_slice %arg5[%dma_start3A, %dma_start3A_151] : memref<25x128xi32, #tpu.memory_space<vmem>> -> memref<1x128xi32, #tpu.memory_space<vmem>>
      %dma_start3A_153 = tpu.memref_squeeze %dma_start3A_152 : memref<1x128xi32, #tpu.memory_space<vmem>> -> memref<128xi32, #tpu.memory_space<vmem>>
      %dma_start3A_154 = arith.constant 0 : i32
      %dma_start3A_155 = arith.constant 0 : i32
      %dma_start3A_156 = tpu.memref_slice %arg3[%dma_start3A_154, %dma_start3A_155] : memref<1000000x64xf32, #tpu.memory_space<hbm>> -> memref<1000000x64xf32, #tpu.memory_space<hbm>>
      tpu.enqueue_indirect_dma source(%dma_start3A_156 : memref<1000000x64xf32, #tpu.memory_space<hbm>>) target(%dma_start3A_150 : memref<128x64xf32, #tpu.memory_space<vmem>>) offsets(%dma_start3A_153 : memref<128xi32, #tpu.memory_space<vmem>>) semaphore(%arg8 : memref<!tpu.dma_semaphore, #tpu.memory_space<semaphore_mem>>)
      %dma_start3A_157 = arith.constant 1 : i32
      %dma_start3A_158 = arith.constant 128 : i32
      %dma_start3A_159 = arith.constant 0 : i32
      %dma_start3A_160 = tpu.memref_slice %arg6[%dma_start3A_158, %dma_start3A_159] : memref<640x64xf32, #tpu.memory_space<vmem>> -> memref<128x64xf32, #tpu.memory_space<vmem>>
      %dma_start3A_161 = arith.constant 0 : i32
      %dma_start3A_162 = tpu.memref_slice %arg5[%dma_start3A_157, %dma_start3A_161] : memref<25x128xi32, #tpu.memory_space<vmem>> -> memref<1x128xi32, #tpu.memory_space<vmem>>
      %dma_start3A_163 = tpu.memref_squeeze %dma_start3A_162 : memref<1x128xi32, #tpu.memory_space<vmem>> -> memref<128xi32, #tpu.memory_space<vmem>>
      %dma_start3A_164 = arith.constant 0 : i32
      %dma_start3A_165 = arith.constant 0 : i32
      %dma_start3A_166 = tpu.memref_slice %arg3[%dma_start3A_164, %dma_start3A_165] : memref<1000000x64xf32, #tpu.memory_space<hbm>> -> memref<1000000x64xf32, #tpu.memory_space<hbm>>
      tpu.enqueue_indirect_dma source(%dma_start3A_166 : memref<1000000x64xf32, #tpu.memory_space<hbm>>) target(%dma_start3A_160 : memref<128x64xf32, #tpu.memory_space<vmem>>) offsets(%dma_start3A_163 : memref<128xi32, #tpu.memory_space<vmem>>) semaphore(%arg8 : memref<!tpu.dma_semaphore, #tpu.memory_space<semaphore_mem>>)
      %dma_start3A_167 = arith.constant 2 : i32
      %dma_start3A_168 = arith.constant 256 : i32
      %dma_start3A_169 = arith.constant 0 : i32
      %dma_start3A_170 = tpu.memref_slice %arg6[%dma_start3A_168, %dma_start3A_169] : memref<640x64xf32, #tpu.memory_space<vmem>> -> memref<128x64xf32, #tpu.memory_space<vmem>>
      %dma_start3A_171 = arith.constant 0 : i32
      %dma_start3A_172 = tpu.memref_slice %arg5[%dma_start3A_167, %dma_start3A_171] : memref<25x128xi32, #tpu.memory_space<vmem>> -> memref<1x128xi32, #tpu.memory_space<vmem>>
      %dma_start3A_173 = tpu.memref_squeeze %dma_start3A_172 : memref<1x128xi32, #tpu.memory_space<vmem>> -> memref<128xi32, #tpu.memory_space<vmem>>
      %dma_start3A_174 = arith.constant 0 : i32
      %dma_start3A_175 = arith.constant 0 : i32
      %dma_start3A_176 = tpu.memref_slice %arg3[%dma_start3A_174, %dma_start3A_175] : memref<1000000x64xf32, #tpu.memory_space<hbm>> -> memref<1000000x64xf32, #tpu.memory_space<hbm>>
      tpu.enqueue_indirect_dma source(%dma_start3A_176 : memref<1000000x64xf32, #tpu.memory_space<hbm>>) target(%dma_start3A_170 : memref<128x64xf32, #tpu.memory_space<vmem>>) offsets(%dma_start3A_173 : memref<128xi32, #tpu.memory_space<vmem>>) semaphore(%arg8 : memref<!tpu.dma_semaphore, #tpu.memory_space<semaphore_mem>>)
      %dma_start3A_177 = arith.constant 3 : i32
      %dma_start3A_178 = arith.constant 384 : i32
      %dma_start3A_179 = arith.constant 0 : i32
      %dma_start3A_180 = tpu.memref_slice %arg6[%dma_start3A_178, %dma_start3A_179] : memref<640x64xf32, #tpu.memory_space<vmem>> -> memref<128x64xf32, #tpu.memory_space<vmem>>
      %dma_start3A_181 = arith.constant 0 : i32
      %dma_start3A_182 = tpu.memref_slice %arg5[%dma_start3A_177, %dma_start3A_181] : memref<25x128xi32, #tpu.memory_space<vmem>> -> memref<1x128xi32, #tpu.memory_space<vmem>>
      %dma_start3A_183 = tpu.memref_squeeze %dma_start3A_182 : memref<1x128xi32, #tpu.memory_space<vmem>> -> memref<128xi32, #tpu.memory_space<vmem>>
      %dma_start3A_184 = arith.constant 0 : i32
      %dma_start3A_185 = arith.constant 0 : i32
      %dma_start3A_186 = tpu.memref_slice %arg3[%dma_start3A_184, %dma_start3A_185] : memref<1000000x64xf32, #tpu.memory_space<hbm>> -> memref<1000000x64xf32, #tpu.memory_space<hbm>>
      tpu.enqueue_indirect_dma source(%dma_start3A_186 : memref<1000000x64xf32, #tpu.memory_space<hbm>>) target(%dma_start3A_180 : memref<128x64xf32, #tpu.memory_space<vmem>>) offsets(%dma_start3A_183 : memref<128xi32, #tpu.memory_space<vmem>>) semaphore(%arg8 : memref<!tpu.dma_semaphore, #tpu.memory_space<semaphore_mem>>)
      %dma_start3A_187 = arith.constant 4 : i32
      %dma_start3A_188 = arith.constant 512 : i32
      %dma_start3A_189 = arith.constant 0 : i32
      %dma_start3A_190 = tpu.memref_slice %arg6[%dma_start3A_188, %dma_start3A_189] : memref<640x64xf32, #tpu.memory_space<vmem>> -> memref<128x64xf32, #tpu.memory_space<vmem>>
      %dma_start3A_191 = arith.constant 0 : i32
      %dma_start3A_192 = tpu.memref_slice %arg5[%dma_start3A_187, %dma_start3A_191] : memref<25x128xi32, #tpu.memory_space<vmem>> -> memref<1x128xi32, #tpu.memory_space<vmem>>
      %dma_start3A_193 = tpu.memref_squeeze %dma_start3A_192 : memref<1x128xi32, #tpu.memory_space<vmem>> -> memref<128xi32, #tpu.memory_space<vmem>>
      %dma_start3A_194 = arith.constant 0 : i32
      %dma_start3A_195 = arith.constant 0 : i32
      %dma_start3A_196 = tpu.memref_slice %arg3[%dma_start3A_194, %dma_start3A_195] : memref<1000000x64xf32, #tpu.memory_space<hbm>> -> memref<1000000x64xf32, #tpu.memory_space<hbm>>
      tpu.enqueue_indirect_dma source(%dma_start3A_196 : memref<1000000x64xf32, #tpu.memory_space<hbm>>) target(%dma_start3A_190 : memref<128x64xf32, #tpu.memory_space<vmem>>) offsets(%dma_start3A_193 : memref<128xi32, #tpu.memory_space<vmem>>) semaphore(%arg8 : memref<!tpu.dma_semaphore, #tpu.memory_space<semaphore_mem>>)
      %dma_wait3A_197 = arith.constant 0 : i32
      %dma_wait3A_198 = arith.constant 0 : i32
      %dma_wait3A_199 = arith.constant 0 : i32
      %dma_wait3A_200 = tpu.memref_slice %arg6[%dma_wait3A_198, %dma_wait3A_199] : memref<640x64xf32, #tpu.memory_space<vmem>> -> memref<128x64xf32, #tpu.memory_space<vmem>>
      %dma_wait3A_201 = arith.constant 0 : i32
      %dma_wait3A_202 = tpu.memref_slice %arg5[%dma_wait3A_197, %dma_wait3A_201] : memref<25x128xi32, #tpu.memory_space<vmem>> -> memref<1x128xi32, #tpu.memory_space<vmem>>
      %dma_wait3A_203 = tpu.memref_squeeze %dma_wait3A_202 : memref<1x128xi32, #tpu.memory_space<vmem>> -> memref<128xi32, #tpu.memory_space<vmem>>
      %dma_wait3A_204 = arith.constant 0 : i32
      %dma_wait3A_205 = arith.constant 0 : i32
      %dma_wait3A_206 = tpu.memref_slice %arg3[%dma_wait3A_204, %dma_wait3A_205] : memref<1000000x64xf32, #tpu.memory_space<hbm>> -> memref<1000000x64xf32, #tpu.memory_space<hbm>>
      tpu.wait_indirect_dma semaphore(%arg8 : memref<!tpu.dma_semaphore, #tpu.memory_space<semaphore_mem>>) src(%dma_wait3A_206 : memref<1000000x64xf32, #tpu.memory_space<hbm>>) dst(%dma_wait3A_200 : memref<128x64xf32, #tpu.memory_space<vmem>>)
      %dma_wait3A_207 = arith.constant 1 : i32
      %dma_wait3A_208 = arith.constant 128 : i32
      %dma_wait3A_209 = arith.constant 0 : i32
      %dma_wait3A_210 = tpu.memref_slice %arg6[%dma_wait3A_208, %dma_wait3A_209] : memref<640x64xf32, #tpu.memory_space<vmem>> -> memref<128x64xf32, #tpu.memory_space<vmem>>
      %dma_wait3A_211 = arith.constant 0 : i32
      %dma_wait3A_212 = tpu.memref_slice %arg5[%dma_wait3A_207, %dma_wait3A_211] : memref<25x128xi32, #tpu.memory_space<vmem>> -> memref<1x128xi32, #tpu.memory_space<vmem>>
      %dma_wait3A_213 = tpu.memref_squeeze %dma_wait3A_212 : memref<1x128xi32, #tpu.memory_space<vmem>> -> memref<128xi32, #tpu.memory_space<vmem>>
      %dma_wait3A_214 = arith.constant 0 : i32
      %dma_wait3A_215 = arith.constant 0 : i32
      %dma_wait3A_216 = tpu.memref_slice %arg3[%dma_wait3A_214, %dma_wait3A_215] : memref<1000000x64xf32, #tpu.memory_space<hbm>> -> memref<1000000x64xf32, #tpu.memory_space<hbm>>
      tpu.wait_indirect_dma semaphore(%arg8 : memref<!tpu.dma_semaphore, #tpu.memory_space<semaphore_mem>>) src(%dma_wait3A_216 : memref<1000000x64xf32, #tpu.memory_space<hbm>>) dst(%dma_wait3A_210 : memref<128x64xf32, #tpu.memory_space<vmem>>)
      %dma_wait3A_217 = arith.constant 2 : i32
      %dma_wait3A_218 = arith.constant 256 : i32
      %dma_wait3A_219 = arith.constant 0 : i32
      %dma_wait3A_220 = tpu.memref_slice %arg6[%dma_wait3A_218, %dma_wait3A_219] : memref<640x64xf32, #tpu.memory_space<vmem>> -> memref<128x64xf32, #tpu.memory_space<vmem>>
      %dma_wait3A_221 = arith.constant 0 : i32
      %dma_wait3A_222 = tpu.memref_slice %arg5[%dma_wait3A_217, %dma_wait3A_221] : memref<25x128xi32, #tpu.memory_space<vmem>> -> memref<1x128xi32, #tpu.memory_space<vmem>>
      %dma_wait3A_223 = tpu.memref_squeeze %dma_wait3A_222 : memref<1x128xi32, #tpu.memory_space<vmem>> -> memref<128xi32, #tpu.memory_space<vmem>>
      %dma_wait3A_224 = arith.constant 0 : i32
      %dma_wait3A_225 = arith.constant 0 : i32
      %dma_wait3A_226 = tpu.memref_slice %arg3[%dma_wait3A_224, %dma_wait3A_225] : memref<1000000x64xf32, #tpu.memory_space<hbm>> -> memref<1000000x64xf32, #tpu.memory_space<hbm>>
      tpu.wait_indirect_dma semaphore(%arg8 : memref<!tpu.dma_semaphore, #tpu.memory_space<semaphore_mem>>) src(%dma_wait3A_226 : memref<1000000x64xf32, #tpu.memory_space<hbm>>) dst(%dma_wait3A_220 : memref<128x64xf32, #tpu.memory_space<vmem>>)
      %dma_wait3A_227 = arith.constant 3 : i32
      %dma_wait3A_228 = arith.constant 384 : i32
      %dma_wait3A_229 = arith.constant 0 : i32
      %dma_wait3A_230 = tpu.memref_slice %arg6[%dma_wait3A_228, %dma_wait3A_229] : memref<640x64xf32, #tpu.memory_space<vmem>> -> memref<128x64xf32, #tpu.memory_space<vmem>>
      %dma_wait3A_231 = arith.constant 0 : i32
      %dma_wait3A_232 = tpu.memref_slice %arg5[%dma_wait3A_227, %dma_wait3A_231] : memref<25x128xi32, #tpu.memory_space<vmem>> -> memref<1x128xi32, #tpu.memory_space<vmem>>
      %dma_wait3A_233 = tpu.memref_squeeze %dma_wait3A_232 : memref<1x128xi32, #tpu.memory_space<vmem>> -> memref<128xi32, #tpu.memory_space<vmem>>
      %dma_wait3A_234 = arith.constant 0 : i32
      %dma_wait3A_235 = arith.constant 0 : i32
      %dma_wait3A_236 = tpu.memref_slice %arg3[%dma_wait3A_234, %dma_wait3A_235] : memref<1000000x64xf32, #tpu.memory_space<hbm>> -> memref<1000000x64xf32, #tpu.memory_space<hbm>>
      tpu.wait_indirect_dma semaphore(%arg8 : memref<!tpu.dma_semaphore, #tpu.memory_space<semaphore_mem>>) src(%dma_wait3A_236 : memref<1000000x64xf32, #tpu.memory_space<hbm>>) dst(%dma_wait3A_230 : memref<128x64xf32, #tpu.memory_space<vmem>>)
      %dma_wait3A_237 = arith.constant 4 : i32
      %dma_wait3A_238 = arith.constant 512 : i32
      %dma_wait3A_239 = arith.constant 0 : i32
      %dma_wait3A_240 = tpu.memref_slice %arg6[%dma_wait3A_238, %dma_wait3A_239] : memref<640x64xf32, #tpu.memory_space<vmem>> -> memref<128x64xf32, #tpu.memory_space<vmem>>
      %dma_wait3A_241 = arith.constant 0 : i32
      %dma_wait3A_242 = tpu.memref_slice %arg5[%dma_wait3A_237, %dma_wait3A_241] : memref<25x128xi32, #tpu.memory_space<vmem>> -> memref<1x128xi32, #tpu.memory_space<vmem>>
      %dma_wait3A_243 = tpu.memref_squeeze %dma_wait3A_242 : memref<1x128xi32, #tpu.memory_space<vmem>> -> memref<128xi32, #tpu.memory_space<vmem>>
      %dma_wait3A_244 = arith.constant 0 : i32
      %dma_wait3A_245 = arith.constant 0 : i32
      %dma_wait3A_246 = tpu.memref_slice %arg3[%dma_wait3A_244, %dma_wait3A_245] : memref<1000000x64xf32, #tpu.memory_space<hbm>> -> memref<1000000x64xf32, #tpu.memory_space<hbm>>
      tpu.wait_indirect_dma semaphore(%arg8 : memref<!tpu.dma_semaphore, #tpu.memory_space<semaphore_mem>>) src(%dma_wait3A_246 : memref<1000000x64xf32, #tpu.memory_space<hbm>>) dst(%dma_wait3A_240 : memref<128x64xf32, #tpu.memory_space<vmem>>)
      %add3A_247 = arith.constant 0 : i32
      %add3A_248 = arith.addi %add3A_145, %add3A_247 : i32
      %dma_start3A_249 = arith.constant 0 : i32
      %dma_start3A_250 = arith.constant 0 : i32
      %dma_start3A_251 = tpu.memref_slice %arg6[%dma_start3A_249, %dma_start3A_250] : memref<640x64xf32, #tpu.memory_space<vmem>> -> memref<200x64xf32, #tpu.memory_space<vmem>>
      %dma_start3A_252 = arith.constant 0 : i32
      %dma_start3A_253 = arith.constant 0 : i32
      %dma_start3A_254 = tpu.memref_slice %arg4[%add3A_248, %dma_start3A_252, %dma_start3A_253] : memref<4096x200x64xf32, #tpu.memory_space<hbm>> -> memref<1x200x64xf32, #tpu.memory_space<hbm>>
      %dma_start3A_255 = tpu.memref_squeeze %dma_start3A_254 : memref<1x200x64xf32, #tpu.memory_space<hbm>> -> memref<200x64xf32, #tpu.memory_space<hbm>>
      %dma_start3A_256 = arith.constant 0 : i32
      %dma_start3A_257 = arith.constant 0 : i32
      %dma_start3A_258 = tpu.memref_slice %arg4[%add3A_248, %dma_start3A_256, %dma_start3A_257] : memref<4096x200x64xf32, #tpu.memory_space<hbm>> -> memref<1x200x64xf32, #tpu.memory_space<hbm>>
      %dma_start3A_259 = tpu.memref_squeeze %dma_start3A_258 : memref<1x200x64xf32, #tpu.memory_space<hbm>> -> memref<200x64xf32, #tpu.memory_space<hbm>>
      %dma_start3A_260 = arith.constant 0 : i32
      %dma_start3A_261 = arith.constant 0 : i32
      %dma_start3A_262 = tpu.memref_slice %arg6[%dma_start3A_260, %dma_start3A_261] : memref<640x64xf32, #tpu.memory_space<vmem>> -> memref<200x64xf32, #tpu.memory_space<vmem>>
      tpu.enqueue_dma source(%dma_start3A_262 : memref<200x64xf32, #tpu.memory_space<vmem>>) target(%dma_start3A_259 : memref<200x64xf32, #tpu.memory_space<hbm>>) target_semaphore(%arg9 : memref<!tpu.dma_semaphore, #tpu.memory_space<semaphore_mem>>)
      %add3A_263 = arith.constant 1 : i32
      %add3A_264 = arith.addi %add3A_145, %add3A_263 : i32
      %dma_start3A_265 = arith.constant 200 : i32
      %dma_start3A_266 = arith.constant 0 : i32
      %dma_start3A_267 = tpu.memref_slice %arg6[%dma_start3A_265, %dma_start3A_266] : memref<640x64xf32, #tpu.memory_space<vmem>> -> memref<200x64xf32, #tpu.memory_space<vmem>>
      %dma_start3A_268 = arith.constant 0 : i32
      %dma_start3A_269 = arith.constant 0 : i32
      %dma_start3A_270 = tpu.memref_slice %arg4[%add3A_264, %dma_start3A_268, %dma_start3A_269] : memref<4096x200x64xf32, #tpu.memory_space<hbm>> -> memref<1x200x64xf32, #tpu.memory_space<hbm>>
      %dma_start3A_271 = tpu.memref_squeeze %dma_start3A_270 : memref<1x200x64xf32, #tpu.memory_space<hbm>> -> memref<200x64xf32, #tpu.memory_space<hbm>>
      %dma_start3A_272 = arith.constant 0 : i32
      %dma_start3A_273 = arith.constant 0 : i32
      %dma_start3A_274 = tpu.memref_slice %arg4[%add3A_264, %dma_start3A_272, %dma_start3A_273] : memref<4096x200x64xf32, #tpu.memory_space<hbm>> -> memref<1x200x64xf32, #tpu.memory_space<hbm>>
      %dma_start3A_275 = tpu.memref_squeeze %dma_start3A_274 : memref<1x200x64xf32, #tpu.memory_space<hbm>> -> memref<200x64xf32, #tpu.memory_space<hbm>>
      %dma_start3A_276 = arith.constant 200 : i32
      %dma_start3A_277 = arith.constant 0 : i32
      %dma_start3A_278 = tpu.memref_slice %arg6[%dma_start3A_276, %dma_start3A_277] : memref<640x64xf32, #tpu.memory_space<vmem>> -> memref<200x64xf32, #tpu.memory_space<vmem>>
      tpu.enqueue_dma source(%dma_start3A_278 : memref<200x64xf32, #tpu.memory_space<vmem>>) target(%dma_start3A_275 : memref<200x64xf32, #tpu.memory_space<hbm>>) target_semaphore(%arg9 : memref<!tpu.dma_semaphore, #tpu.memory_space<semaphore_mem>>)
      %add3A_279 = arith.constant 2 : i32
      %add3A_280 = arith.addi %add3A_145, %add3A_279 : i32
      %dma_start3A_281 = arith.constant 400 : i32
      %dma_start3A_282 = arith.constant 0 : i32
      %dma_start3A_283 = tpu.memref_slice %arg6[%dma_start3A_281, %dma_start3A_282] : memref<640x64xf32, #tpu.memory_space<vmem>> -> memref<200x64xf32, #tpu.memory_space<vmem>>
      %dma_start3A_284 = arith.constant 0 : i32
      %dma_start3A_285 = arith.constant 0 : i32
      %dma_start3A_286 = tpu.memref_slice %arg4[%add3A_280, %dma_start3A_284, %dma_start3A_285] : memref<4096x200x64xf32, #tpu.memory_space<hbm>> -> memref<1x200x64xf32, #tpu.memory_space<hbm>>
      %dma_start3A_287 = tpu.memref_squeeze %dma_start3A_286 : memref<1x200x64xf32, #tpu.memory_space<hbm>> -> memref<200x64xf32, #tpu.memory_space<hbm>>
      %dma_start3A_288 = arith.constant 0 : i32
      %dma_start3A_289 = arith.constant 0 : i32
      %dma_start3A_290 = tpu.memref_slice %arg4[%add3A_280, %dma_start3A_288, %dma_start3A_289] : memref<4096x200x64xf32, #tpu.memory_space<hbm>> -> memref<1x200x64xf32, #tpu.memory_space<hbm>>
      %dma_start3A_291 = tpu.memref_squeeze %dma_start3A_290 : memref<1x200x64xf32, #tpu.memory_space<hbm>> -> memref<200x64xf32, #tpu.memory_space<hbm>>
      %dma_start3A_292 = arith.constant 400 : i32
      %dma_start3A_293 = arith.constant 0 : i32
      %dma_start3A_294 = tpu.memref_slice %arg6[%dma_start3A_292, %dma_start3A_293] : memref<640x64xf32, #tpu.memory_space<vmem>> -> memref<200x64xf32, #tpu.memory_space<vmem>>
      tpu.enqueue_dma source(%dma_start3A_294 : memref<200x64xf32, #tpu.memory_space<vmem>>) target(%dma_start3A_291 : memref<200x64xf32, #tpu.memory_space<hbm>>) target_semaphore(%arg9 : memref<!tpu.dma_semaphore, #tpu.memory_space<semaphore_mem>>)
      %add3A_295 = arith.constant 3 : i32
      %add3A_296 = arith.addi %add3A_145, %add3A_295 : i32
      %dma_start3A_297 = arith.constant 600 : i32
      %dma_start3A_298 = arith.constant 0 : i32
      %dma_start3A_299 = tpu.memref_slice %arg6[%dma_start3A_297, %dma_start3A_298] : memref<640x64xf32, #tpu.memory_space<vmem>> -> memref<40x64xf32, #tpu.memory_space<vmem>>
      %dma_start3A_300 = arith.constant 0 : i32
      %dma_start3A_301 = arith.constant 0 : i32
      %dma_start3A_302 = tpu.memref_slice %arg4[%add3A_296, %dma_start3A_300, %dma_start3A_301] : memref<4096x200x64xf32, #tpu.memory_space<hbm>> -> memref<1x40x64xf32, #tpu.memory_space<hbm>>
      %dma_start3A_303 = tpu.memref_squeeze %dma_start3A_302 : memref<1x40x64xf32, #tpu.memory_space<hbm>> -> memref<40x64xf32, #tpu.memory_space<hbm>>
      %dma_start3A_304 = arith.constant 0 : i32
      %dma_start3A_305 = arith.constant 0 : i32
      %dma_start3A_306 = tpu.memref_slice %arg4[%add3A_296, %dma_start3A_304, %dma_start3A_305] : memref<4096x200x64xf32, #tpu.memory_space<hbm>> -> memref<1x40x64xf32, #tpu.memory_space<hbm>>
      %dma_start3A_307 = tpu.memref_squeeze %dma_start3A_306 : memref<1x40x64xf32, #tpu.memory_space<hbm>> -> memref<40x64xf32, #tpu.memory_space<hbm>>
      %dma_start3A_308 = arith.constant 600 : i32
      %dma_start3A_309 = arith.constant 0 : i32
      %dma_start3A_310 = tpu.memref_slice %arg6[%dma_start3A_308, %dma_start3A_309] : memref<640x64xf32, #tpu.memory_space<vmem>> -> memref<40x64xf32, #tpu.memory_space<vmem>>
      tpu.enqueue_dma source(%dma_start3A_310 : memref<40x64xf32, #tpu.memory_space<vmem>>) target(%dma_start3A_307 : memref<40x64xf32, #tpu.memory_space<hbm>>) target_semaphore(%arg9 : memref<!tpu.dma_semaphore, #tpu.memory_space<semaphore_mem>>)
      %ge3A_311 = arith.constant 1 : i32
      %ge3A_312 = arith.cmpi sge, %scan3A_139, %ge3A_311 : i32
      %convert_element_type3A_313 = arith.extui %ge3A_312 : i1 to i32
      %cond3A_314 = arith.constant 0 : i32
      %cond3A_315 = arith.cmpi ne, %convert_element_type3A_313, %cond3A_314 : i32
      scf.if %cond3A_315 {
        %add3A_1164 = arith.constant 3 : i32
        %add3A_1165 = arith.addi %add3A_145, %add3A_1164 : i32
        %dma_wait3A_1166 = arith.constant 0 : i32
        %dma_wait3A_1167 = arith.constant 0 : i32
        %dma_wait3A_1168 = tpu.memref_slice %arg7[%dma_wait3A_1166, %dma_wait3A_1167] : memref<640x64xf32, #tpu.memory_space<vmem>> -> memref<160x64xf32, #tpu.memory_space<vmem>>
        %dma_wait3A_1169 = arith.constant 40 : i32
        %dma_wait3A_1170 = arith.constant 0 : i32
        %dma_wait3A_1171 = tpu.memref_slice %arg4[%add3A_1165, %dma_wait3A_1169, %dma_wait3A_1170] : memref<4096x200x64xf32, #tpu.memory_space<hbm>> -> memref<1x160x64xf32, #tpu.memory_space<hbm>>
        %dma_wait3A_1172 = tpu.memref_squeeze %dma_wait3A_1171 : memref<1x160x64xf32, #tpu.memory_space<hbm>> -> memref<160x64xf32, #tpu.memory_space<hbm>>
        %dma_wait3A_1173 = arith.constant 40 : i32
        %dma_wait3A_1174 = arith.constant 0 : i32
        %dma_wait3A_1175 = tpu.memref_slice %arg4[%add3A_1165, %dma_wait3A_1173, %dma_wait3A_1174] : memref<4096x200x64xf32, #tpu.memory_space<hbm>> -> memref<1x160x64xf32, #tpu.memory_space<hbm>>
        %dma_wait3A_1176 = tpu.memref_squeeze %dma_wait3A_1175 : memref<1x160x64xf32, #tpu.memory_space<hbm>> -> memref<160x64xf32, #tpu.memory_space<hbm>>
        %dma_wait3A_1177 = arith.constant 0 : i32
        %dma_wait3A_1178 = arith.constant 0 : i32
        %dma_wait3A_1179 = tpu.memref_slice %arg7[%dma_wait3A_1177, %dma_wait3A_1178] : memref<640x64xf32, #tpu.memory_space<vmem>> -> memref<160x64xf32, #tpu.memory_space<vmem>>
        tpu.wait_dma2 semaphore(%arg10 : memref<!tpu.dma_semaphore, #tpu.memory_space<semaphore_mem>>) src(%dma_wait3A_1179 : memref<160x64xf32, #tpu.memory_space<vmem>>) dst(%dma_wait3A_1176 : memref<160x64xf32, #tpu.memory_space<hbm>>)
        %add3A_1180 = arith.constant 4 : i32
        %add3A_1181 = arith.addi %add3A_145, %add3A_1180 : i32
        %dma_wait3A_1182 = arith.constant 160 : i32
        %dma_wait3A_1183 = arith.constant 0 : i32
        %dma_wait3A_1184 = tpu.memref_slice %arg7[%dma_wait3A_1182, %dma_wait3A_1183] : memref<640x64xf32, #tpu.memory_space<vmem>> -> memref<200x64xf32, #tpu.memory_space<vmem>>
        %dma_wait3A_1185 = arith.constant 0 : i32
        %dma_wait3A_1186 = arith.constant 0 : i32
        %dma_wait3A_1187 = tpu.memref_slice %arg4[%add3A_1181, %dma_wait3A_1185, %dma_wait3A_1186] : memref<4096x200x64xf32, #tpu.memory_space<hbm>> -> memref<1x200x64xf32, #tpu.memory_space<hbm>>
        %dma_wait3A_1188 = tpu.memref_squeeze %dma_wait3A_1187 : memref<1x200x64xf32, #tpu.memory_space<hbm>> -> memref<200x64xf32, #tpu.memory_space<hbm>>
        %dma_wait3A_1189 = arith.constant 0 : i32
        %dma_wait3A_1190 = arith.constant 0 : i32
        %dma_wait3A_1191 = tpu.memref_slice %arg4[%add3A_1181, %dma_wait3A_1189, %dma_wait3A_1190] : memref<4096x200x64xf32, #tpu.memory_space<hbm>> -> memref<1x200x64xf32, #tpu.memory_space<hbm>>
        %dma_wait3A_1192 = tpu.memref_squeeze %dma_wait3A_1191 : memref<1x200x64xf32, #tpu.memory_space<hbm>> -> memref<200x64xf32, #tpu.memory_space<hbm>>
        %dma_wait3A_1193 = arith.constant 160 : i32
        %dma_wait3A_1194 = arith.constant 0 : i32
        %dma_wait3A_1195 = tpu.memref_slice %arg7[%dma_wait3A_1193, %dma_wait3A_1194] : memref<640x64xf32, #tpu.memory_space<vmem>> -> memref<200x64xf32, #tpu.memory_space<vmem>>
        tpu.wait_dma2 semaphore(%arg10 : memref<!tpu.dma_semaphore, #tpu.memory_space<semaphore_mem>>) src(%dma_wait3A_1195 : memref<200x64xf32, #tpu.memory_space<vmem>>) dst(%dma_wait3A_1192 : memref<200x64xf32, #tpu.memory_space<hbm>>)
        %add3A_1196 = arith.constant 5 : i32
        %add3A_1197 = arith.addi %add3A_145, %add3A_1196 : i32
        %dma_wait3A_1198 = arith.constant 360 : i32
        %dma_wait3A_1199 = arith.constant 0 : i32
        %dma_wait3A_1200 = tpu.memref_slice %arg7[%dma_wait3A_1198, %dma_wait3A_1199] : memref<640x64xf32, #tpu.memory_space<vmem>> -> memref<200x64xf32, #tpu.memory_space<vmem>>
        %dma_wait3A_1201 = arith.constant 0 : i32
        %dma_wait3A_1202 = arith.constant 0 : i32
        %dma_wait3A_1203 = tpu.memref_slice %arg4[%add3A_1197, %dma_wait3A_1201, %dma_wait3A_1202] : memref<4096x200x64xf32, #tpu.memory_space<hbm>> -> memref<1x200x64xf32, #tpu.memory_space<hbm>>
        %dma_wait3A_1204 = tpu.memref_squeeze %dma_wait3A_1203 : memref<1x200x64xf32, #tpu.memory_space<hbm>> -> memref<200x64xf32, #tpu.memory_space<hbm>>
        %dma_wait3A_1205 = arith.constant 0 : i32
        %dma_wait3A_1206 = arith.constant 0 : i32
        %dma_wait3A_1207 = tpu.memref_slice %arg4[%add3A_1197, %dma_wait3A_1205, %dma_wait3A_1206] : memref<4096x200x64xf32, #tpu.memory_space<hbm>> -> memref<1x200x64xf32, #tpu.memory_space<hbm>>
        %dma_wait3A_1208 = tpu.memref_squeeze %dma_wait3A_1207 : memref<1x200x64xf32, #tpu.memory_space<hbm>> -> memref<200x64xf32, #tpu.memory_space<hbm>>
        %dma_wait3A_1209 = arith.constant 360 : i32
        %dma_wait3A_1210 = arith.constant 0 : i32
        %dma_wait3A_1211 = tpu.memref_slice %arg7[%dma_wait3A_1209, %dma_wait3A_1210] : memref<640x64xf32, #tpu.memory_space<vmem>> -> memref<200x64xf32, #tpu.memory_space<vmem>>
        tpu.wait_dma2 semaphore(%arg10 : memref<!tpu.dma_semaphore, #tpu.memory_space<semaphore_mem>>) src(%dma_wait3A_1211 : memref<200x64xf32, #tpu.memory_space<vmem>>) dst(%dma_wait3A_1208 : memref<200x64xf32, #tpu.memory_space<hbm>>)
        %add3A_1212 = arith.constant 6 : i32
        %add3A_1213 = arith.addi %add3A_145, %add3A_1212 : i32
        %dma_wait3A_1214 = arith.constant 560 : i32
        %dma_wait3A_1215 = arith.constant 0 : i32
        %dma_wait3A_1216 = tpu.memref_slice %arg7[%dma_wait3A_1214, %dma_wait3A_1215] : memref<640x64xf32, #tpu.memory_space<vmem>> -> memref<80x64xf32, #tpu.memory_space<vmem>>
        %dma_wait3A_1217 = arith.constant 0 : i32
        %dma_wait3A_1218 = arith.constant 0 : i32
        %dma_wait3A_1219 = tpu.memref_slice %arg4[%add3A_1213, %dma_wait3A_1217, %dma_wait3A_1218] : memref<4096x200x64xf32, #tpu.memory_space<hbm>> -> memref<1x80x64xf32, #tpu.memory_space<hbm>>
        %dma_wait3A_1220 = tpu.memref_squeeze %dma_wait3A_1219 : memref<1x80x64xf32, #tpu.memory_space<hbm>> -> memref<80x64xf32, #tpu.memory_space<hbm>>
        %dma_wait3A_1221 = arith.constant 0 : i32
        %dma_wait3A_1222 = arith.constant 0 : i32
        %dma_wait3A_1223 = tpu.memref_slice %arg4[%add3A_1213, %dma_wait3A_1221, %dma_wait3A_1222] : memref<4096x200x64xf32, #tpu.memory_space<hbm>> -> memref<1x80x64xf32, #tpu.memory_space<hbm>>
        %dma_wait3A_1224 = tpu.memref_squeeze %dma_wait3A_1223 : memref<1x80x64xf32, #tpu.memory_space<hbm>> -> memref<80x64xf32, #tpu.memory_space<hbm>>
        %dma_wait3A_1225 = arith.constant 560 : i32
        %dma_wait3A_1226 = arith.constant 0 : i32
        %dma_wait3A_1227 = tpu.memref_slice %arg7[%dma_wait3A_1225, %dma_wait3A_1226] : memref<640x64xf32, #tpu.memory_space<vmem>> -> memref<80x64xf32, #tpu.memory_space<vmem>>
        tpu.wait_dma2 semaphore(%arg10 : memref<!tpu.dma_semaphore, #tpu.memory_space<semaphore_mem>>) src(%dma_wait3A_1227 : memref<80x64xf32, #tpu.memory_space<vmem>>) dst(%dma_wait3A_1224 : memref<80x64xf32, #tpu.memory_space<hbm>>)
      } else {
      }
      %dma_start3A_316 = arith.constant 5 : i32
      %dma_start3A_317 = arith.constant 0 : i32
      %dma_start3A_318 = arith.constant 0 : i32
      %dma_start3A_319 = tpu.memref_slice %arg7[%dma_start3A_317, %dma_start3A_318] : memref<640x64xf32, #tpu.memory_space<vmem>> -> memref<128x64xf32, #tpu.memory_space<vmem>>
      %dma_start3A_320 = arith.constant 0 : i32
      %dma_start3A_321 = tpu.memref_slice %arg5[%dma_start3A_316, %dma_start3A_320] : memref<25x128xi32, #tpu.memory_space<vmem>> -> memref<1x128xi32, #tpu.memory_space<vmem>>
      %dma_start3A_322 = tpu.memref_squeeze %dma_start3A_321 : memref<1x128xi32, #tpu.memory_space<vmem>> -> memref<128xi32, #tpu.memory_space<vmem>>
      %dma_start3A_323 = arith.constant 0 : i32
      %dma_start3A_324 = arith.constant 0 : i32
      %dma_start3A_325 = tpu.memref_slice %arg3[%dma_start3A_323, %dma_start3A_324] : memref<1000000x64xf32, #tpu.memory_space<hbm>> -> memref<1000000x64xf32, #tpu.memory_space<hbm>>
      tpu.enqueue_indirect_dma source(%dma_start3A_325 : memref<1000000x64xf32, #tpu.memory_space<hbm>>) target(%dma_start3A_319 : memref<128x64xf32, #tpu.memory_space<vmem>>) offsets(%dma_start3A_322 : memref<128xi32, #tpu.memory_space<vmem>>) semaphore(%arg8 : memref<!tpu.dma_semaphore, #tpu.memory_space<semaphore_mem>>)
      %dma_start3A_326 = arith.constant 6 : i32
      %dma_start3A_327 = arith.constant 128 : i32
      %dma_start3A_328 = arith.constant 0 : i32
      %dma_start3A_329 = tpu.memref_slice %arg7[%dma_start3A_327, %dma_start3A_328] : memref<640x64xf32, #tpu.memory_space<vmem>> -> memref<128x64xf32, #tpu.memory_space<vmem>>
      %dma_start3A_330 = arith.constant 0 : i32
      %dma_start3A_331 = tpu.memref_slice %arg5[%dma_start3A_326, %dma_start3A_330] : memref<25x128xi32, #tpu.memory_space<vmem>> -> memref<1x128xi32, #tpu.memory_space<vmem>>
      %dma_start3A_332 = tpu.memref_squeeze %dma_start3A_331 : memref<1x128xi32, #tpu.memory_space<vmem>> -> memref<128xi32, #tpu.memory_space<vmem>>
      %dma_start3A_333 = arith.constant 0 : i32
      %dma_start3A_334 = arith.constant 0 : i32
      %dma_start3A_335 = tpu.memref_slice %arg3[%dma_start3A_333, %dma_start3A_334] : memref<1000000x64xf32, #tpu.memory_space<hbm>> -> memref<1000000x64xf32, #tpu.memory_space<hbm>>
      tpu.enqueue_indirect_dma source(%dma_start3A_335 : memref<1000000x64xf32, #tpu.memory_space<hbm>>) target(%dma_start3A_329 : memref<128x64xf32, #tpu.memory_space<vmem>>) offsets(%dma_start3A_332 : memref<128xi32, #tpu.memory_space<vmem>>) semaphore(%arg8 : memref<!tpu.dma_semaphore, #tpu.memory_space<semaphore_mem>>)
      %dma_start3A_336 = arith.constant 7 : i32
      %dma_start3A_337 = arith.constant 256 : i32
      %dma_start3A_338 = arith.constant 0 : i32
      %dma_start3A_339 = tpu.memref_slice %arg7[%dma_start3A_337, %dma_start3A_338] : memref<640x64xf32, #tpu.memory_space<vmem>> -> memref<128x64xf32, #tpu.memory_space<vmem>>
      %dma_start3A_340 = arith.constant 0 : i32
      %dma_start3A_341 = tpu.memref_slice %arg5[%dma_start3A_336, %dma_start3A_340] : memref<25x128xi32, #tpu.memory_space<vmem>> -> memref<1x128xi32, #tpu.memory_space<vmem>>
      %dma_start3A_342 = tpu.memref_squeeze %dma_start3A_341 : memref<1x128xi32, #tpu.memory_space<vmem>> -> memref<128xi32, #tpu.memory_space<vmem>>
      %dma_start3A_343 = arith.constant 0 : i32
      %dma_start3A_344 = arith.constant 0 : i32
      %dma_start3A_345 = tpu.memref_slice %arg3[%dma_start3A_343, %dma_start3A_344] : memref<1000000x64xf32, #tpu.memory_space<hbm>> -> memref<1000000x64xf32, #tpu.memory_space<hbm>>
      tpu.enqueue_indirect_dma source(%dma_start3A_345 : memref<1000000x64xf32, #tpu.memory_space<hbm>>) target(%dma_start3A_339 : memref<128x64xf32, #tpu.memory_space<vmem>>) offsets(%dma_start3A_342 : memref<128xi32, #tpu.memory_space<vmem>>) semaphore(%arg8 : memref<!tpu.dma_semaphore, #tpu.memory_space<semaphore_mem>>)
      %dma_start3A_346 = arith.constant 8 : i32
      %dma_start3A_347 = arith.constant 384 : i32
      %dma_start3A_348 = arith.constant 0 : i32
      %dma_start3A_349 = tpu.memref_slice %arg7[%dma_start3A_347, %dma_start3A_348] : memref<640x64xf32, #tpu.memory_space<vmem>> -> memref<128x64xf32, #tpu.memory_space<vmem>>
      %dma_start3A_350 = arith.constant 0 : i32
      %dma_start3A_351 = tpu.memref_slice %arg5[%dma_start3A_346, %dma_start3A_350] : memref<25x128xi32, #tpu.memory_space<vmem>> -> memref<1x128xi32, #tpu.memory_space<vmem>>
      %dma_start3A_352 = tpu.memref_squeeze %dma_start3A_351 : memref<1x128xi32, #tpu.memory_space<vmem>> -> memref<128xi32, #tpu.memory_space<vmem>>
      %dma_start3A_353 = arith.constant 0 : i32
      %dma_start3A_354 = arith.constant 0 : i32
      %dma_start3A_355 = tpu.memref_slice %arg3[%dma_start3A_353, %dma_start3A_354] : memref<1000000x64xf32, #tpu.memory_space<hbm>> -> memref<1000000x64xf32, #tpu.memory_space<hbm>>
      tpu.enqueue_indirect_dma source(%dma_start3A_355 : memref<1000000x64xf32, #tpu.memory_space<hbm>>) target(%dma_start3A_349 : memref<128x64xf32, #tpu.memory_space<vmem>>) offsets(%dma_start3A_352 : memref<128xi32, #tpu.memory_space<vmem>>) semaphore(%arg8 : memref<!tpu.dma_semaphore, #tpu.memory_space<semaphore_mem>>)
      %dma_start3A_356 = arith.constant 9 : i32
      %dma_start3A_357 = arith.constant 512 : i32
      %dma_start3A_358 = arith.constant 0 : i32
      %dma_start3A_359 = tpu.memref_slice %arg7[%dma_start3A_357, %dma_start3A_358] : memref<640x64xf32, #tpu.memory_space<vmem>> -> memref<128x64xf32, #tpu.memory_space<vmem>>
      %dma_start3A_360 = arith.constant 0 : i32
      %dma_start3A_361 = tpu.memref_slice %arg5[%dma_start3A_356, %dma_start3A_360] : memref<25x128xi32, #tpu.memory_space<vmem>> -> memref<1x128xi32, #tpu.memory_space<vmem>>
      %dma_start3A_362 = tpu.memref_squeeze %dma_start3A_361 : memref<1x128xi32, #tpu.memory_space<vmem>> -> memref<128xi32, #tpu.memory_space<vmem>>
      %dma_start3A_363 = arith.constant 0 : i32
      %dma_start3A_364 = arith.constant 0 : i32
      %dma_start3A_365 = tpu.memref_slice %arg3[%dma_start3A_363, %dma_start3A_364] : memref<1000000x64xf32, #tpu.memory_space<hbm>> -> memref<1000000x64xf32, #tpu.memory_space<hbm>>
      tpu.enqueue_indirect_dma source(%dma_start3A_365 : memref<1000000x64xf32, #tpu.memory_space<hbm>>) target(%dma_start3A_359 : memref<128x64xf32, #tpu.memory_space<vmem>>) offsets(%dma_start3A_362 : memref<128xi32, #tpu.memory_space<vmem>>) semaphore(%arg8 : memref<!tpu.dma_semaphore, #tpu.memory_space<semaphore_mem>>)
      %dma_wait3A_366 = arith.constant 5 : i32
      %dma_wait3A_367 = arith.constant 0 : i32
      %dma_wait3A_368 = arith.constant 0 : i32
      %dma_wait3A_369 = tpu.memref_slice %arg7[%dma_wait3A_367, %dma_wait3A_368] : memref<640x64xf32, #tpu.memory_space<vmem>> -> memref<128x64xf32, #tpu.memory_space<vmem>>
      %dma_wait3A_370 = arith.constant 0 : i32
      %dma_wait3A_371 = tpu.memref_slice %arg5[%dma_wait3A_366, %dma_wait3A_370] : memref<25x128xi32, #tpu.memory_space<vmem>> -> memref<1x128xi32, #tpu.memory_space<vmem>>
      %dma_wait3A_372 = tpu.memref_squeeze %dma_wait3A_371 : memref<1x128xi32, #tpu.memory_space<vmem>> -> memref<128xi32, #tpu.memory_space<vmem>>
      %dma_wait3A_373 = arith.constant 0 : i32
      %dma_wait3A_374 = arith.constant 0 : i32
      %dma_wait3A_375 = tpu.memref_slice %arg3[%dma_wait3A_373, %dma_wait3A_374] : memref<1000000x64xf32, #tpu.memory_space<hbm>> -> memref<1000000x64xf32, #tpu.memory_space<hbm>>
      tpu.wait_indirect_dma semaphore(%arg8 : memref<!tpu.dma_semaphore, #tpu.memory_space<semaphore_mem>>) src(%dma_wait3A_375 : memref<1000000x64xf32, #tpu.memory_space<hbm>>) dst(%dma_wait3A_369 : memref<128x64xf32, #tpu.memory_space<vmem>>)
      %dma_wait3A_376 = arith.constant 6 : i32
      %dma_wait3A_377 = arith.constant 128 : i32
      %dma_wait3A_378 = arith.constant 0 : i32
      %dma_wait3A_379 = tpu.memref_slice %arg7[%dma_wait3A_377, %dma_wait3A_378] : memref<640x64xf32, #tpu.memory_space<vmem>> -> memref<128x64xf32, #tpu.memory_space<vmem>>
      %dma_wait3A_380 = arith.constant 0 : i32
      %dma_wait3A_381 = tpu.memref_slice %arg5[%dma_wait3A_376, %dma_wait3A_380] : memref<25x128xi32, #tpu.memory_space<vmem>> -> memref<1x128xi32, #tpu.memory_space<vmem>>
      %dma_wait3A_382 = tpu.memref_squeeze %dma_wait3A_381 : memref<1x128xi32, #tpu.memory_space<vmem>> -> memref<128xi32, #tpu.memory_space<vmem>>
      %dma_wait3A_383 = arith.constant 0 : i32
      %dma_wait3A_384 = arith.constant 0 : i32
      %dma_wait3A_385 = tpu.memref_slice %arg3[%dma_wait3A_383, %dma_wait3A_384] : memref<1000000x64xf32, #tpu.memory_space<hbm>> -> memref<1000000x64xf32, #tpu.memory_space<hbm>>
      tpu.wait_indirect_dma semaphore(%arg8 : memref<!tpu.dma_semaphore, #tpu.memory_space<semaphore_mem>>) src(%dma_wait3A_385 : memref<1000000x64xf32, #tpu.memory_space<hbm>>) dst(%dma_wait3A_379 : memref<128x64xf32, #tpu.memory_space<vmem>>)
      %dma_wait3A_386 = arith.constant 7 : i32
      %dma_wait3A_387 = arith.constant 256 : i32
      %dma_wait3A_388 = arith.constant 0 : i32
      %dma_wait3A_389 = tpu.memref_slice %arg7[%dma_wait3A_387, %dma_wait3A_388] : memref<640x64xf32, #tpu.memory_space<vmem>> -> memref<128x64xf32, #tpu.memory_space<vmem>>
      %dma_wait3A_390 = arith.constant 0 : i32
      %dma_wait3A_391 = tpu.memref_slice %arg5[%dma_wait3A_386, %dma_wait3A_390] : memref<25x128xi32, #tpu.memory_space<vmem>> -> memref<1x128xi32, #tpu.memory_space<vmem>>
      %dma_wait3A_392 = tpu.memref_squeeze %dma_wait3A_391 : memref<1x128xi32, #tpu.memory_space<vmem>> -> memref<128xi32, #tpu.memory_space<vmem>>
      %dma_wait3A_393 = arith.constant 0 : i32
      %dma_wait3A_394 = arith.constant 0 : i32
      %dma_wait3A_395 = tpu.memref_slice %arg3[%dma_wait3A_393, %dma_wait3A_394] : memref<1000000x64xf32, #tpu.memory_space<hbm>> -> memref<1000000x64xf32, #tpu.memory_space<hbm>>
      tpu.wait_indirect_dma semaphore(%arg8 : memref<!tpu.dma_semaphore, #tpu.memory_space<semaphore_mem>>) src(%dma_wait3A_395 : memref<1000000x64xf32, #tpu.memory_space<hbm>>) dst(%dma_wait3A_389 : memref<128x64xf32, #tpu.memory_space<vmem>>)
      %dma_wait3A_396 = arith.constant 8 : i32
      %dma_wait3A_397 = arith.constant 384 : i32
      %dma_wait3A_398 = arith.constant 0 : i32
      %dma_wait3A_399 = tpu.memref_slice %arg7[%dma_wait3A_397, %dma_wait3A_398] : memref<640x64xf32, #tpu.memory_space<vmem>> -> memref<128x64xf32, #tpu.memory_space<vmem>>
      %dma_wait3A_400 = arith.constant 0 : i32
      %dma_wait3A_401 = tpu.memref_slice %arg5[%dma_wait3A_396, %dma_wait3A_400] : memref<25x128xi32, #tpu.memory_space<vmem>> -> memref<1x128xi32, #tpu.memory_space<vmem>>
      %dma_wait3A_402 = tpu.memref_squeeze %dma_wait3A_401 : memref<1x128xi32, #tpu.memory_space<vmem>> -> memref<128xi32, #tpu.memory_space<vmem>>
      %dma_wait3A_403 = arith.constant 0 : i32
      %dma_wait3A_404 = arith.constant 0 : i32
      %dma_wait3A_405 = tpu.memref_slice %arg3[%dma_wait3A_403, %dma_wait3A_404] : memref<1000000x64xf32, #tpu.memory_space<hbm>> -> memref<1000000x64xf32, #tpu.memory_space<hbm>>
      tpu.wait_indirect_dma semaphore(%arg8 : memref<!tpu.dma_semaphore, #tpu.memory_space<semaphore_mem>>) src(%dma_wait3A_405 : memref<1000000x64xf32, #tpu.memory_space<hbm>>) dst(%dma_wait3A_399 : memref<128x64xf32, #tpu.memory_space<vmem>>)
      %dma_wait3A_406 = arith.constant 9 : i32
      %dma_wait3A_407 = arith.constant 512 : i32
      %dma_wait3A_408 = arith.constant 0 : i32
      %dma_wait3A_409 = tpu.memref_slice %arg7[%dma_wait3A_407, %dma_wait3A_408] : memref<640x64xf32, #tpu.memory_space<vmem>> -> memref<128x64xf32, #tpu.memory_space<vmem>>
      %dma_wait3A_410 = arith.constant 0 : i32
      %dma_wait3A_411 = tpu.memref_slice %arg5[%dma_wait3A_406, %dma_wait3A_410] : memref<25x128xi32, #tpu.memory_space<vmem>> -> memref<1x128xi32, #tpu.memory_space<vmem>>
      %dma_wait3A_412 = tpu.memref_squeeze %dma_wait3A_411 : memref<1x128xi32, #tpu.memory_space<vmem>> -> memref<128xi32, #tpu.memory_space<vmem>>
      %dma_wait3A_413 = arith.constant 0 : i32
      %dma_wait3A_414 = arith.constant 0 : i32
      %dma_wait3A_415 = tpu.memref_slice %arg3[%dma_wait3A_413, %dma_wait3A_414] : memref<1000000x64xf32, #tpu.memory_space<hbm>> -> memref<1000000x64xf32, #tpu.memory_space<hbm>>
      tpu.wait_indirect_dma semaphore(%arg8 : memref<!tpu.dma_semaphore, #tpu.memory_space<semaphore_mem>>) src(%dma_wait3A_415 : memref<1000000x64xf32, #tpu.memory_space<hbm>>) dst(%dma_wait3A_409 : memref<128x64xf32, #tpu.memory_space<vmem>>)
      %add3A_416 = arith.constant 3 : i32
      %add3A_417 = arith.addi %add3A_145, %add3A_416 : i32
      %dma_start3A_418 = arith.constant 0 : i32
      %dma_start3A_419 = arith.constant 0 : i32
      %dma_start3A_420 = tpu.memref_slice %arg7[%dma_start3A_418, %dma_start3A_419] : memref<640x64xf32, #tpu.memory_space<vmem>> -> memref<160x64xf32, #tpu.memory_space<vmem>>
      %dma_start3A_421 = arith.constant 40 : i32
      %dma_start3A_422 = arith.constant 0 : i32
      %dma_start3A_423 = tpu.memref_slice %arg4[%add3A_417, %dma_start3A_421, %dma_start3A_422] : memref<4096x200x64xf32, #tpu.memory_space<hbm>> -> memref<1x160x64xf32, #tpu.memory_space<hbm>>
      %dma_start3A_424 = tpu.memref_squeeze %dma_start3A_423 : memref<1x160x64xf32, #tpu.memory_space<hbm>> -> memref<160x64xf32, #tpu.memory_space<hbm>>
      %dma_start3A_425 = arith.constant 40 : i32
      %dma_start3A_426 = arith.constant 0 : i32
      %dma_start3A_427 = tpu.memref_slice %arg4[%add3A_417, %dma_start3A_425, %dma_start3A_426] : memref<4096x200x64xf32, #tpu.memory_space<hbm>> -> memref<1x160x64xf32, #tpu.memory_space<hbm>>
      %dma_start3A_428 = tpu.memref_squeeze %dma_start3A_427 : memref<1x160x64xf32, #tpu.memory_space<hbm>> -> memref<160x64xf32, #tpu.memory_space<hbm>>
      %dma_start3A_429 = arith.constant 0 : i32
      %dma_start3A_430 = arith.constant 0 : i32
      %dma_start3A_431 = tpu.memref_slice %arg7[%dma_start3A_429, %dma_start3A_430] : memref<640x64xf32, #tpu.memory_space<vmem>> -> memref<160x64xf32, #tpu.memory_space<vmem>>
      tpu.enqueue_dma source(%dma_start3A_431 : memref<160x64xf32, #tpu.memory_space<vmem>>) target(%dma_start3A_428 : memref<160x64xf32, #tpu.memory_space<hbm>>) target_semaphore(%arg10 : memref<!tpu.dma_semaphore, #tpu.memory_space<semaphore_mem>>)
      %add3A_432 = arith.constant 4 : i32
      %add3A_433 = arith.addi %add3A_145, %add3A_432 : i32
      %dma_start3A_434 = arith.constant 160 : i32
      %dma_start3A_435 = arith.constant 0 : i32
      %dma_start3A_436 = tpu.memref_slice %arg7[%dma_start3A_434, %dma_start3A_435] : memref<640x64xf32, #tpu.memory_space<vmem>> -> memref<200x64xf32, #tpu.memory_space<vmem>>
      %dma_start3A_437 = arith.constant 0 : i32
      %dma_start3A_438 = arith.constant 0 : i32
      %dma_start3A_439 = tpu.memref_slice %arg4[%add3A_433, %dma_start3A_437, %dma_start3A_438] : memref<4096x200x64xf32, #tpu.memory_space<hbm>> -> memref<1x200x64xf32, #tpu.memory_space<hbm>>
      %dma_start3A_440 = tpu.memref_squeeze %dma_start3A_439 : memref<1x200x64xf32, #tpu.memory_space<hbm>> -> memref<200x64xf32, #tpu.memory_space<hbm>>
      %dma_start3A_441 = arith.constant 0 : i32
      %dma_start3A_442 = arith.constant 0 : i32
      %dma_start3A_443 = tpu.memref_slice %arg4[%add3A_433, %dma_start3A_441, %dma_start3A_442] : memref<4096x200x64xf32, #tpu.memory_space<hbm>> -> memref<1x200x64xf32, #tpu.memory_space<hbm>>
      %dma_start3A_444 = tpu.memref_squeeze %dma_start3A_443 : memref<1x200x64xf32, #tpu.memory_space<hbm>> -> memref<200x64xf32, #tpu.memory_space<hbm>>
      %dma_start3A_445 = arith.constant 160 : i32
      %dma_start3A_446 = arith.constant 0 : i32
      %dma_start3A_447 = tpu.memref_slice %arg7[%dma_start3A_445, %dma_start3A_446] : memref<640x64xf32, #tpu.memory_space<vmem>> -> memref<200x64xf32, #tpu.memory_space<vmem>>
      tpu.enqueue_dma source(%dma_start3A_447 : memref<200x64xf32, #tpu.memory_space<vmem>>) target(%dma_start3A_444 : memref<200x64xf32, #tpu.memory_space<hbm>>) target_semaphore(%arg10 : memref<!tpu.dma_semaphore, #tpu.memory_space<semaphore_mem>>)
      %add3A_448 = arith.constant 5 : i32
      %add3A_449 = arith.addi %add3A_145, %add3A_448 : i32
      %dma_start3A_450 = arith.constant 360 : i32
      %dma_start3A_451 = arith.constant 0 : i32
      %dma_start3A_452 = tpu.memref_slice %arg7[%dma_start3A_450, %dma_start3A_451] : memref<640x64xf32, #tpu.memory_space<vmem>> -> memref<200x64xf32, #tpu.memory_space<vmem>>
      %dma_start3A_453 = arith.constant 0 : i32
      %dma_start3A_454 = arith.constant 0 : i32
      %dma_start3A_455 = tpu.memref_slice %arg4[%add3A_449, %dma_start3A_453, %dma_start3A_454] : memref<4096x200x64xf32, #tpu.memory_space<hbm>> -> memref<1x200x64xf32, #tpu.memory_space<hbm>>
      %dma_start3A_456 = tpu.memref_squeeze %dma_start3A_455 : memref<1x200x64xf32, #tpu.memory_space<hbm>> -> memref<200x64xf32, #tpu.memory_space<hbm>>
      %dma_start3A_457 = arith.constant 0 : i32
      %dma_start3A_458 = arith.constant 0 : i32
      %dma_start3A_459 = tpu.memref_slice %arg4[%add3A_449, %dma_start3A_457, %dma_start3A_458] : memref<4096x200x64xf32, #tpu.memory_space<hbm>> -> memref<1x200x64xf32, #tpu.memory_space<hbm>>
      %dma_start3A_460 = tpu.memref_squeeze %dma_start3A_459 : memref<1x200x64xf32, #tpu.memory_space<hbm>> -> memref<200x64xf32, #tpu.memory_space<hbm>>
      %dma_start3A_461 = arith.constant 360 : i32
      %dma_start3A_462 = arith.constant 0 : i32
      %dma_start3A_463 = tpu.memref_slice %arg7[%dma_start3A_461, %dma_start3A_462] : memref<640x64xf32, #tpu.memory_space<vmem>> -> memref<200x64xf32, #tpu.memory_space<vmem>>
      tpu.enqueue_dma source(%dma_start3A_463 : memref<200x64xf32, #tpu.memory_space<vmem>>) target(%dma_start3A_460 : memref<200x64xf32, #tpu.memory_space<hbm>>) target_semaphore(%arg10 : memref<!tpu.dma_semaphore, #tpu.memory_space<semaphore_mem>>)
      %add3A_464 = arith.constant 6 : i32
      %add3A_465 = arith.addi %add3A_145, %add3A_464 : i32
      %dma_start3A_466 = arith.constant 560 : i32
      %dma_start3A_467 = arith.constant 0 : i32
      %dma_start3A_468 = tpu.memref_slice %arg7[%dma_start3A_466, %dma_start3A_467] : memref<640x64xf32, #tpu.memory_space<vmem>> -> memref<80x64xf32, #tpu.memory_space<vmem>>
      %dma_start3A_469 = arith.constant 0 : i32
      %dma_start3A_470 = arith.constant 0 : i32
      %dma_start3A_471 = tpu.memref_slice %arg4[%add3A_465, %dma_start3A_469, %dma_start3A_470] : memref<4096x200x64xf32, #tpu.memory_space<hbm>> -> memref<1x80x64xf32, #tpu.memory_space<hbm>>
      %dma_start3A_472 = tpu.memref_squeeze %dma_start3A_471 : memref<1x80x64xf32, #tpu.memory_space<hbm>> -> memref<80x64xf32, #tpu.memory_space<hbm>>
      %dma_start3A_473 = arith.constant 0 : i32
      %dma_start3A_474 = arith.constant 0 : i32
      %dma_start3A_475 = tpu.memref_slice %arg4[%add3A_465, %dma_start3A_473, %dma_start3A_474] : memref<4096x200x64xf32, #tpu.memory_space<hbm>> -> memref<1x80x64xf32, #tpu.memory_space<hbm>>
      %dma_start3A_476 = tpu.memref_squeeze %dma_start3A_475 : memref<1x80x64xf32, #tpu.memory_space<hbm>> -> memref<80x64xf32, #tpu.memory_space<hbm>>
      %dma_start3A_477 = arith.constant 560 : i32
      %dma_start3A_478 = arith.constant 0 : i32
      %dma_start3A_479 = tpu.memref_slice %arg7[%dma_start3A_477, %dma_start3A_478] : memref<640x64xf32, #tpu.memory_space<vmem>> -> memref<80x64xf32, #tpu.memory_space<vmem>>
      tpu.enqueue_dma source(%dma_start3A_479 : memref<80x64xf32, #tpu.memory_space<vmem>>) target(%dma_start3A_476 : memref<80x64xf32, #tpu.memory_space<hbm>>) target_semaphore(%arg10 : memref<!tpu.dma_semaphore, #tpu.memory_space<semaphore_mem>>)
      %add3A_480 = arith.constant 6 : i32
      %add3A_481 = arith.addi %add3A_145, %add3A_480 : i32
      %dma_wait3A_482 = arith.constant 0 : i32
      %dma_wait3A_483 = arith.constant 0 : i32
      %dma_wait3A_484 = tpu.memref_slice %arg6[%dma_wait3A_482, %dma_wait3A_483] : memref<640x64xf32, #tpu.memory_space<vmem>> -> memref<120x64xf32, #tpu.memory_space<vmem>>
      %dma_wait3A_485 = arith.constant 80 : i32
      %dma_wait3A_486 = arith.constant 0 : i32
      %dma_wait3A_487 = tpu.memref_slice %arg4[%add3A_481, %dma_wait3A_485, %dma_wait3A_486] : memref<4096x200x64xf32, #tpu.memory_space<hbm>> -> memref<1x120x64xf32, #tpu.memory_space<hbm>>
      %dma_wait3A_488 = tpu.memref_squeeze %dma_wait3A_487 : memref<1x120x64xf32, #tpu.memory_space<hbm>> -> memref<120x64xf32, #tpu.memory_space<hbm>>
      %dma_wait3A_489 = arith.constant 80 : i32
      %dma_wait3A_490 = arith.constant 0 : i32
      %dma_wait3A_491 = tpu.memref_slice %arg4[%add3A_481, %dma_wait3A_489, %dma_wait3A_490] : memref<4096x200x64xf32, #tpu.memory_space<hbm>> -> memref<1x120x64xf32, #tpu.memory_space<hbm>>
      %dma_wait3A_492 = tpu.memref_squeeze %dma_wait3A_491 : memref<1x120x64xf32, #tpu.memory_space<hbm>> -> memref<120x64xf32, #tpu.memory_space<hbm>>
      %dma_wait3A_493 = arith.constant 0 : i32
      %dma_wait3A_494 = arith.constant 0 : i32
      %dma_wait3A_495 = tpu.memref_slice %arg6[%dma_wait3A_493, %dma_wait3A_494] : memref<640x64xf32, #tpu.memory_space<vmem>> -> memref<120x64xf32, #tpu.memory_space<vmem>>
      tpu.wait_dma2 semaphore(%arg9 : memref<!tpu.dma_semaphore, #tpu.memory_space<semaphore_mem>>) src(%dma_wait3A_495 : memref<120x64xf32, #tpu.memory_space<vmem>>) dst(%dma_wait3A_492 : memref<120x64xf32, #tpu.memory_space<hbm>>)
      %add3A_496 = arith.constant 7 : i32
      %add3A_497 = arith.addi %add3A_145, %add3A_496 : i32
      %dma_wait3A_498 = arith.constant 120 : i32
      %dma_wait3A_499 = arith.constant 0 : i32
      %dma_wait3A_500 = tpu.memref_slice %arg6[%dma_wait3A_498, %dma_wait3A_499] : memref<640x64xf32, #tpu.memory_space<vmem>> -> memref<200x64xf32, #tpu.memory_space<vmem>>
      %dma_wait3A_501 = arith.constant 0 : i32
      %dma_wait3A_502 = arith.constant 0 : i32
      %dma_wait3A_503 = tpu.memref_slice %arg4[%add3A_497, %dma_wait3A_501, %dma_wait3A_502] : memref<4096x200x64xf32, #tpu.memory_space<hbm>> -> memref<1x200x64xf32, #tpu.memory_space<hbm>>
      %dma_wait3A_504 = tpu.memref_squeeze %dma_wait3A_503 : memref<1x200x64xf32, #tpu.memory_space<hbm>> -> memref<200x64xf32, #tpu.memory_space<hbm>>
      %dma_wait3A_505 = arith.constant 0 : i32
      %dma_wait3A_506 = arith.constant 0 : i32
      %dma_wait3A_507 = tpu.memref_slice %arg4[%add3A_497, %dma_wait3A_505, %dma_wait3A_506] : memref<4096x200x64xf32, #tpu.memory_space<hbm>> -> memref<1x200x64xf32, #tpu.memory_space<hbm>>
      %dma_wait3A_508 = tpu.memref_squeeze %dma_wait3A_507 : memref<1x200x64xf32, #tpu.memory_space<hbm>> -> memref<200x64xf32, #tpu.memory_space<hbm>>
      %dma_wait3A_509 = arith.constant 120 : i32
      %dma_wait3A_510 = arith.constant 0 : i32
      %dma_wait3A_511 = tpu.memref_slice %arg6[%dma_wait3A_509, %dma_wait3A_510] : memref<640x64xf32, #tpu.memory_space<vmem>> -> memref<200x64xf32, #tpu.memory_space<vmem>>
      tpu.wait_dma2 semaphore(%arg9 : memref<!tpu.dma_semaphore, #tpu.memory_space<semaphore_mem>>) src(%dma_wait3A_511 : memref<200x64xf32, #tpu.memory_space<vmem>>) dst(%dma_wait3A_508 : memref<200x64xf32, #tpu.memory_space<hbm>>)
      %add3A_512 = arith.constant 8 : i32
      %add3A_513 = arith.addi %add3A_145, %add3A_512 : i32
      %dma_wait3A_514 = arith.constant 320 : i32
      %dma_wait3A_515 = arith.constant 0 : i32
      %dma_wait3A_516 = tpu.memref_slice %arg6[%dma_wait3A_514, %dma_wait3A_515] : memref<640x64xf32, #tpu.memory_space<vmem>> -> memref<200x64xf32, #tpu.memory_space<vmem>>
      %dma_wait3A_517 = arith.constant 0 : i32
      %dma_wait3A_518 = arith.constant 0 : i32
      %dma_wait3A_519 = tpu.memref_slice %arg4[%add3A_513, %dma_wait3A_517, %dma_wait3A_518] : memref<4096x200x64xf32, #tpu.memory_space<hbm>> -> memref<1x200x64xf32, #tpu.memory_space<hbm>>
      %dma_wait3A_520 = tpu.memref_squeeze %dma_wait3A_519 : memref<1x200x64xf32, #tpu.memory_space<hbm>> -> memref<200x64xf32, #tpu.memory_space<hbm>>
      %dma_wait3A_521 = arith.constant 0 : i32
      %dma_wait3A_522 = arith.constant 0 : i32
      %dma_wait3A_523 = tpu.memref_slice %arg4[%add3A_513, %dma_wait3A_521, %dma_wait3A_522] : memref<4096x200x64xf32, #tpu.memory_space<hbm>> -> memref<1x200x64xf32, #tpu.memory_space<hbm>>
      %dma_wait3A_524 = tpu.memref_squeeze %dma_wait3A_523 : memref<1x200x64xf32, #tpu.memory_space<hbm>> -> memref<200x64xf32, #tpu.memory_space<hbm>>
      %dma_wait3A_525 = arith.constant 320 : i32
      %dma_wait3A_526 = arith.constant 0 : i32
      %dma_wait3A_527 = tpu.memref_slice %arg6[%dma_wait3A_525, %dma_wait3A_526] : memref<640x64xf32, #tpu.memory_space<vmem>> -> memref<200x64xf32, #tpu.memory_space<vmem>>
      tpu.wait_dma2 semaphore(%arg9 : memref<!tpu.dma_semaphore, #tpu.memory_space<semaphore_mem>>) src(%dma_wait3A_527 : memref<200x64xf32, #tpu.memory_space<vmem>>) dst(%dma_wait3A_524 : memref<200x64xf32, #tpu.memory_space<hbm>>)
      %add3A_528 = arith.constant 9 : i32
      %add3A_529 = arith.addi %add3A_145, %add3A_528 : i32
      %dma_wait3A_530 = arith.constant 520 : i32
      %dma_wait3A_531 = arith.constant 0 : i32
      %dma_wait3A_532 = tpu.memref_slice %arg6[%dma_wait3A_530, %dma_wait3A_531] : memref<640x64xf32, #tpu.memory_space<vmem>> -> memref<120x64xf32, #tpu.memory_space<vmem>>
      %dma_wait3A_533 = arith.constant 0 : i32
      %dma_wait3A_534 = arith.constant 0 : i32
      %dma_wait3A_535 = tpu.memref_slice %arg4[%add3A_529, %dma_wait3A_533, %dma_wait3A_534] : memref<4096x200x64xf32, #tpu.memory_space<hbm>> -> memref<1x120x64xf32, #tpu.memory_space<hbm>>
      %dma_wait3A_536 = tpu.memref_squeeze %dma_wait3A_535 : memref<1x120x64xf32, #tpu.memory_space<hbm>> -> memref<120x64xf32, #tpu.memory_space<hbm>>
      %dma_wait3A_537 = arith.constant 0 : i32
      %dma_wait3A_538 = arith.constant 0 : i32
      %dma_wait3A_539 = tpu.memref_slice %arg4[%add3A_529, %dma_wait3A_537, %dma_wait3A_538] : memref<4096x200x64xf32, #tpu.memory_space<hbm>> -> memref<1x120x64xf32, #tpu.memory_space<hbm>>
      %dma_wait3A_540 = tpu.memref_squeeze %dma_wait3A_539 : memref<1x120x64xf32, #tpu.memory_space<hbm>> -> memref<120x64xf32, #tpu.memory_space<hbm>>
      %dma_wait3A_541 = arith.constant 520 : i32
      %dma_wait3A_542 = arith.constant 0 : i32
      %dma_wait3A_543 = tpu.memref_slice %arg6[%dma_wait3A_541, %dma_wait3A_542] : memref<640x64xf32, #tpu.memory_space<vmem>> -> memref<120x64xf32, #tpu.memory_space<vmem>>
      tpu.wait_dma2 semaphore(%arg9 : memref<!tpu.dma_semaphore, #tpu.memory_space<semaphore_mem>>) src(%dma_wait3A_543 : memref<120x64xf32, #tpu.memory_space<vmem>>) dst(%dma_wait3A_540 : memref<120x64xf32, #tpu.memory_space<hbm>>)
      %dma_start3A_544 = arith.constant 10 : i32
      %dma_start3A_545 = arith.constant 0 : i32
      %dma_start3A_546 = arith.constant 0 : i32
      %dma_start3A_547 = tpu.memref_slice %arg6[%dma_start3A_545, %dma_start3A_546] : memref<640x64xf32, #tpu.memory_space<vmem>> -> memref<128x64xf32, #tpu.memory_space<vmem>>
      %dma_start3A_548 = arith.constant 0 : i32
      %dma_start3A_549 = tpu.memref_slice %arg5[%dma_start3A_544, %dma_start3A_548] : memref<25x128xi32, #tpu.memory_space<vmem>> -> memref<1x128xi32, #tpu.memory_space<vmem>>
      %dma_start3A_550 = tpu.memref_squeeze %dma_start3A_549 : memref<1x128xi32, #tpu.memory_space<vmem>> -> memref<128xi32, #tpu.memory_space<vmem>>
      %dma_start3A_551 = arith.constant 0 : i32
      %dma_start3A_552 = arith.constant 0 : i32
      %dma_start3A_553 = tpu.memref_slice %arg3[%dma_start3A_551, %dma_start3A_552] : memref<1000000x64xf32, #tpu.memory_space<hbm>> -> memref<1000000x64xf32, #tpu.memory_space<hbm>>
      tpu.enqueue_indirect_dma source(%dma_start3A_553 : memref<1000000x64xf32, #tpu.memory_space<hbm>>) target(%dma_start3A_547 : memref<128x64xf32, #tpu.memory_space<vmem>>) offsets(%dma_start3A_550 : memref<128xi32, #tpu.memory_space<vmem>>) semaphore(%arg8 : memref<!tpu.dma_semaphore, #tpu.memory_space<semaphore_mem>>)
      %dma_start3A_554 = arith.constant 11 : i32
      %dma_start3A_555 = arith.constant 128 : i32
      %dma_start3A_556 = arith.constant 0 : i32
      %dma_start3A_557 = tpu.memref_slice %arg6[%dma_start3A_555, %dma_start3A_556] : memref<640x64xf32, #tpu.memory_space<vmem>> -> memref<128x64xf32, #tpu.memory_space<vmem>>
      %dma_start3A_558 = arith.constant 0 : i32
      %dma_start3A_559 = tpu.memref_slice %arg5[%dma_start3A_554, %dma_start3A_558] : memref<25x128xi32, #tpu.memory_space<vmem>> -> memref<1x128xi32, #tpu.memory_space<vmem>>
      %dma_start3A_560 = tpu.memref_squeeze %dma_start3A_559 : memref<1x128xi32, #tpu.memory_space<vmem>> -> memref<128xi32, #tpu.memory_space<vmem>>
      %dma_start3A_561 = arith.constant 0 : i32
      %dma_start3A_562 = arith.constant 0 : i32
      %dma_start3A_563 = tpu.memref_slice %arg3[%dma_start3A_561, %dma_start3A_562] : memref<1000000x64xf32, #tpu.memory_space<hbm>> -> memref<1000000x64xf32, #tpu.memory_space<hbm>>
      tpu.enqueue_indirect_dma source(%dma_start3A_563 : memref<1000000x64xf32, #tpu.memory_space<hbm>>) target(%dma_start3A_557 : memref<128x64xf32, #tpu.memory_space<vmem>>) offsets(%dma_start3A_560 : memref<128xi32, #tpu.memory_space<vmem>>) semaphore(%arg8 : memref<!tpu.dma_semaphore, #tpu.memory_space<semaphore_mem>>)
      %dma_start3A_564 = arith.constant 12 : i32
      %dma_start3A_565 = arith.constant 256 : i32
      %dma_start3A_566 = arith.constant 0 : i32
      %dma_start3A_567 = tpu.memref_slice %arg6[%dma_start3A_565, %dma_start3A_566] : memref<640x64xf32, #tpu.memory_space<vmem>> -> memref<128x64xf32, #tpu.memory_space<vmem>>
      %dma_start3A_568 = arith.constant 0 : i32
      %dma_start3A_569 = tpu.memref_slice %arg5[%dma_start3A_564, %dma_start3A_568] : memref<25x128xi32, #tpu.memory_space<vmem>> -> memref<1x128xi32, #tpu.memory_space<vmem>>
      %dma_start3A_570 = tpu.memref_squeeze %dma_start3A_569 : memref<1x128xi32, #tpu.memory_space<vmem>> -> memref<128xi32, #tpu.memory_space<vmem>>
      %dma_start3A_571 = arith.constant 0 : i32
      %dma_start3A_572 = arith.constant 0 : i32
      %dma_start3A_573 = tpu.memref_slice %arg3[%dma_start3A_571, %dma_start3A_572] : memref<1000000x64xf32, #tpu.memory_space<hbm>> -> memref<1000000x64xf32, #tpu.memory_space<hbm>>
      tpu.enqueue_indirect_dma source(%dma_start3A_573 : memref<1000000x64xf32, #tpu.memory_space<hbm>>) target(%dma_start3A_567 : memref<128x64xf32, #tpu.memory_space<vmem>>) offsets(%dma_start3A_570 : memref<128xi32, #tpu.memory_space<vmem>>) semaphore(%arg8 : memref<!tpu.dma_semaphore, #tpu.memory_space<semaphore_mem>>)
      %dma_start3A_574 = arith.constant 13 : i32
      %dma_start3A_575 = arith.constant 384 : i32
      %dma_start3A_576 = arith.constant 0 : i32
      %dma_start3A_577 = tpu.memref_slice %arg6[%dma_start3A_575, %dma_start3A_576] : memref<640x64xf32, #tpu.memory_space<vmem>> -> memref<128x64xf32, #tpu.memory_space<vmem>>
      %dma_start3A_578 = arith.constant 0 : i32
      %dma_start3A_579 = tpu.memref_slice %arg5[%dma_start3A_574, %dma_start3A_578] : memref<25x128xi32, #tpu.memory_space<vmem>> -> memref<1x128xi32, #tpu.memory_space<vmem>>
      %dma_start3A_580 = tpu.memref_squeeze %dma_start3A_579 : memref<1x128xi32, #tpu.memory_space<vmem>> -> memref<128xi32, #tpu.memory_space<vmem>>
      %dma_start3A_581 = arith.constant 0 : i32
      %dma_start3A_582 = arith.constant 0 : i32
      %dma_start3A_583 = tpu.memref_slice %arg3[%dma_start3A_581, %dma_start3A_582] : memref<1000000x64xf32, #tpu.memory_space<hbm>> -> memref<1000000x64xf32, #tpu.memory_space<hbm>>
      tpu.enqueue_indirect_dma source(%dma_start3A_583 : memref<1000000x64xf32, #tpu.memory_space<hbm>>) target(%dma_start3A_577 : memref<128x64xf32, #tpu.memory_space<vmem>>) offsets(%dma_start3A_580 : memref<128xi32, #tpu.memory_space<vmem>>) semaphore(%arg8 : memref<!tpu.dma_semaphore, #tpu.memory_space<semaphore_mem>>)
      %dma_start3A_584 = arith.constant 14 : i32
      %dma_start3A_585 = arith.constant 512 : i32
      %dma_start3A_586 = arith.constant 0 : i32
      %dma_start3A_587 = tpu.memref_slice %arg6[%dma_start3A_585, %dma_start3A_586] : memref<640x64xf32, #tpu.memory_space<vmem>> -> memref<128x64xf32, #tpu.memory_space<vmem>>
      %dma_start3A_588 = arith.constant 0 : i32
      %dma_start3A_589 = tpu.memref_slice %arg5[%dma_start3A_584, %dma_start3A_588] : memref<25x128xi32, #tpu.memory_space<vmem>> -> memref<1x128xi32, #tpu.memory_space<vmem>>
      %dma_start3A_590 = tpu.memref_squeeze %dma_start3A_589 : memref<1x128xi32, #tpu.memory_space<vmem>> -> memref<128xi32, #tpu.memory_space<vmem>>
      %dma_start3A_591 = arith.constant 0 : i32
      %dma_start3A_592 = arith.constant 0 : i32
      %dma_start3A_593 = tpu.memref_slice %arg3[%dma_start3A_591, %dma_start3A_592] : memref<1000000x64xf32, #tpu.memory_space<hbm>> -> memref<1000000x64xf32, #tpu.memory_space<hbm>>
      tpu.enqueue_indirect_dma source(%dma_start3A_593 : memref<1000000x64xf32, #tpu.memory_space<hbm>>) target(%dma_start3A_587 : memref<128x64xf32, #tpu.memory_space<vmem>>) offsets(%dma_start3A_590 : memref<128xi32, #tpu.memory_space<vmem>>) semaphore(%arg8 : memref<!tpu.dma_semaphore, #tpu.memory_space<semaphore_mem>>)
      %dma_wait3A_594 = arith.constant 10 : i32
      %dma_wait3A_595 = arith.constant 0 : i32
      %dma_wait3A_596 = arith.constant 0 : i32
      %dma_wait3A_597 = tpu.memref_slice %arg6[%dma_wait3A_595, %dma_wait3A_596] : memref<640x64xf32, #tpu.memory_space<vmem>> -> memref<128x64xf32, #tpu.memory_space<vmem>>
      %dma_wait3A_598 = arith.constant 0 : i32
      %dma_wait3A_599 = tpu.memref_slice %arg5[%dma_wait3A_594, %dma_wait3A_598] : memref<25x128xi32, #tpu.memory_space<vmem>> -> memref<1x128xi32, #tpu.memory_space<vmem>>
      %dma_wait3A_600 = tpu.memref_squeeze %dma_wait3A_599 : memref<1x128xi32, #tpu.memory_space<vmem>> -> memref<128xi32, #tpu.memory_space<vmem>>
      %dma_wait3A_601 = arith.constant 0 : i32
      %dma_wait3A_602 = arith.constant 0 : i32
      %dma_wait3A_603 = tpu.memref_slice %arg3[%dma_wait3A_601, %dma_wait3A_602] : memref<1000000x64xf32, #tpu.memory_space<hbm>> -> memref<1000000x64xf32, #tpu.memory_space<hbm>>
      tpu.wait_indirect_dma semaphore(%arg8 : memref<!tpu.dma_semaphore, #tpu.memory_space<semaphore_mem>>) src(%dma_wait3A_603 : memref<1000000x64xf32, #tpu.memory_space<hbm>>) dst(%dma_wait3A_597 : memref<128x64xf32, #tpu.memory_space<vmem>>)
      %dma_wait3A_604 = arith.constant 11 : i32
      %dma_wait3A_605 = arith.constant 128 : i32
      %dma_wait3A_606 = arith.constant 0 : i32
      %dma_wait3A_607 = tpu.memref_slice %arg6[%dma_wait3A_605, %dma_wait3A_606] : memref<640x64xf32, #tpu.memory_space<vmem>> -> memref<128x64xf32, #tpu.memory_space<vmem>>
      %dma_wait3A_608 = arith.constant 0 : i32
      %dma_wait3A_609 = tpu.memref_slice %arg5[%dma_wait3A_604, %dma_wait3A_608] : memref<25x128xi32, #tpu.memory_space<vmem>> -> memref<1x128xi32, #tpu.memory_space<vmem>>
      %dma_wait3A_610 = tpu.memref_squeeze %dma_wait3A_609 : memref<1x128xi32, #tpu.memory_space<vmem>> -> memref<128xi32, #tpu.memory_space<vmem>>
      %dma_wait3A_611 = arith.constant 0 : i32
      %dma_wait3A_612 = arith.constant 0 : i32
      %dma_wait3A_613 = tpu.memref_slice %arg3[%dma_wait3A_611, %dma_wait3A_612] : memref<1000000x64xf32, #tpu.memory_space<hbm>> -> memref<1000000x64xf32, #tpu.memory_space<hbm>>
      tpu.wait_indirect_dma semaphore(%arg8 : memref<!tpu.dma_semaphore, #tpu.memory_space<semaphore_mem>>) src(%dma_wait3A_613 : memref<1000000x64xf32, #tpu.memory_space<hbm>>) dst(%dma_wait3A_607 : memref<128x64xf32, #tpu.memory_space<vmem>>)
      %dma_wait3A_614 = arith.constant 12 : i32
      %dma_wait3A_615 = arith.constant 256 : i32
      %dma_wait3A_616 = arith.constant 0 : i32
      %dma_wait3A_617 = tpu.memref_slice %arg6[%dma_wait3A_615, %dma_wait3A_616] : memref<640x64xf32, #tpu.memory_space<vmem>> -> memref<128x64xf32, #tpu.memory_space<vmem>>
      %dma_wait3A_618 = arith.constant 0 : i32
      %dma_wait3A_619 = tpu.memref_slice %arg5[%dma_wait3A_614, %dma_wait3A_618] : memref<25x128xi32, #tpu.memory_space<vmem>> -> memref<1x128xi32, #tpu.memory_space<vmem>>
      %dma_wait3A_620 = tpu.memref_squeeze %dma_wait3A_619 : memref<1x128xi32, #tpu.memory_space<vmem>> -> memref<128xi32, #tpu.memory_space<vmem>>
      %dma_wait3A_621 = arith.constant 0 : i32
      %dma_wait3A_622 = arith.constant 0 : i32
      %dma_wait3A_623 = tpu.memref_slice %arg3[%dma_wait3A_621, %dma_wait3A_622] : memref<1000000x64xf32, #tpu.memory_space<hbm>> -> memref<1000000x64xf32, #tpu.memory_space<hbm>>
      tpu.wait_indirect_dma semaphore(%arg8 : memref<!tpu.dma_semaphore, #tpu.memory_space<semaphore_mem>>) src(%dma_wait3A_623 : memref<1000000x64xf32, #tpu.memory_space<hbm>>) dst(%dma_wait3A_617 : memref<128x64xf32, #tpu.memory_space<vmem>>)
      %dma_wait3A_624 = arith.constant 13 : i32
      %dma_wait3A_625 = arith.constant 384 : i32
      %dma_wait3A_626 = arith.constant 0 : i32
      %dma_wait3A_627 = tpu.memref_slice %arg6[%dma_wait3A_625, %dma_wait3A_626] : memref<640x64xf32, #tpu.memory_space<vmem>> -> memref<128x64xf32, #tpu.memory_space<vmem>>
      %dma_wait3A_628 = arith.constant 0 : i32
      %dma_wait3A_629 = tpu.memref_slice %arg5[%dma_wait3A_624, %dma_wait3A_628] : memref<25x128xi32, #tpu.memory_space<vmem>> -> memref<1x128xi32, #tpu.memory_space<vmem>>
      %dma_wait3A_630 = tpu.memref_squeeze %dma_wait3A_629 : memref<1x128xi32, #tpu.memory_space<vmem>> -> memref<128xi32, #tpu.memory_space<vmem>>
      %dma_wait3A_631 = arith.constant 0 : i32
      %dma_wait3A_632 = arith.constant 0 : i32
      %dma_wait3A_633 = tpu.memref_slice %arg3[%dma_wait3A_631, %dma_wait3A_632] : memref<1000000x64xf32, #tpu.memory_space<hbm>> -> memref<1000000x64xf32, #tpu.memory_space<hbm>>
      tpu.wait_indirect_dma semaphore(%arg8 : memref<!tpu.dma_semaphore, #tpu.memory_space<semaphore_mem>>) src(%dma_wait3A_633 : memref<1000000x64xf32, #tpu.memory_space<hbm>>) dst(%dma_wait3A_627 : memref<128x64xf32, #tpu.memory_space<vmem>>)
      %dma_wait3A_634 = arith.constant 14 : i32
      %dma_wait3A_635 = arith.constant 512 : i32
      %dma_wait3A_636 = arith.constant 0 : i32
      %dma_wait3A_637 = tpu.memref_slice %arg6[%dma_wait3A_635, %dma_wait3A_636] : memref<640x64xf32, #tpu.memory_space<vmem>> -> memref<128x64xf32, #tpu.memory_space<vmem>>
      %dma_wait3A_638 = arith.constant 0 : i32
      %dma_wait3A_639 = tpu.memref_slice %arg5[%dma_wait3A_634, %dma_wait3A_638] : memref<25x128xi32, #tpu.memory_space<vmem>> -> memref<1x128xi32, #tpu.memory_space<vmem>>
      %dma_wait3A_640 = tpu.memref_squeeze %dma_wait3A_639 : memref<1x128xi32, #tpu.memory_space<vmem>> -> memref<128xi32, #tpu.memory_space<vmem>>
      %dma_wait3A_641 = arith.constant 0 : i32
      %dma_wait3A_642 = arith.constant 0 : i32
      %dma_wait3A_643 = tpu.memref_slice %arg3[%dma_wait3A_641, %dma_wait3A_642] : memref<1000000x64xf32, #tpu.memory_space<hbm>> -> memref<1000000x64xf32, #tpu.memory_space<hbm>>
      tpu.wait_indirect_dma semaphore(%arg8 : memref<!tpu.dma_semaphore, #tpu.memory_space<semaphore_mem>>) src(%dma_wait3A_643 : memref<1000000x64xf32, #tpu.memory_space<hbm>>) dst(%dma_wait3A_637 : memref<128x64xf32, #tpu.memory_space<vmem>>)
      %add3A_644 = arith.constant 6 : i32
      %add3A_645 = arith.addi %add3A_145, %add3A_644 : i32
      %dma_start3A_646 = arith.constant 0 : i32
      %dma_start3A_647 = arith.constant 0 : i32
      %dma_start3A_648 = tpu.memref_slice %arg6[%dma_start3A_646, %dma_start3A_647] : memref<640x64xf32, #tpu.memory_space<vmem>> -> memref<120x64xf32, #tpu.memory_space<vmem>>
      %dma_start3A_649 = arith.constant 80 : i32
      %dma_start3A_650 = arith.constant 0 : i32
      %dma_start3A_651 = tpu.memref_slice %arg4[%add3A_645, %dma_start3A_649, %dma_start3A_650] : memref<4096x200x64xf32, #tpu.memory_space<hbm>> -> memref<1x120x64xf32, #tpu.memory_space<hbm>>
      %dma_start3A_652 = tpu.memref_squeeze %dma_start3A_651 : memref<1x120x64xf32, #tpu.memory_space<hbm>> -> memref<120x64xf32, #tpu.memory_space<hbm>>
      %dma_start3A_653 = arith.constant 80 : i32
      %dma_start3A_654 = arith.constant 0 : i32
      %dma_start3A_655 = tpu.memref_slice %arg4[%add3A_645, %dma_start3A_653, %dma_start3A_654] : memref<4096x200x64xf32, #tpu.memory_space<hbm>> -> memref<1x120x64xf32, #tpu.memory_space<hbm>>
      %dma_start3A_656 = tpu.memref_squeeze %dma_start3A_655 : memref<1x120x64xf32, #tpu.memory_space<hbm>> -> memref<120x64xf32, #tpu.memory_space<hbm>>
      %dma_start3A_657 = arith.constant 0 : i32
      %dma_start3A_658 = arith.constant 0 : i32
      %dma_start3A_659 = tpu.memref_slice %arg6[%dma_start3A_657, %dma_start3A_658] : memref<640x64xf32, #tpu.memory_space<vmem>> -> memref<120x64xf32, #tpu.memory_space<vmem>>
      tpu.enqueue_dma source(%dma_start3A_659 : memref<120x64xf32, #tpu.memory_space<vmem>>) target(%dma_start3A_656 : memref<120x64xf32, #tpu.memory_space<hbm>>) target_semaphore(%arg9 : memref<!tpu.dma_semaphore, #tpu.memory_space<semaphore_mem>>)
      %add3A_660 = arith.constant 7 : i32
      %add3A_661 = arith.addi %add3A_145, %add3A_660 : i32
      %dma_start3A_662 = arith.constant 120 : i32
      %dma_start3A_663 = arith.constant 0 : i32
      %dma_start3A_664 = tpu.memref_slice %arg6[%dma_start3A_662, %dma_start3A_663] : memref<640x64xf32, #tpu.memory_space<vmem>> -> memref<200x64xf32, #tpu.memory_space<vmem>>
      %dma_start3A_665 = arith.constant 0 : i32
      %dma_start3A_666 = arith.constant 0 : i32
      %dma_start3A_667 = tpu.memref_slice %arg4[%add3A_661, %dma_start3A_665, %dma_start3A_666] : memref<4096x200x64xf32, #tpu.memory_space<hbm>> -> memref<1x200x64xf32, #tpu.memory_space<hbm>>
      %dma_start3A_668 = tpu.memref_squeeze %dma_start3A_667 : memref<1x200x64xf32, #tpu.memory_space<hbm>> -> memref<200x64xf32, #tpu.memory_space<hbm>>
      %dma_start3A_669 = arith.constant 0 : i32
      %dma_start3A_670 = arith.constant 0 : i32
      %dma_start3A_671 = tpu.memref_slice %arg4[%add3A_661, %dma_start3A_669, %dma_start3A_670] : memref<4096x200x64xf32, #tpu.memory_space<hbm>> -> memref<1x200x64xf32, #tpu.memory_space<hbm>>
      %dma_start3A_672 = tpu.memref_squeeze %dma_start3A_671 : memref<1x200x64xf32, #tpu.memory_space<hbm>> -> memref<200x64xf32, #tpu.memory_space<hbm>>
      %dma_start3A_673 = arith.constant 120 : i32
      %dma_start3A_674 = arith.constant 0 : i32
      %dma_start3A_675 = tpu.memref_slice %arg6[%dma_start3A_673, %dma_start3A_674] : memref<640x64xf32, #tpu.memory_space<vmem>> -> memref<200x64xf32, #tpu.memory_space<vmem>>
      tpu.enqueue_dma source(%dma_start3A_675 : memref<200x64xf32, #tpu.memory_space<vmem>>) target(%dma_start3A_672 : memref<200x64xf32, #tpu.memory_space<hbm>>) target_semaphore(%arg9 : memref<!tpu.dma_semaphore, #tpu.memory_space<semaphore_mem>>)
      %add3A_676 = arith.constant 8 : i32
      %add3A_677 = arith.addi %add3A_145, %add3A_676 : i32
      %dma_start3A_678 = arith.constant 320 : i32
      %dma_start3A_679 = arith.constant 0 : i32
      %dma_start3A_680 = tpu.memref_slice %arg6[%dma_start3A_678, %dma_start3A_679] : memref<640x64xf32, #tpu.memory_space<vmem>> -> memref<200x64xf32, #tpu.memory_space<vmem>>
      %dma_start3A_681 = arith.constant 0 : i32
      %dma_start3A_682 = arith.constant 0 : i32
      %dma_start3A_683 = tpu.memref_slice %arg4[%add3A_677, %dma_start3A_681, %dma_start3A_682] : memref<4096x200x64xf32, #tpu.memory_space<hbm>> -> memref<1x200x64xf32, #tpu.memory_space<hbm>>
      %dma_start3A_684 = tpu.memref_squeeze %dma_start3A_683 : memref<1x200x64xf32, #tpu.memory_space<hbm>> -> memref<200x64xf32, #tpu.memory_space<hbm>>
      %dma_start3A_685 = arith.constant 0 : i32
      %dma_start3A_686 = arith.constant 0 : i32
      %dma_start3A_687 = tpu.memref_slice %arg4[%add3A_677, %dma_start3A_685, %dma_start3A_686] : memref<4096x200x64xf32, #tpu.memory_space<hbm>> -> memref<1x200x64xf32, #tpu.memory_space<hbm>>
      %dma_start3A_688 = tpu.memref_squeeze %dma_start3A_687 : memref<1x200x64xf32, #tpu.memory_space<hbm>> -> memref<200x64xf32, #tpu.memory_space<hbm>>
      %dma_start3A_689 = arith.constant 320 : i32
      %dma_start3A_690 = arith.constant 0 : i32
      %dma_start3A_691 = tpu.memref_slice %arg6[%dma_start3A_689, %dma_start3A_690] : memref<640x64xf32, #tpu.memory_space<vmem>> -> memref<200x64xf32, #tpu.memory_space<vmem>>
      tpu.enqueue_dma source(%dma_start3A_691 : memref<200x64xf32, #tpu.memory_space<vmem>>) target(%dma_start3A_688 : memref<200x64xf32, #tpu.memory_space<hbm>>) target_semaphore(%arg9 : memref<!tpu.dma_semaphore, #tpu.memory_space<semaphore_mem>>)
      %add3A_692 = arith.constant 9 : i32
      %add3A_693 = arith.addi %add3A_145, %add3A_692 : i32
      %dma_start3A_694 = arith.constant 520 : i32
      %dma_start3A_695 = arith.constant 0 : i32
      %dma_start3A_696 = tpu.memref_slice %arg6[%dma_start3A_694, %dma_start3A_695] : memref<640x64xf32, #tpu.memory_space<vmem>> -> memref<120x64xf32, #tpu.memory_space<vmem>>
      %dma_start3A_697 = arith.constant 0 : i32
      %dma_start3A_698 = arith.constant 0 : i32
      %dma_start3A_699 = tpu.memref_slice %arg4[%add3A_693, %dma_start3A_697, %dma_start3A_698] : memref<4096x200x64xf32, #tpu.memory_space<hbm>> -> memref<1x120x64xf32, #tpu.memory_space<hbm>>
      %dma_start3A_700 = tpu.memref_squeeze %dma_start3A_699 : memref<1x120x64xf32, #tpu.memory_space<hbm>> -> memref<120x64xf32, #tpu.memory_space<hbm>>
      %dma_start3A_701 = arith.constant 0 : i32
      %dma_start3A_702 = arith.constant 0 : i32
      %dma_start3A_703 = tpu.memref_slice %arg4[%add3A_693, %dma_start3A_701, %dma_start3A_702] : memref<4096x200x64xf32, #tpu.memory_space<hbm>> -> memref<1x120x64xf32, #tpu.memory_space<hbm>>
      %dma_start3A_704 = tpu.memref_squeeze %dma_start3A_703 : memref<1x120x64xf32, #tpu.memory_space<hbm>> -> memref<120x64xf32, #tpu.memory_space<hbm>>
      %dma_start3A_705 = arith.constant 520 : i32
      %dma_start3A_706 = arith.constant 0 : i32
      %dma_start3A_707 = tpu.memref_slice %arg6[%dma_start3A_705, %dma_start3A_706] : memref<640x64xf32, #tpu.memory_space<vmem>> -> memref<120x64xf32, #tpu.memory_space<vmem>>
      tpu.enqueue_dma source(%dma_start3A_707 : memref<120x64xf32, #tpu.memory_space<vmem>>) target(%dma_start3A_704 : memref<120x64xf32, #tpu.memory_space<hbm>>) target_semaphore(%arg9 : memref<!tpu.dma_semaphore, #tpu.memory_space<semaphore_mem>>)
      %add3A_708 = arith.constant 9 : i32
      %add3A_709 = arith.addi %add3A_145, %add3A_708 : i32
      %dma_wait3A_710 = arith.constant 0 : i32
      %dma_wait3A_711 = arith.constant 0 : i32
      %dma_wait3A_712 = tpu.memref_slice %arg7[%dma_wait3A_710, %dma_wait3A_711] : memref<640x64xf32, #tpu.memory_space<vmem>> -> memref<80x64xf32, #tpu.memory_space<vmem>>
      %dma_wait3A_713 = arith.constant 120 : i32
      %dma_wait3A_714 = arith.constant 0 : i32
      %dma_wait3A_715 = tpu.memref_slice %arg4[%add3A_709, %dma_wait3A_713, %dma_wait3A_714] : memref<4096x200x64xf32, #tpu.memory_space<hbm>> -> memref<1x80x64xf32, #tpu.memory_space<hbm>>
      %dma_wait3A_716 = tpu.memref_squeeze %dma_wait3A_715 : memref<1x80x64xf32, #tpu.memory_space<hbm>> -> memref<80x64xf32, #tpu.memory_space<hbm>>
      %dma_wait3A_717 = arith.constant 120 : i32
      %dma_wait3A_718 = arith.constant 0 : i32
      %dma_wait3A_719 = tpu.memref_slice %arg4[%add3A_709, %dma_wait3A_717, %dma_wait3A_718] : memref<4096x200x64xf32, #tpu.memory_space<hbm>> -> memref<1x80x64xf32, #tpu.memory_space<hbm>>
      %dma_wait3A_720 = tpu.memref_squeeze %dma_wait3A_719 : memref<1x80x64xf32, #tpu.memory_space<hbm>> -> memref<80x64xf32, #tpu.memory_space<hbm>>
      %dma_wait3A_721 = arith.constant 0 : i32
      %dma_wait3A_722 = arith.constant 0 : i32
      %dma_wait3A_723 = tpu.memref_slice %arg7[%dma_wait3A_721, %dma_wait3A_722] : memref<640x64xf32, #tpu.memory_space<vmem>> -> memref<80x64xf32, #tpu.memory_space<vmem>>
      tpu.wait_dma2 semaphore(%arg10 : memref<!tpu.dma_semaphore, #tpu.memory_space<semaphore_mem>>) src(%dma_wait3A_723 : memref<80x64xf32, #tpu.memory_space<vmem>>) dst(%dma_wait3A_720 : memref<80x64xf32, #tpu.memory_space<hbm>>)
      %add3A_724 = arith.constant 10 : i32
      %add3A_725 = arith.addi %add3A_145, %add3A_724 : i32
      %dma_wait3A_726 = arith.constant 80 : i32
      %dma_wait3A_727 = arith.constant 0 : i32
      %dma_wait3A_728 = tpu.memref_slice %arg7[%dma_wait3A_726, %dma_wait3A_727] : memref<640x64xf32, #tpu.memory_space<vmem>> -> memref<200x64xf32, #tpu.memory_space<vmem>>
      %dma_wait3A_729 = arith.constant 0 : i32
      %dma_wait3A_730 = arith.constant 0 : i32
      %dma_wait3A_731 = tpu.memref_slice %arg4[%add3A_725, %dma_wait3A_729, %dma_wait3A_730] : memref<4096x200x64xf32, #tpu.memory_space<hbm>> -> memref<1x200x64xf32, #tpu.memory_space<hbm>>
      %dma_wait3A_732 = tpu.memref_squeeze %dma_wait3A_731 : memref<1x200x64xf32, #tpu.memory_space<hbm>> -> memref<200x64xf32, #tpu.memory_space<hbm>>
      %dma_wait3A_733 = arith.constant 0 : i32
      %dma_wait3A_734 = arith.constant 0 : i32
      %dma_wait3A_735 = tpu.memref_slice %arg4[%add3A_725, %dma_wait3A_733, %dma_wait3A_734] : memref<4096x200x64xf32, #tpu.memory_space<hbm>> -> memref<1x200x64xf32, #tpu.memory_space<hbm>>
      %dma_wait3A_736 = tpu.memref_squeeze %dma_wait3A_735 : memref<1x200x64xf32, #tpu.memory_space<hbm>> -> memref<200x64xf32, #tpu.memory_space<hbm>>
      %dma_wait3A_737 = arith.constant 80 : i32
      %dma_wait3A_738 = arith.constant 0 : i32
      %dma_wait3A_739 = tpu.memref_slice %arg7[%dma_wait3A_737, %dma_wait3A_738] : memref<640x64xf32, #tpu.memory_space<vmem>> -> memref<200x64xf32, #tpu.memory_space<vmem>>
      tpu.wait_dma2 semaphore(%arg10 : memref<!tpu.dma_semaphore, #tpu.memory_space<semaphore_mem>>) src(%dma_wait3A_739 : memref<200x64xf32, #tpu.memory_space<vmem>>) dst(%dma_wait3A_736 : memref<200x64xf32, #tpu.memory_space<hbm>>)
      %add3A_740 = arith.constant 11 : i32
      %add3A_741 = arith.addi %add3A_145, %add3A_740 : i32
      %dma_wait3A_742 = arith.constant 280 : i32
      %dma_wait3A_743 = arith.constant 0 : i32
      %dma_wait3A_744 = tpu.memref_slice %arg7[%dma_wait3A_742, %dma_wait3A_743] : memref<640x64xf32, #tpu.memory_space<vmem>> -> memref<200x64xf32, #tpu.memory_space<vmem>>
      %dma_wait3A_745 = arith.constant 0 : i32
      %dma_wait3A_746 = arith.constant 0 : i32
      %dma_wait3A_747 = tpu.memref_slice %arg4[%add3A_741, %dma_wait3A_745, %dma_wait3A_746] : memref<4096x200x64xf32, #tpu.memory_space<hbm>> -> memref<1x200x64xf32, #tpu.memory_space<hbm>>
      %dma_wait3A_748 = tpu.memref_squeeze %dma_wait3A_747 : memref<1x200x64xf32, #tpu.memory_space<hbm>> -> memref<200x64xf32, #tpu.memory_space<hbm>>
      %dma_wait3A_749 = arith.constant 0 : i32
      %dma_wait3A_750 = arith.constant 0 : i32
      %dma_wait3A_751 = tpu.memref_slice %arg4[%add3A_741, %dma_wait3A_749, %dma_wait3A_750] : memref<4096x200x64xf32, #tpu.memory_space<hbm>> -> memref<1x200x64xf32, #tpu.memory_space<hbm>>
      %dma_wait3A_752 = tpu.memref_squeeze %dma_wait3A_751 : memref<1x200x64xf32, #tpu.memory_space<hbm>> -> memref<200x64xf32, #tpu.memory_space<hbm>>
      %dma_wait3A_753 = arith.constant 280 : i32
      %dma_wait3A_754 = arith.constant 0 : i32
      %dma_wait3A_755 = tpu.memref_slice %arg7[%dma_wait3A_753, %dma_wait3A_754] : memref<640x64xf32, #tpu.memory_space<vmem>> -> memref<200x64xf32, #tpu.memory_space<vmem>>
      tpu.wait_dma2 semaphore(%arg10 : memref<!tpu.dma_semaphore, #tpu.memory_space<semaphore_mem>>) src(%dma_wait3A_755 : memref<200x64xf32, #tpu.memory_space<vmem>>) dst(%dma_wait3A_752 : memref<200x64xf32, #tpu.memory_space<hbm>>)
      %add3A_756 = arith.constant 12 : i32
      %add3A_757 = arith.addi %add3A_145, %add3A_756 : i32
      %dma_wait3A_758 = arith.constant 480 : i32
      %dma_wait3A_759 = arith.constant 0 : i32
      %dma_wait3A_760 = tpu.memref_slice %arg7[%dma_wait3A_758, %dma_wait3A_759] : memref<640x64xf32, #tpu.memory_space<vmem>> -> memref<160x64xf32, #tpu.memory_space<vmem>>
      %dma_wait3A_761 = arith.constant 0 : i32
      %dma_wait3A_762 = arith.constant 0 : i32
      %dma_wait3A_763 = tpu.memref_slice %arg4[%add3A_757, %dma_wait3A_761, %dma_wait3A_762] : memref<4096x200x64xf32, #tpu.memory_space<hbm>> -> memref<1x160x64xf32, #tpu.memory_space<hbm>>
      %dma_wait3A_764 = tpu.memref_squeeze %dma_wait3A_763 : memref<1x160x64xf32, #tpu.memory_space<hbm>> -> memref<160x64xf32, #tpu.memory_space<hbm>>
      %dma_wait3A_765 = arith.constant 0 : i32
      %dma_wait3A_766 = arith.constant 0 : i32
      %dma_wait3A_767 = tpu.memref_slice %arg4[%add3A_757, %dma_wait3A_765, %dma_wait3A_766] : memref<4096x200x64xf32, #tpu.memory_space<hbm>> -> memref<1x160x64xf32, #tpu.memory_space<hbm>>
      %dma_wait3A_768 = tpu.memref_squeeze %dma_wait3A_767 : memref<1x160x64xf32, #tpu.memory_space<hbm>> -> memref<160x64xf32, #tpu.memory_space<hbm>>
      %dma_wait3A_769 = arith.constant 480 : i32
      %dma_wait3A_770 = arith.constant 0 : i32
      %dma_wait3A_771 = tpu.memref_slice %arg7[%dma_wait3A_769, %dma_wait3A_770] : memref<640x64xf32, #tpu.memory_space<vmem>> -> memref<160x64xf32, #tpu.memory_space<vmem>>
      tpu.wait_dma2 semaphore(%arg10 : memref<!tpu.dma_semaphore, #tpu.memory_space<semaphore_mem>>) src(%dma_wait3A_771 : memref<160x64xf32, #tpu.memory_space<vmem>>) dst(%dma_wait3A_768 : memref<160x64xf32, #tpu.memory_space<hbm>>)
      %dma_start3A_772 = arith.constant 15 : i32
      %dma_start3A_773 = arith.constant 0 : i32
      %dma_start3A_774 = arith.constant 0 : i32
      %dma_start3A_775 = tpu.memref_slice %arg7[%dma_start3A_773, %dma_start3A_774] : memref<640x64xf32, #tpu.memory_space<vmem>> -> memref<128x64xf32, #tpu.memory_space<vmem>>
      %dma_start3A_776 = arith.constant 0 : i32
      %dma_start3A_777 = tpu.memref_slice %arg5[%dma_start3A_772, %dma_start3A_776] : memref<25x128xi32, #tpu.memory_space<vmem>> -> memref<1x128xi32, #tpu.memory_space<vmem>>
      %dma_start3A_778 = tpu.memref_squeeze %dma_start3A_777 : memref<1x128xi32, #tpu.memory_space<vmem>> -> memref<128xi32, #tpu.memory_space<vmem>>
      %dma_start3A_779 = arith.constant 0 : i32
      %dma_start3A_780 = arith.constant 0 : i32
      %dma_start3A_781 = tpu.memref_slice %arg3[%dma_start3A_779, %dma_start3A_780] : memref<1000000x64xf32, #tpu.memory_space<hbm>> -> memref<1000000x64xf32, #tpu.memory_space<hbm>>
      tpu.enqueue_indirect_dma source(%dma_start3A_781 : memref<1000000x64xf32, #tpu.memory_space<hbm>>) target(%dma_start3A_775 : memref<128x64xf32, #tpu.memory_space<vmem>>) offsets(%dma_start3A_778 : memref<128xi32, #tpu.memory_space<vmem>>) semaphore(%arg8 : memref<!tpu.dma_semaphore, #tpu.memory_space<semaphore_mem>>)
      %dma_start3A_782 = arith.constant 16 : i32
      %dma_start3A_783 = arith.constant 128 : i32
      %dma_start3A_784 = arith.constant 0 : i32
      %dma_start3A_785 = tpu.memref_slice %arg7[%dma_start3A_783, %dma_start3A_784] : memref<640x64xf32, #tpu.memory_space<vmem>> -> memref<128x64xf32, #tpu.memory_space<vmem>>
      %dma_start3A_786 = arith.constant 0 : i32
      %dma_start3A_787 = tpu.memref_slice %arg5[%dma_start3A_782, %dma_start3A_786] : memref<25x128xi32, #tpu.memory_space<vmem>> -> memref<1x128xi32, #tpu.memory_space<vmem>>
      %dma_start3A_788 = tpu.memref_squeeze %dma_start3A_787 : memref<1x128xi32, #tpu.memory_space<vmem>> -> memref<128xi32, #tpu.memory_space<vmem>>
      %dma_start3A_789 = arith.constant 0 : i32
      %dma_start3A_790 = arith.constant 0 : i32
      %dma_start3A_791 = tpu.memref_slice %arg3[%dma_start3A_789, %dma_start3A_790] : memref<1000000x64xf32, #tpu.memory_space<hbm>> -> memref<1000000x64xf32, #tpu.memory_space<hbm>>
      tpu.enqueue_indirect_dma source(%dma_start3A_791 : memref<1000000x64xf32, #tpu.memory_space<hbm>>) target(%dma_start3A_785 : memref<128x64xf32, #tpu.memory_space<vmem>>) offsets(%dma_start3A_788 : memref<128xi32, #tpu.memory_space<vmem>>) semaphore(%arg8 : memref<!tpu.dma_semaphore, #tpu.memory_space<semaphore_mem>>)
      %dma_start3A_792 = arith.constant 17 : i32
      %dma_start3A_793 = arith.constant 256 : i32
      %dma_start3A_794 = arith.constant 0 : i32
      %dma_start3A_795 = tpu.memref_slice %arg7[%dma_start3A_793, %dma_start3A_794] : memref<640x64xf32, #tpu.memory_space<vmem>> -> memref<128x64xf32, #tpu.memory_space<vmem>>
      %dma_start3A_796 = arith.constant 0 : i32
      %dma_start3A_797 = tpu.memref_slice %arg5[%dma_start3A_792, %dma_start3A_796] : memref<25x128xi32, #tpu.memory_space<vmem>> -> memref<1x128xi32, #tpu.memory_space<vmem>>
      %dma_start3A_798 = tpu.memref_squeeze %dma_start3A_797 : memref<1x128xi32, #tpu.memory_space<vmem>> -> memref<128xi32, #tpu.memory_space<vmem>>
      %dma_start3A_799 = arith.constant 0 : i32
      %dma_start3A_800 = arith.constant 0 : i32
      %dma_start3A_801 = tpu.memref_slice %arg3[%dma_start3A_799, %dma_start3A_800] : memref<1000000x64xf32, #tpu.memory_space<hbm>> -> memref<1000000x64xf32, #tpu.memory_space<hbm>>
      tpu.enqueue_indirect_dma source(%dma_start3A_801 : memref<1000000x64xf32, #tpu.memory_space<hbm>>) target(%dma_start3A_795 : memref<128x64xf32, #tpu.memory_space<vmem>>) offsets(%dma_start3A_798 : memref<128xi32, #tpu.memory_space<vmem>>) semaphore(%arg8 : memref<!tpu.dma_semaphore, #tpu.memory_space<semaphore_mem>>)
      %dma_start3A_802 = arith.constant 18 : i32
      %dma_start3A_803 = arith.constant 384 : i32
      %dma_start3A_804 = arith.constant 0 : i32
      %dma_start3A_805 = tpu.memref_slice %arg7[%dma_start3A_803, %dma_start3A_804] : memref<640x64xf32, #tpu.memory_space<vmem>> -> memref<128x64xf32, #tpu.memory_space<vmem>>
      %dma_start3A_806 = arith.constant 0 : i32
      %dma_start3A_807 = tpu.memref_slice %arg5[%dma_start3A_802, %dma_start3A_806] : memref<25x128xi32, #tpu.memory_space<vmem>> -> memref<1x128xi32, #tpu.memory_space<vmem>>
      %dma_start3A_808 = tpu.memref_squeeze %dma_start3A_807 : memref<1x128xi32, #tpu.memory_space<vmem>> -> memref<128xi32, #tpu.memory_space<vmem>>
      %dma_start3A_809 = arith.constant 0 : i32
      %dma_start3A_810 = arith.constant 0 : i32
      %dma_start3A_811 = tpu.memref_slice %arg3[%dma_start3A_809, %dma_start3A_810] : memref<1000000x64xf32, #tpu.memory_space<hbm>> -> memref<1000000x64xf32, #tpu.memory_space<hbm>>
      tpu.enqueue_indirect_dma source(%dma_start3A_811 : memref<1000000x64xf32, #tpu.memory_space<hbm>>) target(%dma_start3A_805 : memref<128x64xf32, #tpu.memory_space<vmem>>) offsets(%dma_start3A_808 : memref<128xi32, #tpu.memory_space<vmem>>) semaphore(%arg8 : memref<!tpu.dma_semaphore, #tpu.memory_space<semaphore_mem>>)
      %dma_start3A_812 = arith.constant 19 : i32
      %dma_start3A_813 = arith.constant 512 : i32
      %dma_start3A_814 = arith.constant 0 : i32
      %dma_start3A_815 = tpu.memref_slice %arg7[%dma_start3A_813, %dma_start3A_814] : memref<640x64xf32, #tpu.memory_space<vmem>> -> memref<128x64xf32, #tpu.memory_space<vmem>>
      %dma_start3A_816 = arith.constant 0 : i32
      %dma_start3A_817 = tpu.memref_slice %arg5[%dma_start3A_812, %dma_start3A_816] : memref<25x128xi32, #tpu.memory_space<vmem>> -> memref<1x128xi32, #tpu.memory_space<vmem>>
      %dma_start3A_818 = tpu.memref_squeeze %dma_start3A_817 : memref<1x128xi32, #tpu.memory_space<vmem>> -> memref<128xi32, #tpu.memory_space<vmem>>
      %dma_start3A_819 = arith.constant 0 : i32
      %dma_start3A_820 = arith.constant 0 : i32
      %dma_start3A_821 = tpu.memref_slice %arg3[%dma_start3A_819, %dma_start3A_820] : memref<1000000x64xf32, #tpu.memory_space<hbm>> -> memref<1000000x64xf32, #tpu.memory_space<hbm>>
      tpu.enqueue_indirect_dma source(%dma_start3A_821 : memref<1000000x64xf32, #tpu.memory_space<hbm>>) target(%dma_start3A_815 : memref<128x64xf32, #tpu.memory_space<vmem>>) offsets(%dma_start3A_818 : memref<128xi32, #tpu.memory_space<vmem>>) semaphore(%arg8 : memref<!tpu.dma_semaphore, #tpu.memory_space<semaphore_mem>>)
      %dma_wait3A_822 = arith.constant 15 : i32
      %dma_wait3A_823 = arith.constant 0 : i32
      %dma_wait3A_824 = arith.constant 0 : i32
      %dma_wait3A_825 = tpu.memref_slice %arg7[%dma_wait3A_823, %dma_wait3A_824] : memref<640x64xf32, #tpu.memory_space<vmem>> -> memref<128x64xf32, #tpu.memory_space<vmem>>
      %dma_wait3A_826 = arith.constant 0 : i32
      %dma_wait3A_827 = tpu.memref_slice %arg5[%dma_wait3A_822, %dma_wait3A_826] : memref<25x128xi32, #tpu.memory_space<vmem>> -> memref<1x128xi32, #tpu.memory_space<vmem>>
      %dma_wait3A_828 = tpu.memref_squeeze %dma_wait3A_827 : memref<1x128xi32, #tpu.memory_space<vmem>> -> memref<128xi32, #tpu.memory_space<vmem>>
      %dma_wait3A_829 = arith.constant 0 : i32
      %dma_wait3A_830 = arith.constant 0 : i32
      %dma_wait3A_831 = tpu.memref_slice %arg3[%dma_wait3A_829, %dma_wait3A_830] : memref<1000000x64xf32, #tpu.memory_space<hbm>> -> memref<1000000x64xf32, #tpu.memory_space<hbm>>
      tpu.wait_indirect_dma semaphore(%arg8 : memref<!tpu.dma_semaphore, #tpu.memory_space<semaphore_mem>>) src(%dma_wait3A_831 : memref<1000000x64xf32, #tpu.memory_space<hbm>>) dst(%dma_wait3A_825 : memref<128x64xf32, #tpu.memory_space<vmem>>)
      %dma_wait3A_832 = arith.constant 16 : i32
      %dma_wait3A_833 = arith.constant 128 : i32
      %dma_wait3A_834 = arith.constant 0 : i32
      %dma_wait3A_835 = tpu.memref_slice %arg7[%dma_wait3A_833, %dma_wait3A_834] : memref<640x64xf32, #tpu.memory_space<vmem>> -> memref<128x64xf32, #tpu.memory_space<vmem>>
      %dma_wait3A_836 = arith.constant 0 : i32
      %dma_wait3A_837 = tpu.memref_slice %arg5[%dma_wait3A_832, %dma_wait3A_836] : memref<25x128xi32, #tpu.memory_space<vmem>> -> memref<1x128xi32, #tpu.memory_space<vmem>>
      %dma_wait3A_838 = tpu.memref_squeeze %dma_wait3A_837 : memref<1x128xi32, #tpu.memory_space<vmem>> -> memref<128xi32, #tpu.memory_space<vmem>>
      %dma_wait3A_839 = arith.constant 0 : i32
      %dma_wait3A_840 = arith.constant 0 : i32
      %dma_wait3A_841 = tpu.memref_slice %arg3[%dma_wait3A_839, %dma_wait3A_840] : memref<1000000x64xf32, #tpu.memory_space<hbm>> -> memref<1000000x64xf32, #tpu.memory_space<hbm>>
      tpu.wait_indirect_dma semaphore(%arg8 : memref<!tpu.dma_semaphore, #tpu.memory_space<semaphore_mem>>) src(%dma_wait3A_841 : memref<1000000x64xf32, #tpu.memory_space<hbm>>) dst(%dma_wait3A_835 : memref<128x64xf32, #tpu.memory_space<vmem>>)
      %dma_wait3A_842 = arith.constant 17 : i32
      %dma_wait3A_843 = arith.constant 256 : i32
      %dma_wait3A_844 = arith.constant 0 : i32
      %dma_wait3A_845 = tpu.memref_slice %arg7[%dma_wait3A_843, %dma_wait3A_844] : memref<640x64xf32, #tpu.memory_space<vmem>> -> memref<128x64xf32, #tpu.memory_space<vmem>>
      %dma_wait3A_846 = arith.constant 0 : i32
      %dma_wait3A_847 = tpu.memref_slice %arg5[%dma_wait3A_842, %dma_wait3A_846] : memref<25x128xi32, #tpu.memory_space<vmem>> -> memref<1x128xi32, #tpu.memory_space<vmem>>
      %dma_wait3A_848 = tpu.memref_squeeze %dma_wait3A_847 : memref<1x128xi32, #tpu.memory_space<vmem>> -> memref<128xi32, #tpu.memory_space<vmem>>
      %dma_wait3A_849 = arith.constant 0 : i32
      %dma_wait3A_850 = arith.constant 0 : i32
      %dma_wait3A_851 = tpu.memref_slice %arg3[%dma_wait3A_849, %dma_wait3A_850] : memref<1000000x64xf32, #tpu.memory_space<hbm>> -> memref<1000000x64xf32, #tpu.memory_space<hbm>>
      tpu.wait_indirect_dma semaphore(%arg8 : memref<!tpu.dma_semaphore, #tpu.memory_space<semaphore_mem>>) src(%dma_wait3A_851 : memref<1000000x64xf32, #tpu.memory_space<hbm>>) dst(%dma_wait3A_845 : memref<128x64xf32, #tpu.memory_space<vmem>>)
      %dma_wait3A_852 = arith.constant 18 : i32
      %dma_wait3A_853 = arith.constant 384 : i32
      %dma_wait3A_854 = arith.constant 0 : i32
      %dma_wait3A_855 = tpu.memref_slice %arg7[%dma_wait3A_853, %dma_wait3A_854] : memref<640x64xf32, #tpu.memory_space<vmem>> -> memref<128x64xf32, #tpu.memory_space<vmem>>
      %dma_wait3A_856 = arith.constant 0 : i32
      %dma_wait3A_857 = tpu.memref_slice %arg5[%dma_wait3A_852, %dma_wait3A_856] : memref<25x128xi32, #tpu.memory_space<vmem>> -> memref<1x128xi32, #tpu.memory_space<vmem>>
      %dma_wait3A_858 = tpu.memref_squeeze %dma_wait3A_857 : memref<1x128xi32, #tpu.memory_space<vmem>> -> memref<128xi32, #tpu.memory_space<vmem>>
      %dma_wait3A_859 = arith.constant 0 : i32
      %dma_wait3A_860 = arith.constant 0 : i32
      %dma_wait3A_861 = tpu.memref_slice %arg3[%dma_wait3A_859, %dma_wait3A_860] : memref<1000000x64xf32, #tpu.memory_space<hbm>> -> memref<1000000x64xf32, #tpu.memory_space<hbm>>
      tpu.wait_indirect_dma semaphore(%arg8 : memref<!tpu.dma_semaphore, #tpu.memory_space<semaphore_mem>>) src(%dma_wait3A_861 : memref<1000000x64xf32, #tpu.memory_space<hbm>>) dst(%dma_wait3A_855 : memref<128x64xf32, #tpu.memory_space<vmem>>)
      %dma_wait3A_862 = arith.constant 19 : i32
      %dma_wait3A_863 = arith.constant 512 : i32
      %dma_wait3A_864 = arith.constant 0 : i32
      %dma_wait3A_865 = tpu.memref_slice %arg7[%dma_wait3A_863, %dma_wait3A_864] : memref<640x64xf32, #tpu.memory_space<vmem>> -> memref<128x64xf32, #tpu.memory_space<vmem>>
      %dma_wait3A_866 = arith.constant 0 : i32
      %dma_wait3A_867 = tpu.memref_slice %arg5[%dma_wait3A_862, %dma_wait3A_866] : memref<25x128xi32, #tpu.memory_space<vmem>> -> memref<1x128xi32, #tpu.memory_space<vmem>>
      %dma_wait3A_868 = tpu.memref_squeeze %dma_wait3A_867 : memref<1x128xi32, #tpu.memory_space<vmem>> -> memref<128xi32, #tpu.memory_space<vmem>>
      %dma_wait3A_869 = arith.constant 0 : i32
      %dma_wait3A_870 = arith.constant 0 : i32
      %dma_wait3A_871 = tpu.memref_slice %arg3[%dma_wait3A_869, %dma_wait3A_870] : memref<1000000x64xf32, #tpu.memory_space<hbm>> -> memref<1000000x64xf32, #tpu.memory_space<hbm>>
      tpu.wait_indirect_dma semaphore(%arg8 : memref<!tpu.dma_semaphore, #tpu.memory_space<semaphore_mem>>) src(%dma_wait3A_871 : memref<1000000x64xf32, #tpu.memory_space<hbm>>) dst(%dma_wait3A_865 : memref<128x64xf32, #tpu.memory_space<vmem>>)
      %add3A_872 = arith.constant 9 : i32
      %add3A_873 = arith.addi %add3A_145, %add3A_872 : i32
      %dma_start3A_874 = arith.constant 0 : i32
      %dma_start3A_875 = arith.constant 0 : i32
      %dma_start3A_876 = tpu.memref_slice %arg7[%dma_start3A_874, %dma_start3A_875] : memref<640x64xf32, #tpu.memory_space<vmem>> -> memref<80x64xf32, #tpu.memory_space<vmem>>
      %dma_start3A_877 = arith.constant 120 : i32
      %dma_start3A_878 = arith.constant 0 : i32
      %dma_start3A_879 = tpu.memref_slice %arg4[%add3A_873, %dma_start3A_877, %dma_start3A_878] : memref<4096x200x64xf32, #tpu.memory_space<hbm>> -> memref<1x80x64xf32, #tpu.memory_space<hbm>>
      %dma_start3A_880 = tpu.memref_squeeze %dma_start3A_879 : memref<1x80x64xf32, #tpu.memory_space<hbm>> -> memref<80x64xf32, #tpu.memory_space<hbm>>
      %dma_start3A_881 = arith.constant 120 : i32
      %dma_start3A_882 = arith.constant 0 : i32
      %dma_start3A_883 = tpu.memref_slice %arg4[%add3A_873, %dma_start3A_881, %dma_start3A_882] : memref<4096x200x64xf32, #tpu.memory_space<hbm>> -> memref<1x80x64xf32, #tpu.memory_space<hbm>>
      %dma_start3A_884 = tpu.memref_squeeze %dma_start3A_883 : memref<1x80x64xf32, #tpu.memory_space<hbm>> -> memref<80x64xf32, #tpu.memory_space<hbm>>
      %dma_start3A_885 = arith.constant 0 : i32
      %dma_start3A_886 = arith.constant 0 : i32
      %dma_start3A_887 = tpu.memref_slice %arg7[%dma_start3A_885, %dma_start3A_886] : memref<640x64xf32, #tpu.memory_space<vmem>> -> memref<80x64xf32, #tpu.memory_space<vmem>>
      tpu.enqueue_dma source(%dma_start3A_887 : memref<80x64xf32, #tpu.memory_space<vmem>>) target(%dma_start3A_884 : memref<80x64xf32, #tpu.memory_space<hbm>>) target_semaphore(%arg10 : memref<!tpu.dma_semaphore, #tpu.memory_space<semaphore_mem>>)
      %add3A_888 = arith.constant 10 : i32
      %add3A_889 = arith.addi %add3A_145, %add3A_888 : i32
      %dma_start3A_890 = arith.constant 80 : i32
      %dma_start3A_891 = arith.constant 0 : i32
      %dma_start3A_892 = tpu.memref_slice %arg7[%dma_start3A_890, %dma_start3A_891] : memref<640x64xf32, #tpu.memory_space<vmem>> -> memref<200x64xf32, #tpu.memory_space<vmem>>
      %dma_start3A_893 = arith.constant 0 : i32
      %dma_start3A_894 = arith.constant 0 : i32
      %dma_start3A_895 = tpu.memref_slice %arg4[%add3A_889, %dma_start3A_893, %dma_start3A_894] : memref<4096x200x64xf32, #tpu.memory_space<hbm>> -> memref<1x200x64xf32, #tpu.memory_space<hbm>>
      %dma_start3A_896 = tpu.memref_squeeze %dma_start3A_895 : memref<1x200x64xf32, #tpu.memory_space<hbm>> -> memref<200x64xf32, #tpu.memory_space<hbm>>
      %dma_start3A_897 = arith.constant 0 : i32
      %dma_start3A_898 = arith.constant 0 : i32
      %dma_start3A_899 = tpu.memref_slice %arg4[%add3A_889, %dma_start3A_897, %dma_start3A_898] : memref<4096x200x64xf32, #tpu.memory_space<hbm>> -> memref<1x200x64xf32, #tpu.memory_space<hbm>>
      %dma_start3A_900 = tpu.memref_squeeze %dma_start3A_899 : memref<1x200x64xf32, #tpu.memory_space<hbm>> -> memref<200x64xf32, #tpu.memory_space<hbm>>
      %dma_start3A_901 = arith.constant 80 : i32
      %dma_start3A_902 = arith.constant 0 : i32
      %dma_start3A_903 = tpu.memref_slice %arg7[%dma_start3A_901, %dma_start3A_902] : memref<640x64xf32, #tpu.memory_space<vmem>> -> memref<200x64xf32, #tpu.memory_space<vmem>>
      tpu.enqueue_dma source(%dma_start3A_903 : memref<200x64xf32, #tpu.memory_space<vmem>>) target(%dma_start3A_900 : memref<200x64xf32, #tpu.memory_space<hbm>>) target_semaphore(%arg10 : memref<!tpu.dma_semaphore, #tpu.memory_space<semaphore_mem>>)
      %add3A_904 = arith.constant 11 : i32
      %add3A_905 = arith.addi %add3A_145, %add3A_904 : i32
      %dma_start3A_906 = arith.constant 280 : i32
      %dma_start3A_907 = arith.constant 0 : i32
      %dma_start3A_908 = tpu.memref_slice %arg7[%dma_start3A_906, %dma_start3A_907] : memref<640x64xf32, #tpu.memory_space<vmem>> -> memref<200x64xf32, #tpu.memory_space<vmem>>
      %dma_start3A_909 = arith.constant 0 : i32
      %dma_start3A_910 = arith.constant 0 : i32
      %dma_start3A_911 = tpu.memref_slice %arg4[%add3A_905, %dma_start3A_909, %dma_start3A_910] : memref<4096x200x64xf32, #tpu.memory_space<hbm>> -> memref<1x200x64xf32, #tpu.memory_space<hbm>>
      %dma_start3A_912 = tpu.memref_squeeze %dma_start3A_911 : memref<1x200x64xf32, #tpu.memory_space<hbm>> -> memref<200x64xf32, #tpu.memory_space<hbm>>
      %dma_start3A_913 = arith.constant 0 : i32
      %dma_start3A_914 = arith.constant 0 : i32
      %dma_start3A_915 = tpu.memref_slice %arg4[%add3A_905, %dma_start3A_913, %dma_start3A_914] : memref<4096x200x64xf32, #tpu.memory_space<hbm>> -> memref<1x200x64xf32, #tpu.memory_space<hbm>>
      %dma_start3A_916 = tpu.memref_squeeze %dma_start3A_915 : memref<1x200x64xf32, #tpu.memory_space<hbm>> -> memref<200x64xf32, #tpu.memory_space<hbm>>
      %dma_start3A_917 = arith.constant 280 : i32
      %dma_start3A_918 = arith.constant 0 : i32
      %dma_start3A_919 = tpu.memref_slice %arg7[%dma_start3A_917, %dma_start3A_918] : memref<640x64xf32, #tpu.memory_space<vmem>> -> memref<200x64xf32, #tpu.memory_space<vmem>>
      tpu.enqueue_dma source(%dma_start3A_919 : memref<200x64xf32, #tpu.memory_space<vmem>>) target(%dma_start3A_916 : memref<200x64xf32, #tpu.memory_space<hbm>>) target_semaphore(%arg10 : memref<!tpu.dma_semaphore, #tpu.memory_space<semaphore_mem>>)
      %add3A_920 = arith.constant 12 : i32
      %add3A_921 = arith.addi %add3A_145, %add3A_920 : i32
      %dma_start3A_922 = arith.constant 480 : i32
      %dma_start3A_923 = arith.constant 0 : i32
      %dma_start3A_924 = tpu.memref_slice %arg7[%dma_start3A_922, %dma_start3A_923] : memref<640x64xf32, #tpu.memory_space<vmem>> -> memref<160x64xf32, #tpu.memory_space<vmem>>
      %dma_start3A_925 = arith.constant 0 : i32
      %dma_start3A_926 = arith.constant 0 : i32
      %dma_start3A_927 = tpu.memref_slice %arg4[%add3A_921, %dma_start3A_925, %dma_start3A_926] : memref<4096x200x64xf32, #tpu.memory_space<hbm>> -> memref<1x160x64xf32, #tpu.memory_space<hbm>>
      %dma_start3A_928 = tpu.memref_squeeze %dma_start3A_927 : memref<1x160x64xf32, #tpu.memory_space<hbm>> -> memref<160x64xf32, #tpu.memory_space<hbm>>
      %dma_start3A_929 = arith.constant 0 : i32
      %dma_start3A_930 = arith.constant 0 : i32
      %dma_start3A_931 = tpu.memref_slice %arg4[%add3A_921, %dma_start3A_929, %dma_start3A_930] : memref<4096x200x64xf32, #tpu.memory_space<hbm>> -> memref<1x160x64xf32, #tpu.memory_space<hbm>>
      %dma_start3A_932 = tpu.memref_squeeze %dma_start3A_931 : memref<1x160x64xf32, #tpu.memory_space<hbm>> -> memref<160x64xf32, #tpu.memory_space<hbm>>
      %dma_start3A_933 = arith.constant 480 : i32
      %dma_start3A_934 = arith.constant 0 : i32
      %dma_start3A_935 = tpu.memref_slice %arg7[%dma_start3A_933, %dma_start3A_934] : memref<640x64xf32, #tpu.memory_space<vmem>> -> memref<160x64xf32, #tpu.memory_space<vmem>>
      tpu.enqueue_dma source(%dma_start3A_935 : memref<160x64xf32, #tpu.memory_space<vmem>>) target(%dma_start3A_932 : memref<160x64xf32, #tpu.memory_space<hbm>>) target_semaphore(%arg10 : memref<!tpu.dma_semaphore, #tpu.memory_space<semaphore_mem>>)
      %add3A_936 = arith.constant 12 : i32
      %add3A_937 = arith.addi %add3A_145, %add3A_936 : i32
      %dma_wait3A_938 = arith.constant 0 : i32
      %dma_wait3A_939 = arith.constant 0 : i32
      %dma_wait3A_940 = tpu.memref_slice %arg6[%dma_wait3A_938, %dma_wait3A_939] : memref<640x64xf32, #tpu.memory_space<vmem>> -> memref<40x64xf32, #tpu.memory_space<vmem>>
      %dma_wait3A_941 = arith.constant 160 : i32
      %dma_wait3A_942 = arith.constant 0 : i32
      %dma_wait3A_943 = tpu.memref_slice %arg4[%add3A_937, %dma_wait3A_941, %dma_wait3A_942] : memref<4096x200x64xf32, #tpu.memory_space<hbm>> -> memref<1x40x64xf32, #tpu.memory_space<hbm>>
      %dma_wait3A_944 = tpu.memref_squeeze %dma_wait3A_943 : memref<1x40x64xf32, #tpu.memory_space<hbm>> -> memref<40x64xf32, #tpu.memory_space<hbm>>
      %dma_wait3A_945 = arith.constant 160 : i32
      %dma_wait3A_946 = arith.constant 0 : i32
      %dma_wait3A_947 = tpu.memref_slice %arg4[%add3A_937, %dma_wait3A_945, %dma_wait3A_946] : memref<4096x200x64xf32, #tpu.memory_space<hbm>> -> memref<1x40x64xf32, #tpu.memory_space<hbm>>
      %dma_wait3A_948 = tpu.memref_squeeze %dma_wait3A_947 : memref<1x40x64xf32, #tpu.memory_space<hbm>> -> memref<40x64xf32, #tpu.memory_space<hbm>>
      %dma_wait3A_949 = arith.constant 0 : i32
      %dma_wait3A_950 = arith.constant 0 : i32
      %dma_wait3A_951 = tpu.memref_slice %arg6[%dma_wait3A_949, %dma_wait3A_950] : memref<640x64xf32, #tpu.memory_space<vmem>> -> memref<40x64xf32, #tpu.memory_space<vmem>>
      tpu.wait_dma2 semaphore(%arg9 : memref<!tpu.dma_semaphore, #tpu.memory_space<semaphore_mem>>) src(%dma_wait3A_951 : memref<40x64xf32, #tpu.memory_space<vmem>>) dst(%dma_wait3A_948 : memref<40x64xf32, #tpu.memory_space<hbm>>)
      %add3A_952 = arith.constant 13 : i32
      %add3A_953 = arith.addi %add3A_145, %add3A_952 : i32
      %dma_wait3A_954 = arith.constant 40 : i32
      %dma_wait3A_955 = arith.constant 0 : i32
      %dma_wait3A_956 = tpu.memref_slice %arg6[%dma_wait3A_954, %dma_wait3A_955] : memref<640x64xf32, #tpu.memory_space<vmem>> -> memref<200x64xf32, #tpu.memory_space<vmem>>
      %dma_wait3A_957 = arith.constant 0 : i32
      %dma_wait3A_958 = arith.constant 0 : i32
      %dma_wait3A_959 = tpu.memref_slice %arg4[%add3A_953, %dma_wait3A_957, %dma_wait3A_958] : memref<4096x200x64xf32, #tpu.memory_space<hbm>> -> memref<1x200x64xf32, #tpu.memory_space<hbm>>
      %dma_wait3A_960 = tpu.memref_squeeze %dma_wait3A_959 : memref<1x200x64xf32, #tpu.memory_space<hbm>> -> memref<200x64xf32, #tpu.memory_space<hbm>>
      %dma_wait3A_961 = arith.constant 0 : i32
      %dma_wait3A_962 = arith.constant 0 : i32
      %dma_wait3A_963 = tpu.memref_slice %arg4[%add3A_953, %dma_wait3A_961, %dma_wait3A_962] : memref<4096x200x64xf32, #tpu.memory_space<hbm>> -> memref<1x200x64xf32, #tpu.memory_space<hbm>>
      %dma_wait3A_964 = tpu.memref_squeeze %dma_wait3A_963 : memref<1x200x64xf32, #tpu.memory_space<hbm>> -> memref<200x64xf32, #tpu.memory_space<hbm>>
      %dma_wait3A_965 = arith.constant 40 : i32
      %dma_wait3A_966 = arith.constant 0 : i32
      %dma_wait3A_967 = tpu.memref_slice %arg6[%dma_wait3A_965, %dma_wait3A_966] : memref<640x64xf32, #tpu.memory_space<vmem>> -> memref<200x64xf32, #tpu.memory_space<vmem>>
      tpu.wait_dma2 semaphore(%arg9 : memref<!tpu.dma_semaphore, #tpu.memory_space<semaphore_mem>>) src(%dma_wait3A_967 : memref<200x64xf32, #tpu.memory_space<vmem>>) dst(%dma_wait3A_964 : memref<200x64xf32, #tpu.memory_space<hbm>>)
      %add3A_968 = arith.constant 14 : i32
      %add3A_969 = arith.addi %add3A_145, %add3A_968 : i32
      %dma_wait3A_970 = arith.constant 240 : i32
      %dma_wait3A_971 = arith.constant 0 : i32
      %dma_wait3A_972 = tpu.memref_slice %arg6[%dma_wait3A_970, %dma_wait3A_971] : memref<640x64xf32, #tpu.memory_space<vmem>> -> memref<200x64xf32, #tpu.memory_space<vmem>>
      %dma_wait3A_973 = arith.constant 0 : i32
      %dma_wait3A_974 = arith.constant 0 : i32
      %dma_wait3A_975 = tpu.memref_slice %arg4[%add3A_969, %dma_wait3A_973, %dma_wait3A_974] : memref<4096x200x64xf32, #tpu.memory_space<hbm>> -> memref<1x200x64xf32, #tpu.memory_space<hbm>>
      %dma_wait3A_976 = tpu.memref_squeeze %dma_wait3A_975 : memref<1x200x64xf32, #tpu.memory_space<hbm>> -> memref<200x64xf32, #tpu.memory_space<hbm>>
      %dma_wait3A_977 = arith.constant 0 : i32
      %dma_wait3A_978 = arith.constant 0 : i32
      %dma_wait3A_979 = tpu.memref_slice %arg4[%add3A_969, %dma_wait3A_977, %dma_wait3A_978] : memref<4096x200x64xf32, #tpu.memory_space<hbm>> -> memref<1x200x64xf32, #tpu.memory_space<hbm>>
      %dma_wait3A_980 = tpu.memref_squeeze %dma_wait3A_979 : memref<1x200x64xf32, #tpu.memory_space<hbm>> -> memref<200x64xf32, #tpu.memory_space<hbm>>
      %dma_wait3A_981 = arith.constant 240 : i32
      %dma_wait3A_982 = arith.constant 0 : i32
      %dma_wait3A_983 = tpu.memref_slice %arg6[%dma_wait3A_981, %dma_wait3A_982] : memref<640x64xf32, #tpu.memory_space<vmem>> -> memref<200x64xf32, #tpu.memory_space<vmem>>
      tpu.wait_dma2 semaphore(%arg9 : memref<!tpu.dma_semaphore, #tpu.memory_space<semaphore_mem>>) src(%dma_wait3A_983 : memref<200x64xf32, #tpu.memory_space<vmem>>) dst(%dma_wait3A_980 : memref<200x64xf32, #tpu.memory_space<hbm>>)
      %add3A_984 = arith.constant 15 : i32
      %add3A_985 = arith.addi %add3A_145, %add3A_984 : i32
      %dma_wait3A_986 = arith.constant 440 : i32
      %dma_wait3A_987 = arith.constant 0 : i32
      %dma_wait3A_988 = tpu.memref_slice %arg6[%dma_wait3A_986, %dma_wait3A_987] : memref<640x64xf32, #tpu.memory_space<vmem>> -> memref<200x64xf32, #tpu.memory_space<vmem>>
      %dma_wait3A_989 = arith.constant 0 : i32
      %dma_wait3A_990 = arith.constant 0 : i32
      %dma_wait3A_991 = tpu.memref_slice %arg4[%add3A_985, %dma_wait3A_989, %dma_wait3A_990] : memref<4096x200x64xf32, #tpu.memory_space<hbm>> -> memref<1x200x64xf32, #tpu.memory_space<hbm>>
      %dma_wait3A_992 = tpu.memref_squeeze %dma_wait3A_991 : memref<1x200x64xf32, #tpu.memory_space<hbm>> -> memref<200x64xf32, #tpu.memory_space<hbm>>
      %dma_wait3A_993 = arith.constant 0 : i32
      %dma_wait3A_994 = arith.constant 0 : i32
      %dma_wait3A_995 = tpu.memref_slice %arg4[%add3A_985, %dma_wait3A_993, %dma_wait3A_994] : memref<4096x200x64xf32, #tpu.memory_space<hbm>> -> memref<1x200x64xf32, #tpu.memory_space<hbm>>
      %dma_wait3A_996 = tpu.memref_squeeze %dma_wait3A_995 : memref<1x200x64xf32, #tpu.memory_space<hbm>> -> memref<200x64xf32, #tpu.memory_space<hbm>>
      %dma_wait3A_997 = arith.constant 440 : i32
      %dma_wait3A_998 = arith.constant 0 : i32
      %dma_wait3A_999 = tpu.memref_slice %arg6[%dma_wait3A_997, %dma_wait3A_998] : memref<640x64xf32, #tpu.memory_space<vmem>> -> memref<200x64xf32, #tpu.memory_space<vmem>>
      tpu.wait_dma2 semaphore(%arg9 : memref<!tpu.dma_semaphore, #tpu.memory_space<semaphore_mem>>) src(%dma_wait3A_999 : memref<200x64xf32, #tpu.memory_space<vmem>>) dst(%dma_wait3A_996 : memref<200x64xf32, #tpu.memory_space<hbm>>)
      %dma_start3A_1000 = arith.constant 20 : i32
      %dma_start3A_1001 = arith.constant 0 : i32
      %dma_start3A_1002 = arith.constant 0 : i32
      %dma_start3A_1003 = tpu.memref_slice %arg6[%dma_start3A_1001, %dma_start3A_1002] : memref<640x64xf32, #tpu.memory_space<vmem>> -> memref<128x64xf32, #tpu.memory_space<vmem>>
      %dma_start3A_1004 = arith.constant 0 : i32
      %dma_start3A_1005 = tpu.memref_slice %arg5[%dma_start3A_1000, %dma_start3A_1004] : memref<25x128xi32, #tpu.memory_space<vmem>> -> memref<1x128xi32, #tpu.memory_space<vmem>>
      %dma_start3A_1006 = tpu.memref_squeeze %dma_start3A_1005 : memref<1x128xi32, #tpu.memory_space<vmem>> -> memref<128xi32, #tpu.memory_space<vmem>>
      %dma_start3A_1007 = arith.constant 0 : i32
      %dma_start3A_1008 = arith.constant 0 : i32
      %dma_start3A_1009 = tpu.memref_slice %arg3[%dma_start3A_1007, %dma_start3A_1008] : memref<1000000x64xf32, #tpu.memory_space<hbm>> -> memref<1000000x64xf32, #tpu.memory_space<hbm>>
      tpu.enqueue_indirect_dma source(%dma_start3A_1009 : memref<1000000x64xf32, #tpu.memory_space<hbm>>) target(%dma_start3A_1003 : memref<128x64xf32, #tpu.memory_space<vmem>>) offsets(%dma_start3A_1006 : memref<128xi32, #tpu.memory_space<vmem>>) semaphore(%arg8 : memref<!tpu.dma_semaphore, #tpu.memory_space<semaphore_mem>>)
      %dma_start3A_1010 = arith.constant 21 : i32
      %dma_start3A_1011 = arith.constant 128 : i32
      %dma_start3A_1012 = arith.constant 0 : i32
      %dma_start3A_1013 = tpu.memref_slice %arg6[%dma_start3A_1011, %dma_start3A_1012] : memref<640x64xf32, #tpu.memory_space<vmem>> -> memref<128x64xf32, #tpu.memory_space<vmem>>
      %dma_start3A_1014 = arith.constant 0 : i32
      %dma_start3A_1015 = tpu.memref_slice %arg5[%dma_start3A_1010, %dma_start3A_1014] : memref<25x128xi32, #tpu.memory_space<vmem>> -> memref<1x128xi32, #tpu.memory_space<vmem>>
      %dma_start3A_1016 = tpu.memref_squeeze %dma_start3A_1015 : memref<1x128xi32, #tpu.memory_space<vmem>> -> memref<128xi32, #tpu.memory_space<vmem>>
      %dma_start3A_1017 = arith.constant 0 : i32
      %dma_start3A_1018 = arith.constant 0 : i32
      %dma_start3A_1019 = tpu.memref_slice %arg3[%dma_start3A_1017, %dma_start3A_1018] : memref<1000000x64xf32, #tpu.memory_space<hbm>> -> memref<1000000x64xf32, #tpu.memory_space<hbm>>
      tpu.enqueue_indirect_dma source(%dma_start3A_1019 : memref<1000000x64xf32, #tpu.memory_space<hbm>>) target(%dma_start3A_1013 : memref<128x64xf32, #tpu.memory_space<vmem>>) offsets(%dma_start3A_1016 : memref<128xi32, #tpu.memory_space<vmem>>) semaphore(%arg8 : memref<!tpu.dma_semaphore, #tpu.memory_space<semaphore_mem>>)
      %dma_start3A_1020 = arith.constant 22 : i32
      %dma_start3A_1021 = arith.constant 256 : i32
      %dma_start3A_1022 = arith.constant 0 : i32
      %dma_start3A_1023 = tpu.memref_slice %arg6[%dma_start3A_1021, %dma_start3A_1022] : memref<640x64xf32, #tpu.memory_space<vmem>> -> memref<128x64xf32, #tpu.memory_space<vmem>>
      %dma_start3A_1024 = arith.constant 0 : i32
      %dma_start3A_1025 = tpu.memref_slice %arg5[%dma_start3A_1020, %dma_start3A_1024] : memref<25x128xi32, #tpu.memory_space<vmem>> -> memref<1x128xi32, #tpu.memory_space<vmem>>
      %dma_start3A_1026 = tpu.memref_squeeze %dma_start3A_1025 : memref<1x128xi32, #tpu.memory_space<vmem>> -> memref<128xi32, #tpu.memory_space<vmem>>
      %dma_start3A_1027 = arith.constant 0 : i32
      %dma_start3A_1028 = arith.constant 0 : i32
      %dma_start3A_1029 = tpu.memref_slice %arg3[%dma_start3A_1027, %dma_start3A_1028] : memref<1000000x64xf32, #tpu.memory_space<hbm>> -> memref<1000000x64xf32, #tpu.memory_space<hbm>>
      tpu.enqueue_indirect_dma source(%dma_start3A_1029 : memref<1000000x64xf32, #tpu.memory_space<hbm>>) target(%dma_start3A_1023 : memref<128x64xf32, #tpu.memory_space<vmem>>) offsets(%dma_start3A_1026 : memref<128xi32, #tpu.memory_space<vmem>>) semaphore(%arg8 : memref<!tpu.dma_semaphore, #tpu.memory_space<semaphore_mem>>)
      %dma_start3A_1030 = arith.constant 23 : i32
      %dma_start3A_1031 = arith.constant 384 : i32
      %dma_start3A_1032 = arith.constant 0 : i32
      %dma_start3A_1033 = tpu.memref_slice %arg6[%dma_start3A_1031, %dma_start3A_1032] : memref<640x64xf32, #tpu.memory_space<vmem>> -> memref<128x64xf32, #tpu.memory_space<vmem>>
      %dma_start3A_1034 = arith.constant 0 : i32
      %dma_start3A_1035 = tpu.memref_slice %arg5[%dma_start3A_1030, %dma_start3A_1034] : memref<25x128xi32, #tpu.memory_space<vmem>> -> memref<1x128xi32, #tpu.memory_space<vmem>>
      %dma_start3A_1036 = tpu.memref_squeeze %dma_start3A_1035 : memref<1x128xi32, #tpu.memory_space<vmem>> -> memref<128xi32, #tpu.memory_space<vmem>>
      %dma_start3A_1037 = arith.constant 0 : i32
      %dma_start3A_1038 = arith.constant 0 : i32
      %dma_start3A_1039 = tpu.memref_slice %arg3[%dma_start3A_1037, %dma_start3A_1038] : memref<1000000x64xf32, #tpu.memory_space<hbm>> -> memref<1000000x64xf32, #tpu.memory_space<hbm>>
      tpu.enqueue_indirect_dma source(%dma_start3A_1039 : memref<1000000x64xf32, #tpu.memory_space<hbm>>) target(%dma_start3A_1033 : memref<128x64xf32, #tpu.memory_space<vmem>>) offsets(%dma_start3A_1036 : memref<128xi32, #tpu.memory_space<vmem>>) semaphore(%arg8 : memref<!tpu.dma_semaphore, #tpu.memory_space<semaphore_mem>>)
      %dma_start3A_1040 = arith.constant 24 : i32
      %dma_start3A_1041 = arith.constant 512 : i32
      %dma_start3A_1042 = arith.constant 0 : i32
      %dma_start3A_1043 = tpu.memref_slice %arg6[%dma_start3A_1041, %dma_start3A_1042] : memref<640x64xf32, #tpu.memory_space<vmem>> -> memref<128x64xf32, #tpu.memory_space<vmem>>
      %dma_start3A_1044 = arith.constant 0 : i32
      %dma_start3A_1045 = tpu.memref_slice %arg5[%dma_start3A_1040, %dma_start3A_1044] : memref<25x128xi32, #tpu.memory_space<vmem>> -> memref<1x128xi32, #tpu.memory_space<vmem>>
      %dma_start3A_1046 = tpu.memref_squeeze %dma_start3A_1045 : memref<1x128xi32, #tpu.memory_space<vmem>> -> memref<128xi32, #tpu.memory_space<vmem>>
      %dma_start3A_1047 = arith.constant 0 : i32
      %dma_start3A_1048 = arith.constant 0 : i32
      %dma_start3A_1049 = tpu.memref_slice %arg3[%dma_start3A_1047, %dma_start3A_1048] : memref<1000000x64xf32, #tpu.memory_space<hbm>> -> memref<1000000x64xf32, #tpu.memory_space<hbm>>
      tpu.enqueue_indirect_dma source(%dma_start3A_1049 : memref<1000000x64xf32, #tpu.memory_space<hbm>>) target(%dma_start3A_1043 : memref<128x64xf32, #tpu.memory_space<vmem>>) offsets(%dma_start3A_1046 : memref<128xi32, #tpu.memory_space<vmem>>) semaphore(%arg8 : memref<!tpu.dma_semaphore, #tpu.memory_space<semaphore_mem>>)
      %dma_wait3A_1050 = arith.constant 20 : i32
      %dma_wait3A_1051 = arith.constant 0 : i32
      %dma_wait3A_1052 = arith.constant 0 : i32
      %dma_wait3A_1053 = tpu.memref_slice %arg6[%dma_wait3A_1051, %dma_wait3A_1052] : memref<640x64xf32, #tpu.memory_space<vmem>> -> memref<128x64xf32, #tpu.memory_space<vmem>>
      %dma_wait3A_1054 = arith.constant 0 : i32
      %dma_wait3A_1055 = tpu.memref_slice %arg5[%dma_wait3A_1050, %dma_wait3A_1054] : memref<25x128xi32, #tpu.memory_space<vmem>> -> memref<1x128xi32, #tpu.memory_space<vmem>>
      %dma_wait3A_1056 = tpu.memref_squeeze %dma_wait3A_1055 : memref<1x128xi32, #tpu.memory_space<vmem>> -> memref<128xi32, #tpu.memory_space<vmem>>
      %dma_wait3A_1057 = arith.constant 0 : i32
      %dma_wait3A_1058 = arith.constant 0 : i32
      %dma_wait3A_1059 = tpu.memref_slice %arg3[%dma_wait3A_1057, %dma_wait3A_1058] : memref<1000000x64xf32, #tpu.memory_space<hbm>> -> memref<1000000x64xf32, #tpu.memory_space<hbm>>
      tpu.wait_indirect_dma semaphore(%arg8 : memref<!tpu.dma_semaphore, #tpu.memory_space<semaphore_mem>>) src(%dma_wait3A_1059 : memref<1000000x64xf32, #tpu.memory_space<hbm>>) dst(%dma_wait3A_1053 : memref<128x64xf32, #tpu.memory_space<vmem>>)
      %dma_wait3A_1060 = arith.constant 21 : i32
      %dma_wait3A_1061 = arith.constant 128 : i32
      %dma_wait3A_1062 = arith.constant 0 : i32
      %dma_wait3A_1063 = tpu.memref_slice %arg6[%dma_wait3A_1061, %dma_wait3A_1062] : memref<640x64xf32, #tpu.memory_space<vmem>> -> memref<128x64xf32, #tpu.memory_space<vmem>>
      %dma_wait3A_1064 = arith.constant 0 : i32
      %dma_wait3A_1065 = tpu.memref_slice %arg5[%dma_wait3A_1060, %dma_wait3A_1064] : memref<25x128xi32, #tpu.memory_space<vmem>> -> memref<1x128xi32, #tpu.memory_space<vmem>>
      %dma_wait3A_1066 = tpu.memref_squeeze %dma_wait3A_1065 : memref<1x128xi32, #tpu.memory_space<vmem>> -> memref<128xi32, #tpu.memory_space<vmem>>
      %dma_wait3A_1067 = arith.constant 0 : i32
      %dma_wait3A_1068 = arith.constant 0 : i32
      %dma_wait3A_1069 = tpu.memref_slice %arg3[%dma_wait3A_1067, %dma_wait3A_1068] : memref<1000000x64xf32, #tpu.memory_space<hbm>> -> memref<1000000x64xf32, #tpu.memory_space<hbm>>
      tpu.wait_indirect_dma semaphore(%arg8 : memref<!tpu.dma_semaphore, #tpu.memory_space<semaphore_mem>>) src(%dma_wait3A_1069 : memref<1000000x64xf32, #tpu.memory_space<hbm>>) dst(%dma_wait3A_1063 : memref<128x64xf32, #tpu.memory_space<vmem>>)
      %dma_wait3A_1070 = arith.constant 22 : i32
      %dma_wait3A_1071 = arith.constant 256 : i32
      %dma_wait3A_1072 = arith.constant 0 : i32
      %dma_wait3A_1073 = tpu.memref_slice %arg6[%dma_wait3A_1071, %dma_wait3A_1072] : memref<640x64xf32, #tpu.memory_space<vmem>> -> memref<128x64xf32, #tpu.memory_space<vmem>>
      %dma_wait3A_1074 = arith.constant 0 : i32
      %dma_wait3A_1075 = tpu.memref_slice %arg5[%dma_wait3A_1070, %dma_wait3A_1074] : memref<25x128xi32, #tpu.memory_space<vmem>> -> memref<1x128xi32, #tpu.memory_space<vmem>>
      %dma_wait3A_1076 = tpu.memref_squeeze %dma_wait3A_1075 : memref<1x128xi32, #tpu.memory_space<vmem>> -> memref<128xi32, #tpu.memory_space<vmem>>
      %dma_wait3A_1077 = arith.constant 0 : i32
      %dma_wait3A_1078 = arith.constant 0 : i32
      %dma_wait3A_1079 = tpu.memref_slice %arg3[%dma_wait3A_1077, %dma_wait3A_1078] : memref<1000000x64xf32, #tpu.memory_space<hbm>> -> memref<1000000x64xf32, #tpu.memory_space<hbm>>
      tpu.wait_indirect_dma semaphore(%arg8 : memref<!tpu.dma_semaphore, #tpu.memory_space<semaphore_mem>>) src(%dma_wait3A_1079 : memref<1000000x64xf32, #tpu.memory_space<hbm>>) dst(%dma_wait3A_1073 : memref<128x64xf32, #tpu.memory_space<vmem>>)
      %dma_wait3A_1080 = arith.constant 23 : i32
      %dma_wait3A_1081 = arith.constant 384 : i32
      %dma_wait3A_1082 = arith.constant 0 : i32
      %dma_wait3A_1083 = tpu.memref_slice %arg6[%dma_wait3A_1081, %dma_wait3A_1082] : memref<640x64xf32, #tpu.memory_space<vmem>> -> memref<128x64xf32, #tpu.memory_space<vmem>>
      %dma_wait3A_1084 = arith.constant 0 : i32
      %dma_wait3A_1085 = tpu.memref_slice %arg5[%dma_wait3A_1080, %dma_wait3A_1084] : memref<25x128xi32, #tpu.memory_space<vmem>> -> memref<1x128xi32, #tpu.memory_space<vmem>>
      %dma_wait3A_1086 = tpu.memref_squeeze %dma_wait3A_1085 : memref<1x128xi32, #tpu.memory_space<vmem>> -> memref<128xi32, #tpu.memory_space<vmem>>
      %dma_wait3A_1087 = arith.constant 0 : i32
      %dma_wait3A_1088 = arith.constant 0 : i32
      %dma_wait3A_1089 = tpu.memref_slice %arg3[%dma_wait3A_1087, %dma_wait3A_1088] : memref<1000000x64xf32, #tpu.memory_space<hbm>> -> memref<1000000x64xf32, #tpu.memory_space<hbm>>
      tpu.wait_indirect_dma semaphore(%arg8 : memref<!tpu.dma_semaphore, #tpu.memory_space<semaphore_mem>>) src(%dma_wait3A_1089 : memref<1000000x64xf32, #tpu.memory_space<hbm>>) dst(%dma_wait3A_1083 : memref<128x64xf32, #tpu.memory_space<vmem>>)
      %dma_wait3A_1090 = arith.constant 24 : i32
      %dma_wait3A_1091 = arith.constant 512 : i32
      %dma_wait3A_1092 = arith.constant 0 : i32
      %dma_wait3A_1093 = tpu.memref_slice %arg6[%dma_wait3A_1091, %dma_wait3A_1092] : memref<640x64xf32, #tpu.memory_space<vmem>> -> memref<128x64xf32, #tpu.memory_space<vmem>>
      %dma_wait3A_1094 = arith.constant 0 : i32
      %dma_wait3A_1095 = tpu.memref_slice %arg5[%dma_wait3A_1090, %dma_wait3A_1094] : memref<25x128xi32, #tpu.memory_space<vmem>> -> memref<1x128xi32, #tpu.memory_space<vmem>>
      %dma_wait3A_1096 = tpu.memref_squeeze %dma_wait3A_1095 : memref<1x128xi32, #tpu.memory_space<vmem>> -> memref<128xi32, #tpu.memory_space<vmem>>
      %dma_wait3A_1097 = arith.constant 0 : i32
      %dma_wait3A_1098 = arith.constant 0 : i32
      %dma_wait3A_1099 = tpu.memref_slice %arg3[%dma_wait3A_1097, %dma_wait3A_1098] : memref<1000000x64xf32, #tpu.memory_space<hbm>> -> memref<1000000x64xf32, #tpu.memory_space<hbm>>
      tpu.wait_indirect_dma semaphore(%arg8 : memref<!tpu.dma_semaphore, #tpu.memory_space<semaphore_mem>>) src(%dma_wait3A_1099 : memref<1000000x64xf32, #tpu.memory_space<hbm>>) dst(%dma_wait3A_1093 : memref<128x64xf32, #tpu.memory_space<vmem>>)
      %add3A_1100 = arith.constant 12 : i32
      %add3A_1101 = arith.addi %add3A_145, %add3A_1100 : i32
      %dma_start3A_1102 = arith.constant 0 : i32
      %dma_start3A_1103 = arith.constant 0 : i32
      %dma_start3A_1104 = tpu.memref_slice %arg6[%dma_start3A_1102, %dma_start3A_1103] : memref<640x64xf32, #tpu.memory_space<vmem>> -> memref<40x64xf32, #tpu.memory_space<vmem>>
      %dma_start3A_1105 = arith.constant 160 : i32
      %dma_start3A_1106 = arith.constant 0 : i32
      %dma_start3A_1107 = tpu.memref_slice %arg4[%add3A_1101, %dma_start3A_1105, %dma_start3A_1106] : memref<4096x200x64xf32, #tpu.memory_space<hbm>> -> memref<1x40x64xf32, #tpu.memory_space<hbm>>
      %dma_start3A_1108 = tpu.memref_squeeze %dma_start3A_1107 : memref<1x40x64xf32, #tpu.memory_space<hbm>> -> memref<40x64xf32, #tpu.memory_space<hbm>>
      %dma_start3A_1109 = arith.constant 160 : i32
      %dma_start3A_1110 = arith.constant 0 : i32
      %dma_start3A_1111 = tpu.memref_slice %arg4[%add3A_1101, %dma_start3A_1109, %dma_start3A_1110] : memref<4096x200x64xf32, #tpu.memory_space<hbm>> -> memref<1x40x64xf32, #tpu.memory_space<hbm>>
      %dma_start3A_1112 = tpu.memref_squeeze %dma_start3A_1111 : memref<1x40x64xf32, #tpu.memory_space<hbm>> -> memref<40x64xf32, #tpu.memory_space<hbm>>
      %dma_start3A_1113 = arith.constant 0 : i32
      %dma_start3A_1114 = arith.constant 0 : i32
      %dma_start3A_1115 = tpu.memref_slice %arg6[%dma_start3A_1113, %dma_start3A_1114] : memref<640x64xf32, #tpu.memory_space<vmem>> -> memref<40x64xf32, #tpu.memory_space<vmem>>
      tpu.enqueue_dma source(%dma_start3A_1115 : memref<40x64xf32, #tpu.memory_space<vmem>>) target(%dma_start3A_1112 : memref<40x64xf32, #tpu.memory_space<hbm>>) target_semaphore(%arg9 : memref<!tpu.dma_semaphore, #tpu.memory_space<semaphore_mem>>)
      %add3A_1116 = arith.constant 13 : i32
      %add3A_1117 = arith.addi %add3A_145, %add3A_1116 : i32
      %dma_start3A_1118 = arith.constant 40 : i32
      %dma_start3A_1119 = arith.constant 0 : i32
      %dma_start3A_1120 = tpu.memref_slice %arg6[%dma_start3A_1118, %dma_start3A_1119] : memref<640x64xf32, #tpu.memory_space<vmem>> -> memref<200x64xf32, #tpu.memory_space<vmem>>
      %dma_start3A_1121 = arith.constant 0 : i32
      %dma_start3A_1122 = arith.constant 0 : i32
      %dma_start3A_1123 = tpu.memref_slice %arg4[%add3A_1117, %dma_start3A_1121, %dma_start3A_1122] : memref<4096x200x64xf32, #tpu.memory_space<hbm>> -> memref<1x200x64xf32, #tpu.memory_space<hbm>>
      %dma_start3A_1124 = tpu.memref_squeeze %dma_start3A_1123 : memref<1x200x64xf32, #tpu.memory_space<hbm>> -> memref<200x64xf32, #tpu.memory_space<hbm>>
      %dma_start3A_1125 = arith.constant 0 : i32
      %dma_start3A_1126 = arith.constant 0 : i32
      %dma_start3A_1127 = tpu.memref_slice %arg4[%add3A_1117, %dma_start3A_1125, %dma_start3A_1126] : memref<4096x200x64xf32, #tpu.memory_space<hbm>> -> memref<1x200x64xf32, #tpu.memory_space<hbm>>
      %dma_start3A_1128 = tpu.memref_squeeze %dma_start3A_1127 : memref<1x200x64xf32, #tpu.memory_space<hbm>> -> memref<200x64xf32, #tpu.memory_space<hbm>>
      %dma_start3A_1129 = arith.constant 40 : i32
      %dma_start3A_1130 = arith.constant 0 : i32
      %dma_start3A_1131 = tpu.memref_slice %arg6[%dma_start3A_1129, %dma_start3A_1130] : memref<640x64xf32, #tpu.memory_space<vmem>> -> memref<200x64xf32, #tpu.memory_space<vmem>>
      tpu.enqueue_dma source(%dma_start3A_1131 : memref<200x64xf32, #tpu.memory_space<vmem>>) target(%dma_start3A_1128 : memref<200x64xf32, #tpu.memory_space<hbm>>) target_semaphore(%arg9 : memref<!tpu.dma_semaphore, #tpu.memory_space<semaphore_mem>>)
      %add3A_1132 = arith.constant 14 : i32
      %add3A_1133 = arith.addi %add3A_145, %add3A_1132 : i32
      %dma_start3A_1134 = arith.constant 240 : i32
      %dma_start3A_1135 = arith.constant 0 : i32
      %dma_start3A_1136 = tpu.memref_slice %arg6[%dma_start3A_1134, %dma_start3A_1135] : memref<640x64xf32, #tpu.memory_space<vmem>> -> memref<200x64xf32, #tpu.memory_space<vmem>>
      %dma_start3A_1137 = arith.constant 0 : i32
      %dma_start3A_1138 = arith.constant 0 : i32
      %dma_start3A_1139 = tpu.memref_slice %arg4[%add3A_1133, %dma_start3A_1137, %dma_start3A_1138] : memref<4096x200x64xf32, #tpu.memory_space<hbm>> -> memref<1x200x64xf32, #tpu.memory_space<hbm>>
      %dma_start3A_1140 = tpu.memref_squeeze %dma_start3A_1139 : memref<1x200x64xf32, #tpu.memory_space<hbm>> -> memref<200x64xf32, #tpu.memory_space<hbm>>
      %dma_start3A_1141 = arith.constant 0 : i32
      %dma_start3A_1142 = arith.constant 0 : i32
      %dma_start3A_1143 = tpu.memref_slice %arg4[%add3A_1133, %dma_start3A_1141, %dma_start3A_1142] : memref<4096x200x64xf32, #tpu.memory_space<hbm>> -> memref<1x200x64xf32, #tpu.memory_space<hbm>>
      %dma_start3A_1144 = tpu.memref_squeeze %dma_start3A_1143 : memref<1x200x64xf32, #tpu.memory_space<hbm>> -> memref<200x64xf32, #tpu.memory_space<hbm>>
      %dma_start3A_1145 = arith.constant 240 : i32
      %dma_start3A_1146 = arith.constant 0 : i32
      %dma_start3A_1147 = tpu.memref_slice %arg6[%dma_start3A_1145, %dma_start3A_1146] : memref<640x64xf32, #tpu.memory_space<vmem>> -> memref<200x64xf32, #tpu.memory_space<vmem>>
      tpu.enqueue_dma source(%dma_start3A_1147 : memref<200x64xf32, #tpu.memory_space<vmem>>) target(%dma_start3A_1144 : memref<200x64xf32, #tpu.memory_space<hbm>>) target_semaphore(%arg9 : memref<!tpu.dma_semaphore, #tpu.memory_space<semaphore_mem>>)
      %add3A_1148 = arith.constant 15 : i32
      %add3A_1149 = arith.addi %add3A_145, %add3A_1148 : i32
      %dma_start3A_1150 = arith.constant 440 : i32
      %dma_start3A_1151 = arith.constant 0 : i32
      %dma_start3A_1152 = tpu.memref_slice %arg6[%dma_start3A_1150, %dma_start3A_1151] : memref<640x64xf32, #tpu.memory_space<vmem>> -> memref<200x64xf32, #tpu.memory_space<vmem>>
      %dma_start3A_1153 = arith.constant 0 : i32
      %dma_start3A_1154 = arith.constant 0 : i32
      %dma_start3A_1155 = tpu.memref_slice %arg4[%add3A_1149, %dma_start3A_1153, %dma_start3A_1154] : memref<4096x200x64xf32, #tpu.memory_space<hbm>> -> memref<1x200x64xf32, #tpu.memory_space<hbm>>
      %dma_start3A_1156 = tpu.memref_squeeze %dma_start3A_1155 : memref<1x200x64xf32, #tpu.memory_space<hbm>> -> memref<200x64xf32, #tpu.memory_space<hbm>>
      %dma_start3A_1157 = arith.constant 0 : i32
      %dma_start3A_1158 = arith.constant 0 : i32
      %dma_start3A_1159 = tpu.memref_slice %arg4[%add3A_1149, %dma_start3A_1157, %dma_start3A_1158] : memref<4096x200x64xf32, #tpu.memory_space<hbm>> -> memref<1x200x64xf32, #tpu.memory_space<hbm>>
      %dma_start3A_1160 = tpu.memref_squeeze %dma_start3A_1159 : memref<1x200x64xf32, #tpu.memory_space<hbm>> -> memref<200x64xf32, #tpu.memory_space<hbm>>
      %dma_start3A_1161 = arith.constant 440 : i32
      %dma_start3A_1162 = arith.constant 0 : i32
      %dma_start3A_1163 = tpu.memref_slice %arg6[%dma_start3A_1161, %dma_start3A_1162] : memref<640x64xf32, #tpu.memory_space<vmem>> -> memref<200x64xf32, #tpu.memory_space<vmem>>
      tpu.enqueue_dma source(%dma_start3A_1163 : memref<200x64xf32, #tpu.memory_space<vmem>>) target(%dma_start3A_1160 : memref<200x64xf32, #tpu.memory_space<hbm>>) target_semaphore(%arg9 : memref<!tpu.dma_semaphore, #tpu.memory_space<semaphore_mem>>)
    }
    %scan3A_9 = arith.constant 8 : i32
    %add3A_10 = arith.constant 112 : i32
    %add3A_11 = arith.addi %mul3A_4, %add3A_10 : i32
    %add3A_12 = arith.constant 12 : i32
    %add3A_13 = arith.addi %add3A_11, %add3A_12 : i32
    %dma_wait3A = arith.constant 0 : i32
    %dma_wait3A_14 = arith.constant 0 : i32
    %dma_wait3A_15 = tpu.memref_slice %arg6[%dma_wait3A, %dma_wait3A_14] : memref<640x64xf32, #tpu.memory_space<vmem>> -> memref<40x64xf32, #tpu.memory_space<vmem>>
    %dma_wait3A_16 = arith.constant 160 : i32
    %dma_wait3A_17 = arith.constant 0 : i32
    %dma_wait3A_18 = tpu.memref_slice %arg4[%add3A_13, %dma_wait3A_16, %dma_wait3A_17] : memref<4096x200x64xf32, #tpu.memory_space<hbm>> -> memref<1x40x64xf32, #tpu.memory_space<hbm>>
    %dma_wait3A_19 = tpu.memref_squeeze %dma_wait3A_18 : memref<1x40x64xf32, #tpu.memory_space<hbm>> -> memref<40x64xf32, #tpu.memory_space<hbm>>
    %dma_wait3A_20 = arith.constant 160 : i32
    %dma_wait3A_21 = arith.constant 0 : i32
    %dma_wait3A_22 = tpu.memref_slice %arg4[%add3A_13, %dma_wait3A_20, %dma_wait3A_21] : memref<4096x200x64xf32, #tpu.memory_space<hbm>> -> memref<1x40x64xf32, #tpu.memory_space<hbm>>
    %dma_wait3A_23 = tpu.memref_squeeze %dma_wait3A_22 : memref<1x40x64xf32, #tpu.memory_space<hbm>> -> memref<40x64xf32, #tpu.memory_space<hbm>>
    %dma_wait3A_24 = arith.constant 0 : i32
    %dma_wait3A_25 = arith.constant 0 : i32
    %dma_wait3A_26 = tpu.memref_slice %arg6[%dma_wait3A_24, %dma_wait3A_25] : memref<640x64xf32, #tpu.memory_space<vmem>> -> memref<40x64xf32, #tpu.memory_space<vmem>>
    tpu.wait_dma2 semaphore(%arg9 : memref<!tpu.dma_semaphore, #tpu.memory_space<semaphore_mem>>) src(%dma_wait3A_26 : memref<40x64xf32, #tpu.memory_space<vmem>>) dst(%dma_wait3A_23 : memref<40x64xf32, #tpu.memory_space<hbm>>)
    %add3A_27 = arith.constant 13 : i32
    %add3A_28 = arith.addi %add3A_11, %add3A_27 : i32
    %dma_wait3A_29 = arith.constant 40 : i32
    %dma_wait3A_30 = arith.constant 0 : i32
    %dma_wait3A_31 = tpu.memref_slice %arg6[%dma_wait3A_29, %dma_wait3A_30] : memref<640x64xf32, #tpu.memory_space<vmem>> -> memref<200x64xf32, #tpu.memory_space<vmem>>
    %dma_wait3A_32 = arith.constant 0 : i32
    %dma_wait3A_33 = arith.constant 0 : i32
    %dma_wait3A_34 = tpu.memref_slice %arg4[%add3A_28, %dma_wait3A_32, %dma_wait3A_33] : memref<4096x200x64xf32, #tpu.memory_space<hbm>> -> memref<1x200x64xf32, #tpu.memory_space<hbm>>
    %dma_wait3A_35 = tpu.memref_squeeze %dma_wait3A_34 : memref<1x200x64xf32, #tpu.memory_space<hbm>> -> memref<200x64xf32, #tpu.memory_space<hbm>>
    %dma_wait3A_36 = arith.constant 0 : i32
    %dma_wait3A_37 = arith.constant 0 : i32
    %dma_wait3A_38 = tpu.memref_slice %arg4[%add3A_28, %dma_wait3A_36, %dma_wait3A_37] : memref<4096x200x64xf32, #tpu.memory_space<hbm>> -> memref<1x200x64xf32, #tpu.memory_space<hbm>>
    %dma_wait3A_39 = tpu.memref_squeeze %dma_wait3A_38 : memref<1x200x64xf32, #tpu.memory_space<hbm>> -> memref<200x64xf32, #tpu.memory_space<hbm>>
    %dma_wait3A_40 = arith.constant 40 : i32
    %dma_wait3A_41 = arith.constant 0 : i32
    %dma_wait3A_42 = tpu.memref_slice %arg6[%dma_wait3A_40, %dma_wait3A_41] : memref<640x64xf32, #tpu.memory_space<vmem>> -> memref<200x64xf32, #tpu.memory_space<vmem>>
    tpu.wait_dma2 semaphore(%arg9 : memref<!tpu.dma_semaphore, #tpu.memory_space<semaphore_mem>>) src(%dma_wait3A_42 : memref<200x64xf32, #tpu.memory_space<vmem>>) dst(%dma_wait3A_39 : memref<200x64xf32, #tpu.memory_space<hbm>>)
    %add3A_43 = arith.constant 14 : i32
    %add3A_44 = arith.addi %add3A_11, %add3A_43 : i32
    %dma_wait3A_45 = arith.constant 240 : i32
    %dma_wait3A_46 = arith.constant 0 : i32
    %dma_wait3A_47 = tpu.memref_slice %arg6[%dma_wait3A_45, %dma_wait3A_46] : memref<640x64xf32, #tpu.memory_space<vmem>> -> memref<200x64xf32, #tpu.memory_space<vmem>>
    %dma_wait3A_48 = arith.constant 0 : i32
    %dma_wait3A_49 = arith.constant 0 : i32
    %dma_wait3A_50 = tpu.memref_slice %arg4[%add3A_44, %dma_wait3A_48, %dma_wait3A_49] : memref<4096x200x64xf32, #tpu.memory_space<hbm>> -> memref<1x200x64xf32, #tpu.memory_space<hbm>>
    %dma_wait3A_51 = tpu.memref_squeeze %dma_wait3A_50 : memref<1x200x64xf32, #tpu.memory_space<hbm>> -> memref<200x64xf32, #tpu.memory_space<hbm>>
    %dma_wait3A_52 = arith.constant 0 : i32
    %dma_wait3A_53 = arith.constant 0 : i32
    %dma_wait3A_54 = tpu.memref_slice %arg4[%add3A_44, %dma_wait3A_52, %dma_wait3A_53] : memref<4096x200x64xf32, #tpu.memory_space<hbm>> -> memref<1x200x64xf32, #tpu.memory_space<hbm>>
    %dma_wait3A_55 = tpu.memref_squeeze %dma_wait3A_54 : memref<1x200x64xf32, #tpu.memory_space<hbm>> -> memref<200x64xf32, #tpu.memory_space<hbm>>
    %dma_wait3A_56 = arith.constant 240 : i32
    %dma_wait3A_57 = arith.constant 0 : i32
    %dma_wait3A_58 = tpu.memref_slice %arg6[%dma_wait3A_56, %dma_wait3A_57] : memref<640x64xf32, #tpu.memory_space<vmem>> -> memref<200x64xf32, #tpu.memory_space<vmem>>
    tpu.wait_dma2 semaphore(%arg9 : memref<!tpu.dma_semaphore, #tpu.memory_space<semaphore_mem>>) src(%dma_wait3A_58 : memref<200x64xf32, #tpu.memory_space<vmem>>) dst(%dma_wait3A_55 : memref<200x64xf32, #tpu.memory_space<hbm>>)
    %add3A_59 = arith.constant 15 : i32
    %add3A_60 = arith.addi %add3A_11, %add3A_59 : i32
    %dma_wait3A_61 = arith.constant 440 : i32
    %dma_wait3A_62 = arith.constant 0 : i32
    %dma_wait3A_63 = tpu.memref_slice %arg6[%dma_wait3A_61, %dma_wait3A_62] : memref<640x64xf32, #tpu.memory_space<vmem>> -> memref<200x64xf32, #tpu.memory_space<vmem>>
    %dma_wait3A_64 = arith.constant 0 : i32
    %dma_wait3A_65 = arith.constant 0 : i32
    %dma_wait3A_66 = tpu.memref_slice %arg4[%add3A_60, %dma_wait3A_64, %dma_wait3A_65] : memref<4096x200x64xf32, #tpu.memory_space<hbm>> -> memref<1x200x64xf32, #tpu.memory_space<hbm>>
    %dma_wait3A_67 = tpu.memref_squeeze %dma_wait3A_66 : memref<1x200x64xf32, #tpu.memory_space<hbm>> -> memref<200x64xf32, #tpu.memory_space<hbm>>
    %dma_wait3A_68 = arith.constant 0 : i32
    %dma_wait3A_69 = arith.constant 0 : i32
    %dma_wait3A_70 = tpu.memref_slice %arg4[%add3A_60, %dma_wait3A_68, %dma_wait3A_69] : memref<4096x200x64xf32, #tpu.memory_space<hbm>> -> memref<1x200x64xf32, #tpu.memory_space<hbm>>
    %dma_wait3A_71 = tpu.memref_squeeze %dma_wait3A_70 : memref<1x200x64xf32, #tpu.memory_space<hbm>> -> memref<200x64xf32, #tpu.memory_space<hbm>>
    %dma_wait3A_72 = arith.constant 440 : i32
    %dma_wait3A_73 = arith.constant 0 : i32
    %dma_wait3A_74 = tpu.memref_slice %arg6[%dma_wait3A_72, %dma_wait3A_73] : memref<640x64xf32, #tpu.memory_space<vmem>> -> memref<200x64xf32, #tpu.memory_space<vmem>>
    tpu.wait_dma2 semaphore(%arg9 : memref<!tpu.dma_semaphore, #tpu.memory_space<semaphore_mem>>) src(%dma_wait3A_74 : memref<200x64xf32, #tpu.memory_space<vmem>>) dst(%dma_wait3A_71 : memref<200x64xf32, #tpu.memory_space<hbm>>)
    %add3A_75 = arith.constant 9 : i32
    %add3A_76 = arith.addi %add3A_11, %add3A_75 : i32
    %dma_wait3A_77 = arith.constant 0 : i32
    %dma_wait3A_78 = arith.constant 0 : i32
    %dma_wait3A_79 = tpu.memref_slice %arg7[%dma_wait3A_77, %dma_wait3A_78] : memref<640x64xf32, #tpu.memory_space<vmem>> -> memref<80x64xf32, #tpu.memory_space<vmem>>
    %dma_wait3A_80 = arith.constant 120 : i32
    %dma_wait3A_81 = arith.constant 0 : i32
    %dma_wait3A_82 = tpu.memref_slice %arg4[%add3A_76, %dma_wait3A_80, %dma_wait3A_81] : memref<4096x200x64xf32, #tpu.memory_space<hbm>> -> memref<1x80x64xf32, #tpu.memory_space<hbm>>
    %dma_wait3A_83 = tpu.memref_squeeze %dma_wait3A_82 : memref<1x80x64xf32, #tpu.memory_space<hbm>> -> memref<80x64xf32, #tpu.memory_space<hbm>>
    %dma_wait3A_84 = arith.constant 120 : i32
    %dma_wait3A_85 = arith.constant 0 : i32
    %dma_wait3A_86 = tpu.memref_slice %arg4[%add3A_76, %dma_wait3A_84, %dma_wait3A_85] : memref<4096x200x64xf32, #tpu.memory_space<hbm>> -> memref<1x80x64xf32, #tpu.memory_space<hbm>>
    %dma_wait3A_87 = tpu.memref_squeeze %dma_wait3A_86 : memref<1x80x64xf32, #tpu.memory_space<hbm>> -> memref<80x64xf32, #tpu.memory_space<hbm>>
    %dma_wait3A_88 = arith.constant 0 : i32
    %dma_wait3A_89 = arith.constant 0 : i32
    %dma_wait3A_90 = tpu.memref_slice %arg7[%dma_wait3A_88, %dma_wait3A_89] : memref<640x64xf32, #tpu.memory_space<vmem>> -> memref<80x64xf32, #tpu.memory_space<vmem>>
    tpu.wait_dma2 semaphore(%arg10 : memref<!tpu.dma_semaphore, #tpu.memory_space<semaphore_mem>>) src(%dma_wait3A_90 : memref<80x64xf32, #tpu.memory_space<vmem>>) dst(%dma_wait3A_87 : memref<80x64xf32, #tpu.memory_space<hbm>>)
    %add3A_91 = arith.constant 10 : i32
    %add3A_92 = arith.addi %add3A_11, %add3A_91 : i32
    %dma_wait3A_93 = arith.constant 80 : i32
    %dma_wait3A_94 = arith.constant 0 : i32
    %dma_wait3A_95 = tpu.memref_slice %arg7[%dma_wait3A_93, %dma_wait3A_94] : memref<640x64xf32, #tpu.memory_space<vmem>> -> memref<200x64xf32, #tpu.memory_space<vmem>>
    %dma_wait3A_96 = arith.constant 0 : i32
    %dma_wait3A_97 = arith.constant 0 : i32
    %dma_wait3A_98 = tpu.memref_slice %arg4[%add3A_92, %dma_wait3A_96, %dma_wait3A_97] : memref<4096x200x64xf32, #tpu.memory_space<hbm>> -> memref<1x200x64xf32, #tpu.memory_space<hbm>>
    %dma_wait3A_99 = tpu.memref_squeeze %dma_wait3A_98 : memref<1x200x64xf32, #tpu.memory_space<hbm>> -> memref<200x64xf32, #tpu.memory_space<hbm>>
    %dma_wait3A_100 = arith.constant 0 : i32
    %dma_wait3A_101 = arith.constant 0 : i32
    %dma_wait3A_102 = tpu.memref_slice %arg4[%add3A_92, %dma_wait3A_100, %dma_wait3A_101] : memref<4096x200x64xf32, #tpu.memory_space<hbm>> -> memref<1x200x64xf32, #tpu.memory_space<hbm>>
    %dma_wait3A_103 = tpu.memref_squeeze %dma_wait3A_102 : memref<1x200x64xf32, #tpu.memory_space<hbm>> -> memref<200x64xf32, #tpu.memory_space<hbm>>
    %dma_wait3A_104 = arith.constant 80 : i32
    %dma_wait3A_105 = arith.constant 0 : i32
    %dma_wait3A_106 = tpu.memref_slice %arg7[%dma_wait3A_104, %dma_wait3A_105] : memref<640x64xf32, #tpu.memory_space<vmem>> -> memref<200x64xf32, #tpu.memory_space<vmem>>
    tpu.wait_dma2 semaphore(%arg10 : memref<!tpu.dma_semaphore, #tpu.memory_space<semaphore_mem>>) src(%dma_wait3A_106 : memref<200x64xf32, #tpu.memory_space<vmem>>) dst(%dma_wait3A_103 : memref<200x64xf32, #tpu.memory_space<hbm>>)
    %add3A_107 = arith.constant 11 : i32
    %add3A_108 = arith.addi %add3A_11, %add3A_107 : i32
    %dma_wait3A_109 = arith.constant 280 : i32
    %dma_wait3A_110 = arith.constant 0 : i32
    %dma_wait3A_111 = tpu.memref_slice %arg7[%dma_wait3A_109, %dma_wait3A_110] : memref<640x64xf32, #tpu.memory_space<vmem>> -> memref<200x64xf32, #tpu.memory_space<vmem>>
    %dma_wait3A_112 = arith.constant 0 : i32
    %dma_wait3A_113 = arith.constant 0 : i32
    %dma_wait3A_114 = tpu.memref_slice %arg4[%add3A_108, %dma_wait3A_112, %dma_wait3A_113] : memref<4096x200x64xf32, #tpu.memory_space<hbm>> -> memref<1x200x64xf32, #tpu.memory_space<hbm>>
    %dma_wait3A_115 = tpu.memref_squeeze %dma_wait3A_114 : memref<1x200x64xf32, #tpu.memory_space<hbm>> -> memref<200x64xf32, #tpu.memory_space<hbm>>
    %dma_wait3A_116 = arith.constant 0 : i32
    %dma_wait3A_117 = arith.constant 0 : i32
    %dma_wait3A_118 = tpu.memref_slice %arg4[%add3A_108, %dma_wait3A_116, %dma_wait3A_117] : memref<4096x200x64xf32, #tpu.memory_space<hbm>> -> memref<1x200x64xf32, #tpu.memory_space<hbm>>
    %dma_wait3A_119 = tpu.memref_squeeze %dma_wait3A_118 : memref<1x200x64xf32, #tpu.memory_space<hbm>> -> memref<200x64xf32, #tpu.memory_space<hbm>>
    %dma_wait3A_120 = arith.constant 280 : i32
    %dma_wait3A_121 = arith.constant 0 : i32
    %dma_wait3A_122 = tpu.memref_slice %arg7[%dma_wait3A_120, %dma_wait3A_121] : memref<640x64xf32, #tpu.memory_space<vmem>> -> memref<200x64xf32, #tpu.memory_space<vmem>>
    tpu.wait_dma2 semaphore(%arg10 : memref<!tpu.dma_semaphore, #tpu.memory_space<semaphore_mem>>) src(%dma_wait3A_122 : memref<200x64xf32, #tpu.memory_space<vmem>>) dst(%dma_wait3A_119 : memref<200x64xf32, #tpu.memory_space<hbm>>)
    %add3A_123 = arith.constant 12 : i32
    %add3A_124 = arith.addi %add3A_11, %add3A_123 : i32
    %dma_wait3A_125 = arith.constant 480 : i32
    %dma_wait3A_126 = arith.constant 0 : i32
    %dma_wait3A_127 = tpu.memref_slice %arg7[%dma_wait3A_125, %dma_wait3A_126] : memref<640x64xf32, #tpu.memory_space<vmem>> -> memref<160x64xf32, #tpu.memory_space<vmem>>
    %dma_wait3A_128 = arith.constant 0 : i32
    %dma_wait3A_129 = arith.constant 0 : i32
    %dma_wait3A_130 = tpu.memref_slice %arg4[%add3A_124, %dma_wait3A_128, %dma_wait3A_129] : memref<4096x200x64xf32, #tpu.memory_space<hbm>> -> memref<1x160x64xf32, #tpu.memory_space<hbm>>
    %dma_wait3A_131 = tpu.memref_squeeze %dma_wait3A_130 : memref<1x160x64xf32, #tpu.memory_space<hbm>> -> memref<160x64xf32, #tpu.memory_space<hbm>>
    %dma_wait3A_132 = arith.constant 0 : i32
    %dma_wait3A_133 = arith.constant 0 : i32
    %dma_wait3A_134 = tpu.memref_slice %arg4[%add3A_124, %dma_wait3A_132, %dma_wait3A_133] : memref<4096x200x64xf32, #tpu.memory_space<hbm>> -> memref<1x160x64xf32, #tpu.memory_space<hbm>>
    %dma_wait3A_135 = tpu.memref_squeeze %dma_wait3A_134 : memref<1x160x64xf32, #tpu.memory_space<hbm>> -> memref<160x64xf32, #tpu.memory_space<hbm>>
    %dma_wait3A_136 = arith.constant 480 : i32
    %dma_wait3A_137 = arith.constant 0 : i32
    %dma_wait3A_138 = tpu.memref_slice %arg7[%dma_wait3A_136, %dma_wait3A_137] : memref<640x64xf32, #tpu.memory_space<vmem>> -> memref<160x64xf32, #tpu.memory_space<vmem>>
    tpu.wait_dma2 semaphore(%arg10 : memref<!tpu.dma_semaphore, #tpu.memory_space<semaphore_mem>>) src(%dma_wait3A_138 : memref<160x64xf32, #tpu.memory_space<vmem>>) dst(%dma_wait3A_135 : memref<160x64xf32, #tpu.memory_space<hbm>>)
    return
  }
}

</mosaic_0001>

<sc_bundles>
// kernel: kernel.3.cloned.1.call-start
scs
__scs_entry_jumppad:
0x0: {  	(pc) =	sbr.rel $0x88, $3  }
0x1: {  	(tag) =	ssettag $0x0;
	lr =	simm.s32 $0x1  }
0x2: {  	[smem:$0x3F9F] =	sst lr;
	_ =	strace $0xD0000000  }
0x3: {  	_ = 	snop  }
0x4: {  	_ = 	snop  }
0x5: {  	_ = 	snop  }
0x6: {  	_ = 	snop  }
0x7: {  	_ = 	snop  }
__scs_overlays_trampoline_lowered:
0x8: {  	[smem:$0x3FAE] =	sst s0  }
0x9: {  	[smem:$0x3FAF] =	sst s1  }
0xa: {  	[smem:$0x3FB0] =	sst s2  }
0xb: {  	[smem:$0x3FB1] =	sst s3  }
0xc: {  	[smem:$0x3FB2] =	sst s4  }
0xd: {  	[smem:$0x3FB3] =	sst s5  }
0xe: {  	[smem:$0x3FB4] =	sst s6  }
0xf: {  	[smem:$0x3FB5] =	sst s7  }
0x10: {  	[smem:$0x3FB6] =	sst s8  }
0x11: {  	[smem:$0x3FB7] =	sst s9;
	s0 =	simm.s32 @!p0 $0x0  }
0x12: {  	s1 =	sld [smem:$0x3F9D];
	s0 =	simm.s32 @p0 $0x1  }
0x13: {  	[smem:$0x3FB8] =	sst s0;
	s0 =	simm.s32 @!p1 $0x0  }
0x14: {  	s2 =	sld [smem:$0x3F9C];
	s0 =	simm.s32 @p1 $0x1  }
0x15: {  	[smem:$0x3FB9] =	sst s0;
	s0 =	simm.s32 @!p2 $0x0  }
0x16: {  	s3 =	sld [smem:$0x3FDB];
	s0 =	simm.s32 @p2 $0x1  }
0x17: {  	s4 =	simm.s32 $0x1BF5;
	[smem:$0x3FBB] =	sst s0  }
0x18: {  	s0 =	sld [smem:$0x3F9E];
	_ =	swait.ge [sflag:s4], $0x0  }
0x19: {  	s7 =	sld [smem:$0x3F9F]  }
0x1a: {  	s8 =	sadd.s32 $0xFFFFE003, lr  }
0x1b: {  	s9 =	sadd.s32 $0xFFFFFEF7, lr;
	s5 =	simm.s32 $0xFFFFFFFF;
	p2 =	slt.u32 s8, $0xFFFFF086  }
0x1c: {  	p1 =	slt.u32 s9, $0xF7A;
	s5 =	simm.s32 @!p2 $0x0  }
0x1d: {  	s5 =	simm.s32 @p1 $0x1;
	p0 =	seq.s32 s7, s2  }
0x1e: {  	s7 =	smul.u32 @!p0 $0xF7A, s2;
	p2 =	seq.s32 @!p0 s5, $0x0  }
0x1f: {  	s9 =	smul.u32 $0xF7A, s1;
	s8 =	simm.s32 @!p0 $0x1BF5;
	p2 =	por !p2, p0  }
0x20: {  	[sflag:s8] =	ssyncset.s32 @!p0 $0xFFFFF086;
	s6 =	sadd.s32 @!p0 s3, s7;
	s7 =	simm.s32 @!p0 $0x108  }
0x21: {  	s3 =	sadd.s32 s3, s9;
	s6 =	sadd.s32 @!p0 $0x88, s6;
	s7 =	simm.s32 @p2 $0x1082  }
0x22: {  	[simem:s7], [sflag:s8] =	dma.local @!p0 [hbm:s6], $0xF7A  }
0x23: {  	s9 =	sor.u32 $0xD0000000, s2;
	s6 =	simm.s32 $0x108;
	_ =	swait.ge @!p0 [sflag:s8], $0x0  }
0x24: {  	s3 =	sadd.s32 $0x88, s3;
	s6 =	simm.s32 @!p1 $0x1082;
	[sflag:s4] =	ssyncset.s32 $0xFFFFF086  }
0x25: {  	[simem:s6], [sflag:s4] =	dma.local [hbm:s3], $0xF7A  }
0x26: {  	[smem:$0x3F9F] =	sst s1;
	(tag) =	ssettag s2;
	_ =	strace s9  }
0x27: {  	s1 =	sld [smem:$0x3FAF]  }
0x28: {  	s2 =	sld [smem:$0x3FB0]  }
0x29: {  	s4 =	sld [smem:$0x3FB2]  }
0x2a: {  	p0 =	seq.s32 s5, $0x0;
	s5 =	sld [smem:$0x3FB3]  }
0x2b: {  	s6 =	sld [smem:$0x3FB4]  }
0x2c: {  	s7 =	sld [smem:$0x3FB5]  }
0x2d: {  	s3 =	simm.s32 $0x108;
	s8 =	sld [smem:$0x3FB6]  }
0x2e: {  	s3 =	simm.s32 @!p0 $0x1082;
	s9 =	sld [smem:$0x3FB7]  }
0x2f: {  	lr =	sadd.s32 s0, s3;
	s0 =	sld [smem:$0x3FAE]  }
0x30: {  	s3 =	sld [smem:$0x3FB1]  }
0x31: {  	[smem:$0x3FBA] =	sst s10  }
0x32: {  	s10 =	sld [smem:$0x3FB8];
	_ =	sdelay $0x3  }
0x33: {  	p0 =	seq.s32 s10, $0x1;
	s10 =	sld [smem:$0x3FBA];
	_ =	sdelay $0x3  }
0x34: {  	[smem:$0x3FBA] =	sst s10  }
0x35: {  	s10 =	sld [smem:$0x3FB9];
	_ =	sdelay $0x3  }
0x36: {  	p1 =	seq.s32 s10, $0x1;
	s10 =	sld [smem:$0x3FBA];
	_ =	sdelay $0x3  }
0x37: {  	[smem:$0x3FBA] =	sst s10  }
0x38: {  	s10 =	sld [smem:$0x3FBB]  }
0x39: {  	_ = 	snop;
	(pc) =	sbr.ind lr, $3  }
0x3a: {  	_ = 	snop  }
0x3b: {  	_ = 	snop  }
0x3c: {  	p2 =	seq.s32 s10, $0x1;
	s10 =	sld [smem:$0x3FBA]  }
0x3d: {  	_ =	shalt  }
0x3e: {  	_ =	shalt  }
0x3f: {  	_ =	shalt  }
0x40: {  	_ =	shalt  }
0x41: {  	_ =	shalt  }
0x42: {  	_ =	shalt  }
0x43: {  	_ =	shalt  }
0x44: {  	_ =	shalt  }
0x45: {  	_ =	shalt  }
0x46: {  	_ =	shalt  }
0x47: {  	_ =	shalt  }
0x48: {  	_ =	shalt  }
0x49: {  	_ =	shalt  }
0x4a: {  	_ =	shalt  }
0x4b: {  	_ =	shalt  }
0x4c: {  	_ =	shalt  }
0x4d: {  	_ =	shalt  }
0x4e: {  	_ =	shalt  }
0x4f: {  	_ =	shalt  }
0x50: {  	_ =	shalt  }
0x51: {  	_ =	shalt  }
0x52: {  	_ =	shalt  }
0x53: {  	_ =	shalt  }
0x54: {  	_ =	shalt  }
0x55: {  	_ =	shalt  }
0x56: {  	_ =	shalt  }
0x57: {  	_ =	shalt  }
0x58: {  	_ =	shalt  }
0x59: {  	_ =	shalt  }
0x5a: {  	_ =	shalt  }
0x5b: {  	_ =	shalt  }
0x5c: {  	_ =	shalt  }
0x5d: {  	_ =	shalt  }
0x5e: {  	_ =	shalt  }
0x5f: {  	_ =	shalt  }
0x60: {  	_ =	shalt  }
0x61: {  	_ =	shalt  }
0x62: {  	_ =	shalt  }
0x63: {  	_ =	shalt  }
0x64: {  	_ =	shalt  }
0x65: {  	_ =	shalt  }
0x66: {  	_ =	shalt  }
0x67: {  	_ =	shalt  }
0x68: {  	_ =	shalt  }
0x69: {  	_ =	shalt  }
0x6a: {  	_ =	shalt  }
0x6b: {  	_ =	shalt  }
0x6c: {  	_ =	shalt  }
0x6d: {  	_ =	shalt  }
0x6e: {  	_ =	shalt  }
0x6f: {  	_ =	shalt  }
0x70: {  	_ =	shalt  }
0x71: {  	_ =	shalt  }
0x72: {  	_ =	shalt  }
0x73: {  	_ =	shalt  }
0x74: {  	_ =	shalt  }
0x75: {  	_ =	shalt  }
0x76: {  	_ =	shalt  }
0x77: {  	_ =	shalt  }
0x78: {  	_ =	shalt  }
0x79: {  	_ =	shalt  }
0x7a: {  	_ =	shalt  }
0x7b: {  	_ =	shalt  }
0x7c: {  	_ =	shalt  }
0x7d: {  	_ =	shalt  }
0x7e: {  	_ =	shalt  }
0x7f: {  	_ =	shalt  }
0x80: {  	_ =	shalt  }
0x81: {  	_ =	shalt  }
0x82: {  	_ =	shalt  }
0x83: {  	_ =	shalt  }
0x84: {  	_ =	shalt  }
0x85: {  	_ =	shalt  }
0x86: {  	_ =	shalt  }
0x87: {  	_ =	shalt  }
.Lfunc_end0:
.L_simem_size_0:
called_computation.1_lowered:
.L_overlay_start_0:
0x88: {  	s2 =	sld [smem:$0x3FD9]  }
0x89: {  	s3 =	sld [smem:$0x3FFE];
	_ =	sdelay $0x1  }
0x8a: {  	s1 =	srdreg.scid  }
0x8b: {  	s0 =	sand.u32 $0x1, s1  }
0x8c: {  	s17 =	sshll.u32 s0, $0xA;
	s2 =	sadd.s32 s3, s2  }
0x8d: {  	s2 =	sadd.s32 s2, s17  }
0x8e: {  	[smem:$0x3FC6] =	sst s2  }
0x8f: {  	_ = 	snop  }
0x90: {  	s2 =	sld [smem:$0x3FD0];
	(tm) =	ssettm $0x1  }
0x91: {  	s18 =	sld [smem:$0x3FFB];
	_ =	sdelay $0x3  }
0x92: {  	_ =	strace s18  }
0x93: {  	s3 =	sld [smem:$0x3FFC];
	_ =	sdelay $0x3  }
0x94: {  	_ =	strace s3  }
0x95: {  	s3 =	sld [smem:$0x3FFD];
	_ =	sdelay $0x3  }
0x96: {  	_ =	strace s3  }
0x97: {  	_ =	strace $0x8FFFFFFF  }
0x98: {  	s19 =	sld [smem:$0x3FDB];
	_ =	sdelay $0x1  }
0x99: {  	s4 =	simm.s32 $_scs_section_size  }
0x9a: {  	s5 =	simm.s32 $_size__tile_overlayer_lowered;
	s6 =	simm.s32 $_tile_overlayer_lowered  }
0x9b: {  	s22 =	simm.s32 $0x1BFF;
	s21 =	sshll.u32 s6, $0x1;
	s3 =	sadd.s32 s4, s19  }
0x9c: {  	s7 =	simm.s32 $0x0;
	s20 =	sshll.u32 s5, $0x1;
	s5 =	sadd.s32 s21, s3  }
0x9d: {  	[timem:s7], [sflag:s22] =	dma.local [hbm:s5], s20  }
0x9e: {  	_ =	swait.ge [sflag:s22], s20  }
0x9f: {  	s4 =	ssub.s32 $0x0, s20;
	[sflag:s22] =	ssyncset.done $0x0  }
0xa0: {  	[sflag:s22] =	ssyncadd.s32 s4;
	_ =	sdelay $0x1  }
0xa1: {  	s23 =	simm.s32 $0x1B8B  }
0xa2: {  	_ =	swait.ge [sflag:s23], $0x1  }
0xa3: {  	[sflag:s23] =	ssyncset.done $0x0  }
0xa4: {  	s25 =	simm.s32 $0x1B8E;
	s24 =	sld [smem:$0x3FFE];
	[sflag:s23] =	ssyncadd.s32 $0xFFFFFFFF  }
0xa5: {  	s26 =	simm.s32 $execute0_lowered;
	[smem:$0x3FD2] =	sst s25  }
0xa6: {  	s5 =	sshll.u32 s26, $0x1;
	_ =	strace $0x80000046;
	[dreg:$0x1] =	wrdreg $0xFFFFFFFF  }
0xa7: {  	s28 =	simm.s32 $_size_execute0_lowered;
	s3 =	sadd.s32 s3, s5;
	[dreg:$0x0] =	wrdreg $0x0  }
0xa8: {  	s5 =	sshll.u32 s28, $0x1;
	[dreg:$0x2] =	wrdreg s3  }
0xa9: {  	[dreg:$0x3] =	wrdreg s5  }
0xaa: {  	[dreg:$0x4] =	wrdreg $0xC0  }
0xab: {  	_ =	task [dreg:s7], $0x5FFFF  }
0xac: {  	[dreg:$0x1] =	wrdreg $0xFFFFFFFF  }
0xad: {  	[dreg:$0x0] =	wrdreg $0x60  }
0xae: {  	[dreg:$0x2] =	wrdreg s24  }
0xaf: {  	[dreg:$0x3] =	wrdreg s2  }
0xb0: {  	[dreg:$0x4] =	wrdreg $0x9  }
0xb1: {  	_ =	task.clear_ibuf [dreg:s7], $0x5FFFF;
	_ =	strace $0x90000046  }
0xb2: {  	s29 =	simm.s32 $0x9;
	_ =	strace $0x80000048  }
0xb3: {  	_ =	swait.ge [sflag:s29], $0x1  }
0xb4: {  	[sflag:s29] =	ssyncadd.s32 $0xFFFFFFFF  }
0xb5: {  	_ =	strace $0x90000048  }
0xb6: {  	_ =	sfence  }
0xb7: {  	s30 =	sld [smem:$0x0];
	_ =	sdelay $0x2  }
0xb8: {  	s31 =	sshll.u32 s1, $0xD;
	s1 =	sshrl.u32 s1, $0x2  }
0xb9: {  	s3 =	sand.u32 $0x4000, s31;
	s1 =	sadd.s32 s1, s30  }
0xba: {  	s0 =	sor.u32 s3, s0;
	s1 =	sshll.u32 s1, $0x11  }
0xbb: {  	s0 =	sor.u32 s1, s0  }
0xbc: {  	s0 =	sadd.s32 $0x8F2B, s0  }
0xbd: {  	[sflag:s0] =	ssyncadd.remote.s32 $0x1  }
0xbe: {  	_ =	sfence.sel $0xFFFF  }
0xbf: {  	[dreg:$0x0] =	wrdreg $0xFFFFFFFF;
	(pc) =	sbr.abs _section_cstart, $3  }
0xc0: {  	[dreg:$0x1] =	wrdreg $0xFFFFFFFF  }
0xc1: {  	_ =	task.clear_ibuf [dreg:s7], $0x2FFFF;
	_ =	strace $0x9FFFFFFF  }
0xc2: {  	(tm) =	ssettm $0x7FFFFFFF  }
0xc3: {  	_ =	shalt  }
tec
execute0_lowered:
.L_overlay_start_1:
0x0: {  	(tag) =	ssettag $0x1  }
0x1: {  	s0 =	stileid.u32;
	s1 =	srdreg.scid  }
0x2: {  	s4 =	sand.u32 $0x1, s1;
	s11 =	smul.u32 $0x320000, s0  }
0x3: {  	s2 =	smul.u32 $0x190000, s4;
	_ =	sdelay $0x1  }
0x4: {  	s3 =	rddreg [dreg:$0x0];
	s6 =	sadd.s32 s2, s11  }
0x5: {  	s5 =	rddreg [dreg:$0x1];
	s2 =	simm.s32 $0x0;
	s7 =	sadd.s32 $0x2EE00, s6  }
0x6: {  	[smem:$0x7FF] =	sst s2;
	s8 =	sadd.s32 $0x2BC00, s6;
	s13 =	sadd.s32 $0x28A00, s6  }
0x7: {  	s15 =	sadd.s32 $0x25800, s6;
	s9 =	sadd.s32 $0x28000, s6;
	s22 =	sadd.s32 $0x1C200, s6  }
0x8: {  	s30 =	sadd.s32 $0x15E00, s6;
	s10 =	sadd.s32 $0x12C00, s6;
	s7 =	sshrl.u32 s7, $0x3  }
0x9: {  	_ =	strace $0x80000047;
	s1 =	sshrl.u32 s30, $0x3;
	s30 =	simm.s32 $0x200  }
0xa: {  	s11 =	sshrl.u32 s10, $0x3;
	s10 =	simm.s32 $0x400;
	[dreg:$0x19] =	wrdreg s30  }
0xb: {  	s8 =	sshrl.u32 s8, $0x3;
	s7 =	sadd.s32 s7, s5;
	[smem:$0x7E1] =	sst s10  }
0xc: {  	s17 =	sshrl.u32 s9, $0x3;
	s12 =	sadd.s32 s8, s5;
	[dreg:$0x3] =	wrdreg s7  }
0xd: {  	s24 =	sshrl.u32 s22, $0x3;
	s18 =	sadd.s32 s17, s5;
	[dreg:$0x4] =	wrdreg s12  }
0xe: {  	s14 =	sshrl.u32 s13, $0x3;
	s25 =	sadd.s32 s24, s5;
	[dreg:$0x7] =	wrdreg s18  }
0xf: {  	s13 =	sor.u32 $0xFA00, s6;
	s9 =	sadd.s32 s1, s5;
	[dreg:$0xa] =	wrdreg s25  }
0x10: {  	s8 =	sshrl.u32 s15, $0x3;
	s1 =	simm.s32 $0x7080;
	[dreg:$0xd] =	wrdreg s9  }
0x11: {  	s15 =	sshrl.u32 s13, $0x3;
	s13 =	simm.s32 $0x10680;
	[dreg:$0x1b] =	wrdreg s1  }
0x12: {  	s30 =	simm.s32 $0x880;
	[smem:$0x7E4] =	sst s13  }
0x13: {  	s10 =	simm.s32 $0x980;
	[smem:$0x7F0] =	sst s30  }
0x14: {  	s19 =	sadd.s32 $0x22600, s6;
	s7 =	sadd.s32 s14, s5;
	[smem:$0x7F2] =	sst s10  }
0x15: {  	s21 =	sadd.s32 $0x1F400, s6;
	s16 =	sadd.s32 s8, s5;
	[dreg:$0x5] =	wrdreg s7  }
0x16: {  	s17 =	sor.u32 $0xC800, s6;
	s9 =	simm.s32 $0x380;
	[dreg:$0x6] =	wrdreg s16  }
0x17: {  	s18 =	sshrl.u32 s17, $0x3;
	s17 =	simm.s32 $0x580;
	[dreg:$0x1f] =	wrdreg s9  }
0x18: {  	s20 =	sshrl.u32 s19, $0x3;
	s13 =	simm.s32 $0x12480;
	[smem:$0x7E7] =	sst s17  }
0x19: {  	s8 =	sshrl.u32 s21, $0x3;
	s7 =	sadd.s32 s20, s5;
	[smem:$0x7F5] =	sst s13  }
0x1a: {  	s23 =	sadd.s32 s8, s5;
	[dreg:$0x8] =	wrdreg s7  }
0x1b: {  	s29 =	sadd.s32 $0x19000, s6;
	s16 =	sadd.s32 s15, s5;
	[dreg:$0x9] =	wrdreg s23  }
0x1c: {  	s8 =	sshrl.u32 s29, $0x3;
	s29 =	simm.s32 $0x180;
	[dreg:$0x10] =	wrdreg s16  }
0x1d: {  	s26 =	sadd.s32 $0x1E000, s6;
	s15 =	simm.s32 $0x13880;
	[dreg:$0x18] =	wrdreg s29  }
0x1e: {  	s28 =	sshrl.u32 s26, $0x3;
	s17 =	simm.s32 $0xB80;
	[smem:$0x7E5] =	sst s15  }
0x1f: {  	s7 =	sadd.s32 s28, s5;
	[smem:$0x7F9] =	sst s17  }
0x20: {  	s31 =	sadd.s32 s8, s5;
	[dreg:$0xb] =	wrdreg s7  }
0x21: {  	s12 =	sadd.s32 $0x14000, s6;
	s28 =	simm.s32 $0x100;
	[dreg:$0xc] =	wrdreg s31  }
0x22: {  	s8 =	sshrl.u32 s12, $0x3;
	s12 =	simm.s32 $0xD480;
	[dreg:$0x17] =	wrdreg s28  }
0x23: {  	s20 =	sor.u32 $0xA000, s6;
	s16 =	simm.s32 $0x500;
	[smem:$0x7E3] =	sst s12  }
0x24: {  	s22 =	sshrl.u32 s20, $0x3;
	s20 =	simm.s32 $0x680;
	[smem:$0x7E6] =	sst s16  }
0x25: {  	s19 =	sor.u32 $0x9600, s6;
	s29 =	simm.s32 $0x800;
	[smem:$0x7E9] =	sst s20  }
0x26: {  	s26 =	smul.u32 $0x32000, s4;
	s15 =	simm.s32 $0xA80;
	[smem:$0x7EF] =	sst s29  }
0x27: {  	s24 =	sor.u32 $0x6400, s6;
	s7 =	sadd.s32 s11, s5;
	[smem:$0x7F7] =	sst s15  }
0x28: {  	s6 =	sor.u32 $0x3200, s6;
	s14 =	sadd.s32 s8, s5;
	[dreg:$0xe] =	wrdreg s7  }
0x29: {  	s6 =	sshrl.u32 s6, $0x3;
	s23 =	sadd.s32 s22, s5;
	[dreg:$0xf] =	wrdreg s14  }
0x2a: {  	s25 =	smul.u32 $0x64000, s0;
	s6 =	sadd.s32 s6, s5;
	[dreg:$0x13] =	wrdreg s23  }
0x2b: {  	s10 =	simm.s32 $0x4C80;
	s31 =	simm.s32 $0x3E80;
	[dreg:$0x15] =	wrdreg s6  }
0x2c: {  	s9 =	simm.s32 $0x2C80;
	s11 =	simm.s32 $0x480;
	[dreg:$0x1a] =	wrdreg s31  }
0x2d: {  	s13 =	simm.s32 $0x1;
	s22 =	simm.s32 $0x700;
	[smem:$0x7E2] =	sst s11  }
0x2e: {  	s17 =	simm.s32 $0x10C80;
	s28 =	simm.s32 $0x780;
	[smem:$0x7EA] =	sst s22  }
0x2f: {  	s8 =	sshrl.u32 s19, $0x3;
	s12 =	simm.s32 $0xF280;
	[smem:$0x7EE] =	sst s28  }
0x30: {  	s19 =	ssub.s32 $0x2, s4;
	s16 =	simm.s32 $0xB00;
	[smem:$0x7F4] =	sst s12  }
0x31: {  	s15 =	simm.s32 $0xCC80;
	s20 =	simm.s32 $0x4880;
	[smem:$0x7F8] =	sst s16  }
0x32: {  	s7 =	sadd.s32 s18, s5;
	s21 =	sadd.s32 s8, s5;
	[smem:$0x7FC] =	sst s20  }
0x33: {  	s6 =	simm.s32 $0xA280;
	s8 =	simm.s32 $0x300;
	[dreg:$0x11] =	wrdreg s7  }
0x34: {  	s14 =	smul.u32 $0x1900, s0;
	s18 =	simm.s32 $0x600;
	[dreg:$0x12] =	wrdreg s21  }
0x35: {  	s23 =	simm.s32 $0x2A80;
	s31 =	simm.s32 $0x900;
	[dreg:$0x1c] =	wrdreg s6  }
0x36: {  	s11 =	simm.s32 $0xC080;
	s12 =	simm.s32 $0x8C80;
	[dreg:$0x1e] =	wrdreg s8  }
0x37: {  	s16 =	simm.s32 $0xEC80;
	s20 =	simm.s32 $0x3;
	[smem:$0x7E8] =	sst s18  }
0x38: {  	s7 =	sshrl.u32 s24, $0x3;
	s21 =	sshrl.u32 s19, $0x1;
	[smem:$0x7EB] =	sst s23  }
0x39: {  	s24 =	smul.u32 $0xC80, s4;
	s8 =	simm.s32 $0xC80;
	[smem:$0x7F1] =	sst s31  }
0x3a: {  	[smem:$0x7F3] =	sst s11;
	s11 =	simm.s32 $0x6C80;
	s18 =	simm.s32 $0xC00  }
0x3b: {  	s7 =	sadd.s32 s7, s5;
	s5 =	sadd.s32 s25, s5;
	[smem:$0x7FA] =	sst s18  }
0x3c: {  	s6 =	sadd.s32 s14, s3;
	s25 =	simm.s32 $0x5C80;
	[dreg:$0x14] =	wrdreg s7  }
0x3d: {  	s3 =	sadd.s32 $0xF42E00, s3;
	s14 =	simm.s32 $0xA00;
	[smem:$0x7EC] =	sst s25  }
0x3e: {  	s18 =	simm.s32 $0x12C80;
	s5 =	sadd.s32 s26, s5;
	[smem:$0x7F6] =	sst s14  }
0x3f: {  	s7 =	simm.s32 $0x280;
	s26 =	simm.s32 $0x8E80;
	[dreg:$0x16] =	wrdreg s5  }
0x40: {  	s6 =	sadd.s32 s24, s6;
	s14 =	simm.s32 $0xAC80;
	[dreg:$0x1d] =	wrdreg s7  }
0x41: {  	s7 =	ssub.s32 s19, s21;
	[smem:$0x7ED] =	sst s26;
	s5 =	sadd.s32 $0xA00, s6  }
0x42: {  	s6 =	simm.s32 $0x4;
	s19 =	simm.s32 $0x1680;
	s21 =	simm.s32 $0x7A80  }
0x43: {  	s4 =	smax.u32 s7, $0x1;
	s7 =	simm.s32 $0x80;
	[smem:$0x7FB] =	sst s19  }
0x44: {  	s19 =	simm.s32 $0x2;
	[smem:$0x7FD] =	sst s21;
	s21 =	simm.s32 $0x0  }
.LBB2_1:
0x45: {  	[tilespmem:s2], [sflag:$0x4] =	stream.linear.gather [hbm4b:s5+s2], $0xC80, $0x38;
	[tilespmem:$0x14C80] =	vst v63  }
0x46: {  	_ =	swait.ge [sflag:s6], $0xC80  }
0x47: {  	p0 =	por $0x1, $0x1;
	[sflag:s6] =	ssyncset.done $0x0  }
0x48: {  	s22 =	simm.s32 @!p0 $0x2;
	[sflag:s6] =	ssyncadd.s32 $0xFFFFF380  }
0x49: {  	_ =	swait.ge @!p0 [sflag:s22], $0x3200  }
0x4a: {  	[sflag:s22] =	ssyncset.done @!p0 $0x0  }
0x4b: {  	[sflag:s22] =	ssyncadd.s32 @!p0 $0xFFFFCE00  }
0x4c: {  	_ =	swait.ge @!p0 [sflag:s22], $0x3200  }
0x4d: {  	[sflag:s22] =	ssyncset.done @!p0 $0x0  }
0x4e: {  	[sflag:s22] =	ssyncadd.s32 @!p0 $0xFFFFCE00  }
0x4f: {  	_ =	swait.ge @!p0 [sflag:s22], $0x3200  }
0x50: {  	[sflag:s22] =	ssyncset.done @!p0 $0x0  }
0x51: {  	[sflag:s22] =	ssyncadd.s32 @!p0 $0xFFFFCE00  }
0x52: {  	_ =	swait.ge @!p0 [sflag:s22], $0xA00  }
0x53: {  	[sflag:s22] =	ssyncset.done @!p0 $0x0  }
0x54: {  	[sflag:s22] =	ssyncadd.s32 @!p0 $0xFFFFF600  }
0x55: {  	[tilespmem:s8], [sflag:$0x1] =	stream.indirect.gather [hbm4b:s3+s7], $0x40, s2, s7, $0xb8;
	[tilespmem:$0x14C80] =	vst v63  }
0x56: {  	_ = 	snop  }
0x57: {  	[tilespmem:s9], [sflag:$0x1] =	stream.indirect.gather [hbm4b:s3+s7], $0x40, s7, s7, $0xb8;
	[tilespmem:$0x14C80] =	vst v63  }
0x58: {  	s25 =	rddreg [dreg:$0x17]  }
0x59: {  	[tilespmem:s10], [sflag:$0x1] =	stream.indirect.gather [hbm4b:s3+s7], $0x40, s25, s7, $0xb8;
	[tilespmem:$0x14C80] =	vst v63  }
0x5a: {  	s23 =	rddreg [dreg:$0x18]  }
0x5b: {  	[tilespmem:s11], [sflag:$0x1] =	stream.indirect.gather [hbm4b:s3+s7], $0x40, s23, s7, $0xb8;
	[tilespmem:$0x14C80] =	vst v63  }
0x5c: {  	s26 =	rddreg [dreg:$0x19]  }
0x5d: {  	[tilespmem:s12], [sflag:$0x1] =	stream.indirect.gather [hbm4b:s3+s7], $0x40, s26, s7, $0xb8;
	[tilespmem:$0x14C80] =	vst v63  }
0x5e: {  	_ =	swait.ge [sflag:s13], $0x2000  }
0x5f: {  	[sflag:s13] =	ssyncset.done $0x0  }
0x60: {  	[sflag:s13] =	ssyncadd.s32 $0xFFFFE000  }
0x61: {  	_ =	swait.ge [sflag:s13], $0x2000  }
0x62: {  	[sflag:s13] =	ssyncset.done $0x0  }
0x63: {  	[sflag:s13] =	ssyncadd.s32 $0xFFFFE000  }
0x64: {  	_ =	swait.ge [sflag:s13], $0x2000  }
0x65: {  	[sflag:s13] =	ssyncset.done $0x0  }
0x66: {  	[sflag:s13] =	ssyncadd.s32 $0xFFFFE000  }
0x67: {  	_ =	swait.ge [sflag:s13], $0x2000  }
0x68: {  	[sflag:s13] =	ssyncset.done $0x0  }
0x69: {  	[sflag:s13] =	ssyncadd.s32 $0xFFFFE000  }
0x6a: {  	_ =	swait.ge [sflag:s13], $0x2000  }
0x6b: {  	s22 =	rddreg [dreg:$0x15]  }
0x6c: {  	s1 =	rddreg [dreg:$0x16]  }
0x6d: {  	s24 =	rddreg [dreg:$0x1b];
	[sflag:s13] =	ssyncset.done $0x0  }
0x6e: {  	s25 =	rddreg [dreg:$0x1a];
	[sflag:s13] =	ssyncadd.s32 $0xFFFFE000;
	s23 =	sadd.s32 $0x0, s1  }
0x6f: {  	[hbm4b:s23+s2] =	stream.linear.scatter [tilespmem:s8], [sflag:$0x2], $0x3200, $0x38;
	[tilespmem:$0x14C80] =	vst v63  }
0x70: {  	s26 =	rddreg [dreg:$0x14];
	s22 =	sadd.s32 $0x0, s22  }
0x71: {  	[hbm4b:s22+s2] =	stream.linear.scatter [tilespmem:s25], [sflag:$0x2], $0x3200, $0x38;
	[tilespmem:$0x14C80] =	vst v63  }
0x72: {  	s26 =	sadd.s32 $0x0, s26;
	s23 =	rddreg [dreg:$0x12]  }
0x73: {  	[hbm4b:s26+s2] =	stream.linear.scatter [tilespmem:s24], [sflag:$0x2], $0x3200, $0x38;
	[tilespmem:$0x14C80] =	vst v63  }
0x74: {  	s1 =	rddreg [dreg:$0x1c];
	s24 =	sadd.s32 $0x0, s23;
	s23 =	simm.s32 @!p0 $0x3  }
0x75: {  	[hbm4b:s24+s2] =	stream.linear.scatter [tilespmem:s1], [sflag:$0x2], $0xA00, $0x38;
	[tilespmem:$0x14C80] =	vst v63  }
0x76: {  	_ =	swait.ge @!p0 [sflag:s23], $0x2800  }
0x77: {  	[sflag:s23] =	ssyncset.done @!p0 $0x0  }
0x78: {  	[sflag:s23] =	ssyncadd.s32 @!p0 $0xFFFFD800  }
0x79: {  	_ =	swait.ge @!p0 [sflag:s23], $0x3200  }
0x7a: {  	[sflag:s23] =	ssyncset.done @!p0 $0x0  }
0x7b: {  	[sflag:s23] =	ssyncadd.s32 @!p0 $0xFFFFCE00  }
0x7c: {  	_ =	swait.ge @!p0 [sflag:s23], $0x3200  }
0x7d: {  	[sflag:s23] =	ssyncset.done @!p0 $0x0  }
0x7e: {  	[sflag:s23] =	ssyncadd.s32 @!p0 $0xFFFFCE00  }
0x7f: {  	_ =	swait.ge @!p0 [sflag:s23], $0x1400  }
0x80: {  	s25 =	rddreg [dreg:$0x1d];
	[sflag:s23] =	ssyncset.done @!p0 $0x0  }
0x81: {  	s26 =	rddreg [dreg:$0x1e];
	[sflag:s23] =	ssyncadd.s32 @!p0 $0xFFFFEC00  }
0x82: {  	[tilespmem:s14], [sflag:$0x1] =	stream.indirect.gather [hbm4b:s3+s7], $0x40, s25, s7, $0xb8;
	[tilespmem:$0x14C80] =	vst v63  }
0x83: {  	s1 =	rddreg [dreg:$0x1f]  }
0x84: {  	[tilespmem:s15], [sflag:$0x1] =	stream.indirect.gather [hbm4b:s3+s7], $0x40, s26, s7, $0xb8;
	[tilespmem:$0x14C80] =	vst v63  }
0x85: {  	s24 =	sld [smem:$0x7E1]  }
0x86: {  	[tilespmem:s16], [sflag:$0x1] =	stream.indirect.gather [hbm4b:s3+s7], $0x40, s1, s7, $0xb8;
	[tilespmem:$0x14C80] =	vst v63  }
0x87: {  	s25 =	sld [smem:$0x7E2]  }
0x88: {  	[tilespmem:s17], [sflag:$0x1] =	stream.indirect.gather [hbm4b:s3+s7], $0x40, s24, s7, $0xb8;
	[tilespmem:$0x14C80] =	vst v63  }
0x89: {  	_ = 	snop  }
0x8a: {  	[tilespmem:s18], [sflag:$0x1] =	stream.indirect.gather [hbm4b:s3+s7], $0x40, s25, s7, $0xb8;
	[tilespmem:$0x14C80] =	vst v63  }
0x8b: {  	_ =	swait.ge [sflag:s13], $0x2000  }
0x8c: {  	[sflag:s13] =	ssyncset.done $0x0  }
0x8d: {  	[sflag:s13] =	ssyncadd.s32 $0xFFFFE000  }
0x8e: {  	_ =	swait.ge [sflag:s13], $0x2000  }
0x8f: {  	[sflag:s13] =	ssyncset.done $0x0  }
0x90: {  	[sflag:s13] =	ssyncadd.s32 $0xFFFFE000  }
0x91: {  	_ =	swait.ge [sflag:s13], $0x2000  }
0x92: {  	[sflag:s13] =	ssyncset.done $0x0  }
0x93: {  	[sflag:s13] =	ssyncadd.s32 $0xFFFFE000  }
0x94: {  	_ =	swait.ge [sflag:s13], $0x2000  }
0x95: {  	[sflag:s13] =	ssyncset.done $0x0  }
0x96: {  	[sflag:s13] =	ssyncadd.s32 $0xFFFFE000  }
0x97: {  	_ =	swait.ge [sflag:s13], $0x2000  }
0x98: {  	s22 =	rddreg [dreg:$0xe]  }
0x99: {  	s26 =	rddreg [dreg:$0x13]  }
0x9a: {  	s1 =	rddreg [dreg:$0x11]  }
0x9b: {  	[sflag:s13] =	ssyncset.done $0x0;
	s25 =	sld [smem:$0x7E3]  }
0x9c: {  	[sflag:s13] =	ssyncadd.s32 $0xFFFFE000;
	s23 =	sadd.s32 $0x0, s26;
	s26 =	rddreg [dreg:$0x10]  }
0x9d: {  	[hbm4b:s23+s2] =	stream.linear.scatter [tilespmem:s14], [sflag:$0x3], $0x2800, $0x38;
	[tilespmem:$0x14C80] =	vst v63  }
0x9e: {  	s24 =	sadd.s32 $0x0, s1;
	s1 =	sld [smem:$0x7E4]  }
0x9f: {  	[hbm4b:s24+s2] =	stream.linear.scatter [tilespmem:s25], [sflag:$0x3], $0x3200, $0x38;
	[tilespmem:$0x14C80] =	vst v63  }
0xa0: {  	s25 =	sadd.s32 $0x0, s26;
	s26 =	sld [smem:$0x7E5]  }
0xa1: {  	[hbm4b:s25+s2] =	stream.linear.scatter [tilespmem:s1], [sflag:$0x3], $0x3200, $0x38;
	[tilespmem:$0x14C80] =	vst v63  }
0xa2: {  	s22 =	sadd.s32 $0x0, s22  }
0xa3: {  	[hbm4b:s22+s2] =	stream.linear.scatter [tilespmem:s26], [sflag:$0x3], $0x1400, $0x38;
	[tilespmem:$0x14C80] =	vst v63  }
0xa4: {  	s23 =	rddreg [dreg:$0xf];
	_ =	swait.ge [sflag:s19], $0x1E00  }
0xa5: {  	[sflag:s19] =	ssyncset.done $0x0  }
0xa6: {  	[sflag:s19] =	ssyncadd.s32 $0xFFFFE200  }
0xa7: {  	s22 =	rddreg [dreg:$0xd];
	_ =	swait.ge [sflag:s19], $0x3200  }
0xa8: {  	[sflag:s19] =	ssyncset.done $0x0  }
0xa9: {  	[sflag:s19] =	ssyncadd.s32 $0xFFFFCE00  }
0xaa: {  	s24 =	rddreg [dreg:$0xc];
	_ =	swait.ge [sflag:s19], $0x3200  }
0xab: {  	[sflag:s19] =	ssyncset.done $0x0  }
0xac: {  	[sflag:s19] =	ssyncadd.s32 $0xFFFFCE00  }
0xad: {  	s25 =	rddreg [dreg:$0xa];
	_ =	swait.ge [sflag:s19], $0x1E00  }
0xae: {  	s1 =	sld [smem:$0x7E6]  }
0xaf: {  	[sflag:s19] =	ssyncset.done $0x0  }
0xb0: {  	s28 =	sld [smem:$0x7E7];
	[sflag:s19] =	ssyncadd.s32 $0xFFFFE200  }
0xb1: {  	[tilespmem:s8], [sflag:$0x1] =	stream.indirect.gather [hbm4b:s3+s7], $0x40, s1, s7, $0xb8;
	[tilespmem:$0x14C80] =	vst v63  }
0xb2: {  	s1 =	sld [smem:$0x7E8]  }
0xb3: {  	[tilespmem:s9], [sflag:$0x1] =	stream.indirect.gather [hbm4b:s3+s7], $0x40, s28, s7, $0xb8;
	[tilespmem:$0x14C80] =	vst v63  }
0xb4: {  	s28 =	sld [smem:$0x7E9]  }
0xb5: {  	[tilespmem:s10], [sflag:$0x1] =	stream.indirect.gather [hbm4b:s3+s7], $0x40, s1, s7, $0xb8;
	[tilespmem:$0x14C80] =	vst v63  }
0xb6: {  	s1 =	sld [smem:$0x7EA]  }
0xb7: {  	[tilespmem:s11], [sflag:$0x1] =	stream.indirect.gather [hbm4b:s3+s7], $0x40, s28, s7, $0xb8;
	[tilespmem:$0x14C80] =	vst v63  }
0xb8: {  	_ = 	snop  }
0xb9: {  	[tilespmem:s12], [sflag:$0x1] =	stream.indirect.gather [hbm4b:s3+s7], $0x40, s1, s7, $0xb8;
	[tilespmem:$0x14C80] =	vst v63  }
0xba: {  	_ =	swait.ge [sflag:s13], $0x2000  }
0xbb: {  	[sflag:s13] =	ssyncset.done $0x0  }
0xbc: {  	[sflag:s13] =	ssyncadd.s32 $0xFFFFE000  }
0xbd: {  	_ =	swait.ge [sflag:s13], $0x2000  }
0xbe: {  	[sflag:s13] =	ssyncset.done $0x0  }
0xbf: {  	[sflag:s13] =	ssyncadd.s32 $0xFFFFE000  }
0xc0: {  	_ =	swait.ge [sflag:s13], $0x2000  }
0xc1: {  	[sflag:s13] =	ssyncset.done $0x0  }
0xc2: {  	[sflag:s13] =	ssyncadd.s32 $0xFFFFE000  }
0xc3: {  	_ =	swait.ge [sflag:s13], $0x2000  }
0xc4: {  	[sflag:s13] =	ssyncset.done $0x0  }
0xc5: {  	[sflag:s13] =	ssyncadd.s32 $0xFFFFE000  }
0xc6: {  	_ =	swait.ge [sflag:s13], $0x2000  }
0xc7: {  	[sflag:s13] =	ssyncset.done $0x0  }
0xc8: {  	s23 =	sadd.s32 $0x0, s23;
	s1 =	sld [smem:$0x7EB];
	[sflag:s13] =	ssyncadd.s32 $0xFFFFE000  }
0xc9: {  	[hbm4b:s23+s2] =	stream.linear.scatter [tilespmem:s8], [sflag:$0x2], $0x1E00, $0x38;
	[tilespmem:$0x14C80] =	vst v63  }
0xca: {  	s22 =	sadd.s32 $0x0, s22;
	s23 =	sld [smem:$0x7EC]  }
0xcb: {  	[hbm4b:s22+s2] =	stream.linear.scatter [tilespmem:s1], [sflag:$0x2], $0x3200, $0x38;
	[tilespmem:$0x14C80] =	vst v63  }
0xcc: {  	s26 =	sadd.s32 $0x0, s24;
	s1 =	sld [smem:$0x7ED]  }
0xcd: {  	[hbm4b:s26+s2] =	stream.linear.scatter [tilespmem:s23], [sflag:$0x2], $0x3200, $0x38;
	[tilespmem:$0x14C80] =	vst v63  }
0xce: {  	s26 =	sadd.s32 $0x0, s25  }
0xcf: {  	[hbm4b:s26+s2] =	stream.linear.scatter [tilespmem:s1], [sflag:$0x2], $0x1E00, $0x38;
	[tilespmem:$0x14C80] =	vst v63  }
0xd0: {  	s23 =	rddreg [dreg:$0xb];
	_ =	swait.ge [sflag:s20], $0x1400  }
0xd1: {  	[sflag:s20] =	ssyncset.done $0x0  }
0xd2: {  	[sflag:s20] =	ssyncadd.s32 $0xFFFFEC00  }
0xd3: {  	s22 =	rddreg [dreg:$0x9];
	_ =	swait.ge [sflag:s20], $0x3200  }
0xd4: {  	[sflag:s20] =	ssyncset.done $0x0  }
0xd5: {  	[sflag:s20] =	ssyncadd.s32 $0xFFFFCE00  }
0xd6: {  	s24 =	rddreg [dreg:$0x8];
	_ =	swait.ge [sflag:s20], $0x3200  }
0xd7: {  	[sflag:s20] =	ssyncset.done $0x0  }
0xd8: {  	[sflag:s20] =	ssyncadd.s32 $0xFFFFCE00  }
0xd9: {  	s25 =	rddreg [dreg:$0x6];
	_ =	swait.ge [sflag:s20], $0x2800  }
0xda: {  	s1 =	sld [smem:$0x7EE]  }
0xdb: {  	[sflag:s20] =	ssyncset.done $0x0  }
0xdc: {  	s28 =	sld [smem:$0x7EF];
	[sflag:s20] =	ssyncadd.s32 $0xFFFFD800  }
0xdd: {  	[tilespmem:s14], [sflag:$0x1] =	stream.indirect.gather [hbm4b:s3+s7], $0x40, s1, s7, $0xb8;
	[tilespmem:$0x14C80] =	vst v63  }
0xde: {  	s1 =	sld [smem:$0x7F0]  }
0xdf: {  	[tilespmem:s15], [sflag:$0x1] =	stream.indirect.gather [hbm4b:s3+s7], $0x40, s28, s7, $0xb8;
	[tilespmem:$0x14C80] =	vst v63  }
0xe0: {  	s28 =	sld [smem:$0x7F1]  }
0xe1: {  	[tilespmem:s16], [sflag:$0x1] =	stream.indirect.gather [hbm4b:s3+s7], $0x40, s1, s7, $0xb8;
	[tilespmem:$0x14C80] =	vst v63  }
0xe2: {  	s1 =	sld [smem:$0x7F2]  }
0xe3: {  	[tilespmem:s17], [sflag:$0x1] =	stream.indirect.gather [hbm4b:s3+s7], $0x40, s28, s7, $0xb8;
	[tilespmem:$0x14C80] =	vst v63  }
0xe4: {  	_ = 	snop  }
0xe5: {  	[tilespmem:s18], [sflag:$0x1] =	stream.indirect.gather [hbm4b:s3+s7], $0x40, s1, s7, $0xb8;
	[tilespmem:$0x14C80] =	vst v63  }
0xe6: {  	_ =	swait.ge [sflag:s13], $0x2000  }
0xe7: {  	[sflag:s13] =	ssyncset.done $0x0  }
0xe8: {  	[sflag:s13] =	ssyncadd.s32 $0xFFFFE000  }
0xe9: {  	_ =	swait.ge [sflag:s13], $0x2000  }
0xea: {  	[sflag:s13] =	ssyncset.done $0x0  }
0xeb: {  	[sflag:s13] =	ssyncadd.s32 $0xFFFFE000  }
0xec: {  	_ =	swait.ge [sflag:s13], $0x2000  }
0xed: {  	[sflag:s13] =	ssyncset.done $0x0  }
0xee: {  	[sflag:s13] =	ssyncadd.s32 $0xFFFFE000  }
0xef: {  	_ =	swait.ge [sflag:s13], $0x2000  }
0xf0: {  	[sflag:s13] =	ssyncset.done $0x0  }
0xf1: {  	[sflag:s13] =	ssyncadd.s32 $0xFFFFE000  }
0xf2: {  	_ =	swait.ge [sflag:s13], $0x2000  }
0xf3: {  	[sflag:s13] =	ssyncset.done $0x0  }
0xf4: {  	s23 =	sadd.s32 $0x0, s23;
	s1 =	sld [smem:$0x7F3];
	[sflag:s13] =	ssyncadd.s32 $0xFFFFE000  }
0xf5: {  	[hbm4b:s23+s2] =	stream.linear.scatter [tilespmem:s14], [sflag:$0x3], $0x1400, $0x38;
	[tilespmem:$0x14C80] =	vst v63  }
0xf6: {  	s22 =	sadd.s32 $0x0, s22;
	s23 =	sld [smem:$0x7F4]  }
0xf7: {  	[hbm4b:s22+s2] =	stream.linear.scatter [tilespmem:s1], [sflag:$0x3], $0x3200, $0x38;
	[tilespmem:$0x14C80] =	vst v63  }
0xf8: {  	s26 =	sadd.s32 $0x0, s24;
	s1 =	sld [smem:$0x7F5]  }
0xf9: {  	[hbm4b:s26+s2] =	stream.linear.scatter [tilespmem:s23], [sflag:$0x3], $0x3200, $0x38;
	[tilespmem:$0x14C80] =	vst v63  }
0xfa: {  	s26 =	sadd.s32 $0x0, s25  }
0xfb: {  	[hbm4b:s26+s2] =	stream.linear.scatter [tilespmem:s1], [sflag:$0x3], $0x2800, $0x38;
	[tilespmem:$0x14C80] =	vst v63  }
0xfc: {  	s23 =	rddreg [dreg:$0x7];
	_ =	swait.ge [sflag:s19], $0xA00  }
0xfd: {  	[sflag:s19] =	ssyncset.done $0x0  }
0xfe: {  	[sflag:s19] =	ssyncadd.s32 $0xFFFFF600  }
0xff: {  	s24 =	rddreg [dreg:$0x5];
	_ =	swait.ge [sflag:s19], $0x3200  }
0x100: {  	[sflag:s19] =	ssyncset.done $0x0  }
0x101: {  	[sflag:s19] =	ssyncadd.s32 $0xFFFFCE00  }
0x102: {  	s25 =	rddreg [dreg:$0x4];
	_ =	swait.ge [sflag:s19], $0x3200  }
0x103: {  	[sflag:s19] =	ssyncset.done $0x0  }
0x104: {  	[sflag:s19] =	ssyncadd.s32 $0xFFFFCE00  }
0x105: {  	s26 =	rddreg [dreg:$0x3];
	_ =	swait.ge [sflag:s19], $0x3200  }
0x106: {  	s1 =	sld [smem:$0x7F6]  }
0x107: {  	[sflag:s19] =	ssyncset.done $0x0  }
0x108: {  	s28 =	sld [smem:$0x7F7];
	[sflag:s19] =	ssyncadd.s32 $0xFFFFCE00  }
0x109: {  	[tilespmem:s8], [sflag:$0x1] =	stream.indirect.gather [hbm4b:s3+s7], $0x40, s1, s7, $0xb8;
	[tilespmem:$0x14C80] =	vst v63  }
0x10a: {  	s1 =	sld [smem:$0x7F8]  }
0x10b: {  	[tilespmem:s9], [sflag:$0x1] =	stream.indirect.gather [hbm4b:s3+s7], $0x40, s28, s7, $0xb8;
	[tilespmem:$0x14C80] =	vst v63  }
0x10c: {  	s28 =	sld [smem:$0x7F9]  }
0x10d: {  	[tilespmem:s10], [sflag:$0x1] =	stream.indirect.gather [hbm4b:s3+s7], $0x40, s1, s7, $0xb8;
	[tilespmem:$0x14C80] =	vst v63  }
0x10e: {  	s1 =	sld [smem:$0x7FA]  }
0x10f: {  	[tilespmem:s11], [sflag:$0x1] =	stream.indirect.gather [hbm4b:s3+s7], $0x40, s28, s7, $0xb8;
	[tilespmem:$0x14C80] =	vst v63  }
0x110: {  	_ = 	snop  }
0x111: {  	[tilespmem:s12], [sflag:$0x1] =	stream.indirect.gather [hbm4b:s3+s7], $0x40, s1, s7, $0xb8;
	[tilespmem:$0x14C80] =	vst v63  }
0x112: {  	_ =	swait.ge [sflag:s13], $0x2000  }
0x113: {  	[sflag:s13] =	ssyncset.done $0x0  }
0x114: {  	[sflag:s13] =	ssyncadd.s32 $0xFFFFE000  }
0x115: {  	_ =	swait.ge [sflag:s13], $0x2000  }
0x116: {  	[sflag:s13] =	ssyncset.done $0x0  }
0x117: {  	[sflag:s13] =	ssyncadd.s32 $0xFFFFE000  }
0x118: {  	_ =	swait.ge [sflag:s13], $0x2000  }
0x119: {  	[sflag:s13] =	ssyncset.done $0x0  }
0x11a: {  	[sflag:s13] =	ssyncadd.s32 $0xFFFFE000  }
0x11b: {  	_ =	swait.ge [sflag:s13], $0x2000  }
0x11c: {  	[sflag:s13] =	ssyncset.done $0x0  }
0x11d: {  	s22 =	simm.s32 $0x6400;
	[sflag:s13] =	ssyncadd.s32 $0xFFFFE000  }
0x11e: {  	s31 =	sadd.s32 $0x0, s23;
	s23 =	simm.s32 $0x0;
	_ =	swait.ge [sflag:s13], $0x2000  }
0x11f: {  	s28 =	sadd.s32 $0x0, s24;
	[sflag:s13] =	ssyncset.done $0x0;
	s30 =	sld [smem:$0x7FB]  }
0x120: {  	s24 =	sadd.s32 $0x190, s5;
	s29 =	sld [smem:$0x7FC];
	[sflag:s13] =	ssyncadd.s32 $0xFFFFE000  }
.LBB2_2:
0x121: {  	[hbm4b:s31+s2] =	stream.linear.scatter [tilespmem:s8], [sflag:$0x2], $0xA00, $0x38;
	[tilespmem:$0x14C80] =	vst v63  }
0x122: {  	_ = 	snop  }
0x123: {  	[hbm4b:s28+s2] =	stream.linear.scatter [tilespmem:s30], [sflag:$0x2], $0x3200, $0x38;
	[tilespmem:$0x14C80] =	vst v63  }
0x124: {  	s25 =	sadd.s32 s23, s25;
	s1 =	sld [smem:$0x7FD]  }
0x125: {  	[hbm4b:s25+s2] =	stream.linear.scatter [tilespmem:s29], [sflag:$0x2], $0x3200, $0x38;
	[tilespmem:$0x14C80] =	vst v63  }
0x126: {  	s26 =	sadd.s32 s23, s26  }
0x127: {  	[hbm4b:s26+s2] =	stream.linear.scatter [tilespmem:s1], [sflag:$0x2], $0x3200, $0x38;
	[tilespmem:$0x14C80] =	vst v63  }
0x128: {  	s31 =	smov.u32 s22  }
0x129: {  	[tilespmem:s2], [sflag:$0x4] =	stream.linear.gather [hbm4b:s24+s2], $0xC80, $0x38;
	[tilespmem:$0x14C80] =	vst v63  }
0x12a: {  	s23 =	smov.u32 s31;
	_ =	swait.ge [sflag:s6], $0xC80  }
0x12b: {  	p1 =	seq.s32 s23, $0x0;
	[sflag:s6] =	ssyncset.done $0x0  }
0x12c: {  	s1 =	simm.s32 @!p1 $0x2;
	[sflag:s6] =	ssyncadd.s32 $0xFFFFF380  }
0x12d: {  	_ =	swait.ge @!p1 [sflag:s1], $0x3200  }
0x12e: {  	[sflag:s1] =	ssyncset.done @!p1 $0x0  }
0x12f: {  	[sflag:s1] =	ssyncadd.s32 @!p1 $0xFFFFCE00  }
0x130: {  	_ =	swait.ge @!p1 [sflag:s1], $0x3200  }
0x131: {  	[sflag:s1] =	ssyncset.done @!p1 $0x0  }
0x132: {  	[sflag:s1] =	ssyncadd.s32 @!p1 $0xFFFFCE00  }
0x133: {  	_ =	swait.ge @!p1 [sflag:s1], $0x3200  }
0x134: {  	[sflag:s1] =	ssyncset.done @!p1 $0x0  }
0x135: {  	[sflag:s1] =	ssyncadd.s32 @!p1 $0xFFFFCE00  }
0x136: {  	_ =	swait.ge @!p1 [sflag:s1], $0xA00  }
0x137: {  	[sflag:s1] =	ssyncset.done @!p1 $0x0  }
0x138: {  	[sflag:s1] =	ssyncadd.s32 @!p1 $0xFFFFF600  }
0x139: {  	[tilespmem:s8], [sflag:$0x1] =	stream.indirect.gather [hbm4b:s3+s7], $0x40, s2, s7, $0xb8;
	[tilespmem:$0x14C80] =	vst v63  }
0x13a: {  	_ = 	snop  }
0x13b: {  	[tilespmem:s9], [sflag:$0x1] =	stream.indirect.gather [hbm4b:s3+s7], $0x40, s7, s7, $0xb8;
	[tilespmem:$0x14C80] =	vst v63  }
0x13c: {  	s26 =	rddreg [dreg:$0x17]  }
0x13d: {  	[tilespmem:s10], [sflag:$0x1] =	stream.indirect.gather [hbm4b:s3+s7], $0x40, s26, s7, $0xb8;
	[tilespmem:$0x14C80] =	vst v63  }
0x13e: {  	s25 =	rddreg [dreg:$0x18]  }
0x13f: {  	[tilespmem:s11], [sflag:$0x1] =	stream.indirect.gather [hbm4b:s3+s7], $0x40, s25, s7, $0xb8;
	[tilespmem:$0x14C80] =	vst v63  }
0x140: {  	s26 =	rddreg [dreg:$0x19]  }
0x141: {  	[tilespmem:s12], [sflag:$0x1] =	stream.indirect.gather [hbm4b:s3+s7], $0x40, s26, s7, $0xb8;
	[tilespmem:$0x14C80] =	vst v63  }
0x142: {  	_ =	swait.ge [sflag:s13], $0x2000  }
0x143: {  	[sflag:s13] =	ssyncset.done $0x0  }
0x144: {  	[sflag:s13] =	ssyncadd.s32 $0xFFFFE000  }
0x145: {  	_ =	swait.ge [sflag:s13], $0x2000  }
0x146: {  	[sflag:s13] =	ssyncset.done $0x0  }
0x147: {  	[sflag:s13] =	ssyncadd.s32 $0xFFFFE000  }
0x148: {  	_ =	swait.ge [sflag:s13], $0x2000  }
0x149: {  	[sflag:s13] =	ssyncset.done $0x0  }
0x14a: {  	[sflag:s13] =	ssyncadd.s32 $0xFFFFE000  }
0x14b: {  	_ =	swait.ge [sflag:s13], $0x2000  }
0x14c: {  	[sflag:s13] =	ssyncset.done $0x0  }
0x14d: {  	[sflag:s13] =	ssyncadd.s32 $0xFFFFE000  }
0x14e: {  	_ =	swait.ge [sflag:s13], $0x2000  }
0x14f: {  	s1 =	rddreg [dreg:$0x15]  }
0x150: {  	s25 =	rddreg [dreg:$0x16]  }
0x151: {  	s26 =	rddreg [dreg:$0x1b];
	[sflag:s13] =	ssyncset.done $0x0  }
0x152: {  	s28 =	rddreg [dreg:$0x1a];
	[sflag:s13] =	ssyncadd.s32 $0xFFFFE000;
	s25 =	sadd.s32 s23, s25  }
0x153: {  	[hbm4b:s25+s2] =	stream.linear.scatter [tilespmem:s8], [sflag:$0x2], $0x3200, $0x38;
	[tilespmem:$0x14C80] =	vst v63  }
0x154: {  	s29 =	rddreg [dreg:$0x14];
	s1 =	sadd.s32 s23, s1  }
0x155: {  	[hbm4b:s1+s2] =	stream.linear.scatter [tilespmem:s28], [sflag:$0x2], $0x3200, $0x38;
	[tilespmem:$0x14C80] =	vst v63  }
0x156: {  	s25 =	rddreg [dreg:$0x12];
	s1 =	sadd.s32 s23, s29  }
0x157: {  	[hbm4b:s1+s2] =	stream.linear.scatter [tilespmem:s26], [sflag:$0x2], $0x3200, $0x38;
	[tilespmem:$0x14C80] =	vst v63  }
0x158: {  	s28 =	rddreg [dreg:$0x1c];
	s26 =	sadd.s32 s23, s25;
	s25 =	simm.s32 @!p1 $0x3  }
0x159: {  	[hbm4b:s26+s2] =	stream.linear.scatter [tilespmem:s28], [sflag:$0x2], $0xA00, $0x38;
	[tilespmem:$0x14C80] =	vst v63  }
0x15a: {  	_ =	swait.ge @!p1 [sflag:s25], $0x2800  }
0x15b: {  	[sflag:s25] =	ssyncset.done @!p1 $0x0  }
0x15c: {  	[sflag:s25] =	ssyncadd.s32 @!p1 $0xFFFFD800  }
0x15d: {  	_ =	swait.ge @!p1 [sflag:s25], $0x3200  }
0x15e: {  	[sflag:s25] =	ssyncset.done @!p1 $0x0  }
0x15f: {  	[sflag:s25] =	ssyncadd.s32 @!p1 $0xFFFFCE00  }
0x160: {  	_ =	swait.ge @!p1 [sflag:s25], $0x3200  }
0x161: {  	[sflag:s25] =	ssyncset.done @!p1 $0x0  }
0x162: {  	[sflag:s25] =	ssyncadd.s32 @!p1 $0xFFFFCE00  }
0x163: {  	_ =	swait.ge @!p1 [sflag:s25], $0x1400  }
0x164: {  	s26 =	rddreg [dreg:$0x1d];
	[sflag:s25] =	ssyncset.done @!p1 $0x0  }
0x165: {  	[sflag:s25] =	ssyncadd.s32 @!p1 $0xFFFFEC00;
	s25 =	rddreg [dreg:$0x1e]  }
0x166: {  	[tilespmem:s14], [sflag:$0x1] =	stream.indirect.gather [hbm4b:s3+s7], $0x40, s26, s7, $0xb8;
	[tilespmem:$0x14C80] =	vst v63  }
0x167: {  	s26 =	rddreg [dreg:$0x1f]  }
0x168: {  	[tilespmem:s15], [sflag:$0x1] =	stream.indirect.gather [hbm4b:s3+s7], $0x40, s25, s7, $0xb8;
	[tilespmem:$0x14C80] =	vst v63  }
0x169: {  	s25 =	sld [smem:$0x7E1]  }
0x16a: {  	[tilespmem:s16], [sflag:$0x1] =	stream.indirect.gather [hbm4b:s3+s7], $0x40, s26, s7, $0xb8;
	[tilespmem:$0x14C80] =	vst v63  }
0x16b: {  	s26 =	sld [smem:$0x7E2]  }
0x16c: {  	[tilespmem:s17], [sflag:$0x1] =	stream.indirect.gather [hbm4b:s3+s7], $0x40, s25, s7, $0xb8;
	[tilespmem:$0x14C80] =	vst v63  }
0x16d: {  	_ = 	snop  }
0x16e: {  	[tilespmem:s18], [sflag:$0x1] =	stream.indirect.gather [hbm4b:s3+s7], $0x40, s26, s7, $0xb8;
	[tilespmem:$0x14C80] =	vst v63  }
0x16f: {  	_ =	swait.ge [sflag:s13], $0x2000  }
0x170: {  	[sflag:s13] =	ssyncset.done $0x0  }
0x171: {  	[sflag:s13] =	ssyncadd.s32 $0xFFFFE000  }
0x172: {  	_ =	swait.ge [sflag:s13], $0x2000  }
0x173: {  	[sflag:s13] =	ssyncset.done $0x0  }
0x174: {  	[sflag:s13] =	ssyncadd.s32 $0xFFFFE000  }
0x175: {  	_ =	swait.ge [sflag:s13], $0x2000  }
0x176: {  	[sflag:s13] =	ssyncset.done $0x0  }
0x177: {  	[sflag:s13] =	ssyncadd.s32 $0xFFFFE000  }
0x178: {  	_ =	swait.ge [sflag:s13], $0x2000  }
0x179: {  	[sflag:s13] =	ssyncset.done $0x0  }
0x17a: {  	[sflag:s13] =	ssyncadd.s32 $0xFFFFE000  }
0x17b: {  	_ =	swait.ge [sflag:s13], $0x2000  }
0x17c: {  	s1 =	rddreg [dreg:$0xe]  }
0x17d: {  	s25 =	rddreg [dreg:$0x13]  }
0x17e: {  	s26 =	rddreg [dreg:$0x11]  }
0x17f: {  	[sflag:s13] =	ssyncset.done $0x0;
	s28 =	sld [smem:$0x7E3]  }
0x180: {  	s29 =	rddreg [dreg:$0x10];
	[sflag:s13] =	ssyncadd.s32 $0xFFFFE000;
	s25 =	sadd.s32 s23, s25  }
0x181: {  	[hbm4b:s25+s2] =	stream.linear.scatter [tilespmem:s14], [sflag:$0x3], $0x2800, $0x38;
	[tilespmem:$0x14C80] =	vst v63  }
0x182: {  	s30 =	sld [smem:$0x7E4];
	s26 =	sadd.s32 s23, s26  }
0x183: {  	[hbm4b:s26+s2] =	stream.linear.scatter [tilespmem:s28], [sflag:$0x3], $0x3200, $0x38;
	[tilespmem:$0x14C80] =	vst v63  }
0x184: {  	s25 =	sadd.s32 s23, s29;
	s29 =	sld [smem:$0x7E5]  }
0x185: {  	[hbm4b:s25+s2] =	stream.linear.scatter [tilespmem:s30], [sflag:$0x3], $0x3200, $0x38;
	[tilespmem:$0x14C80] =	vst v63  }
0x186: {  	s1 =	sadd.s32 s23, s1  }
0x187: {  	[hbm4b:s1+s2] =	stream.linear.scatter [tilespmem:s29], [sflag:$0x3], $0x1400, $0x38;
	[tilespmem:$0x14C80] =	vst v63  }
0x188: {  	s25 =	rddreg [dreg:$0xf];
	_ =	swait.ge [sflag:s19], $0x1E00  }
0x189: {  	[sflag:s19] =	ssyncset.done $0x0  }
0x18a: {  	[sflag:s19] =	ssyncadd.s32 $0xFFFFE200  }
0x18b: {  	s26 =	rddreg [dreg:$0xd];
	_ =	swait.ge [sflag:s19], $0x3200  }
0x18c: {  	[sflag:s19] =	ssyncset.done $0x0  }
0x18d: {  	[sflag:s19] =	ssyncadd.s32 $0xFFFFCE00  }
0x18e: {  	s28 =	rddreg [dreg:$0xc];
	_ =	swait.ge [sflag:s19], $0x3200  }
0x18f: {  	[sflag:s19] =	ssyncset.done $0x0  }
0x190: {  	[sflag:s19] =	ssyncadd.s32 $0xFFFFCE00  }
0x191: {  	s29 =	rddreg [dreg:$0xa];
	_ =	swait.ge [sflag:s19], $0x1E00  }
0x192: {  	s1 =	sld [smem:$0x7E6]  }
0x193: {  	[sflag:s19] =	ssyncset.done $0x0  }
0x194: {  	s30 =	sld [smem:$0x7E7];
	[sflag:s19] =	ssyncadd.s32 $0xFFFFE200  }
0x195: {  	[tilespmem:s8], [sflag:$0x1] =	stream.indirect.gather [hbm4b:s3+s7], $0x40, s1, s7, $0xb8;
	[tilespmem:$0x14C80] =	vst v63  }
0x196: {  	s31 =	sld [smem:$0x7E8]  }
0x197: {  	[tilespmem:s9], [sflag:$0x1] =	stream.indirect.gather [hbm4b:s3+s7], $0x40, s30, s7, $0xb8;
	[tilespmem:$0x14C80] =	vst v63  }
0x198: {  	s1 =	sld [smem:$0x7E9]  }
0x199: {  	[tilespmem:s10], [sflag:$0x1] =	stream.indirect.gather [hbm4b:s3+s7], $0x40, s31, s7, $0xb8;
	[tilespmem:$0x14C80] =	vst v63  }
0x19a: {  	s30 =	sld [smem:$0x7EA]  }
0x19b: {  	[tilespmem:s11], [sflag:$0x1] =	stream.indirect.gather [hbm4b:s3+s7], $0x40, s1, s7, $0xb8;
	[tilespmem:$0x14C80] =	vst v63  }
0x19c: {  	_ = 	snop  }
0x19d: {  	[tilespmem:s12], [sflag:$0x1] =	stream.indirect.gather [hbm4b:s3+s7], $0x40, s30, s7, $0xb8;
	[tilespmem:$0x14C80] =	vst v63  }
0x19e: {  	_ =	swait.ge [sflag:s13], $0x2000  }
0x19f: {  	[sflag:s13] =	ssyncset.done $0x0  }
0x1a0: {  	[sflag:s13] =	ssyncadd.s32 $0xFFFFE000  }
0x1a1: {  	_ =	swait.ge [sflag:s13], $0x2000  }
0x1a2: {  	[sflag:s13] =	ssyncset.done $0x0  }
0x1a3: {  	[sflag:s13] =	ssyncadd.s32 $0xFFFFE000  }
0x1a4: {  	_ =	swait.ge [sflag:s13], $0x2000  }
0x1a5: {  	[sflag:s13] =	ssyncset.done $0x0  }
0x1a6: {  	[sflag:s13] =	ssyncadd.s32 $0xFFFFE000  }
0x1a7: {  	_ =	swait.ge [sflag:s13], $0x2000  }
0x1a8: {  	[sflag:s13] =	ssyncset.done $0x0  }
0x1a9: {  	[sflag:s13] =	ssyncadd.s32 $0xFFFFE000  }
0x1aa: {  	_ =	swait.ge [sflag:s13], $0x2000  }
0x1ab: {  	[sflag:s13] =	ssyncset.done $0x0  }
0x1ac: {  	s1 =	sadd.s32 s23, s25;
	s25 =	sld [smem:$0x7EB];
	[sflag:s13] =	ssyncadd.s32 $0xFFFFE000  }
0x1ad: {  	[hbm4b:s1+s2] =	stream.linear.scatter [tilespmem:s8], [sflag:$0x2], $0x1E00, $0x38;
	[tilespmem:$0x14C80] =	vst v63  }
0x1ae: {  	s26 =	sadd.s32 s23, s26;
	s30 =	sld [smem:$0x7EC]  }
0x1af: {  	[hbm4b:s26+s2] =	stream.linear.scatter [tilespmem:s25], [sflag:$0x2], $0x3200, $0x38;
	[tilespmem:$0x14C80] =	vst v63  }
0x1b0: {  	s1 =	sadd.s32 s23, s28;
	s28 =	sld [smem:$0x7ED]  }
0x1b1: {  	[hbm4b:s1+s2] =	stream.linear.scatter [tilespmem:s30], [sflag:$0x2], $0x3200, $0x38;
	[tilespmem:$0x14C80] =	vst v63  }
0x1b2: {  	s26 =	sadd.s32 s23, s29  }
0x1b3: {  	[hbm4b:s26+s2] =	stream.linear.scatter [tilespmem:s28], [sflag:$0x2], $0x1E00, $0x38;
	[tilespmem:$0x14C80] =	vst v63  }
0x1b4: {  	s25 =	rddreg [dreg:$0xb];
	_ =	swait.ge [sflag:s20], $0x1400  }
0x1b5: {  	[sflag:s20] =	ssyncset.done $0x0  }
0x1b6: {  	[sflag:s20] =	ssyncadd.s32 $0xFFFFEC00  }
0x1b7: {  	s26 =	rddreg [dreg:$0x9];
	_ =	swait.ge [sflag:s20], $0x3200  }
0x1b8: {  	[sflag:s20] =	ssyncset.done $0x0  }
0x1b9: {  	[sflag:s20] =	ssyncadd.s32 $0xFFFFCE00  }
0x1ba: {  	s28 =	rddreg [dreg:$0x8];
	_ =	swait.ge [sflag:s20], $0x3200  }
0x1bb: {  	[sflag:s20] =	ssyncset.done $0x0  }
0x1bc: {  	[sflag:s20] =	ssyncadd.s32 $0xFFFFCE00  }
0x1bd: {  	s29 =	rddreg [dreg:$0x6];
	_ =	swait.ge [sflag:s20], $0x2800  }
0x1be: {  	s1 =	sld [smem:$0x7EE]  }
0x1bf: {  	[sflag:s20] =	ssyncset.done $0x0  }
0x1c0: {  	s30 =	sld [smem:$0x7EF];
	[sflag:s20] =	ssyncadd.s32 $0xFFFFD800  }
0x1c1: {  	[tilespmem:s14], [sflag:$0x1] =	stream.indirect.gather [hbm4b:s3+s7], $0x40, s1, s7, $0xb8;
	[tilespmem:$0x14C80] =	vst v63  }
0x1c2: {  	s31 =	sld [smem:$0x7F0]  }
0x1c3: {  	[tilespmem:s15], [sflag:$0x1] =	stream.indirect.gather [hbm4b:s3+s7], $0x40, s30, s7, $0xb8;
	[tilespmem:$0x14C80] =	vst v63  }
0x1c4: {  	s1 =	sld [smem:$0x7F1]  }
0x1c5: {  	[tilespmem:s16], [sflag:$0x1] =	stream.indirect.gather [hbm4b:s3+s7], $0x40, s31, s7, $0xb8;
	[tilespmem:$0x14C80] =	vst v63  }
0x1c6: {  	s30 =	sld [smem:$0x7F2]  }
0x1c7: {  	[tilespmem:s17], [sflag:$0x1] =	stream.indirect.gather [hbm4b:s3+s7], $0x40, s1, s7, $0xb8;
	[tilespmem:$0x14C80] =	vst v63  }
0x1c8: {  	_ = 	snop  }
0x1c9: {  	[tilespmem:s18], [sflag:$0x1] =	stream.indirect.gather [hbm4b:s3+s7], $0x40, s30, s7, $0xb8;
	[tilespmem:$0x14C80] =	vst v63  }
0x1ca: {  	_ =	swait.ge [sflag:s13], $0x2000  }
0x1cb: {  	[sflag:s13] =	ssyncset.done $0x0  }
0x1cc: {  	[sflag:s13] =	ssyncadd.s32 $0xFFFFE000  }
0x1cd: {  	_ =	swait.ge [sflag:s13], $0x2000  }
0x1ce: {  	[sflag:s13] =	ssyncset.done $0x0  }
0x1cf: {  	[sflag:s13] =	ssyncadd.s32 $0xFFFFE000  }
0x1d0: {  	_ =	swait.ge [sflag:s13], $0x2000  }
0x1d1: {  	[sflag:s13] =	ssyncset.done $0x0  }
0x1d2: {  	[sflag:s13] =	ssyncadd.s32 $0xFFFFE000  }
0x1d3: {  	_ =	swait.ge [sflag:s13], $0x2000  }
0x1d4: {  	[sflag:s13] =	ssyncset.done $0x0  }
0x1d5: {  	[sflag:s13] =	ssyncadd.s32 $0xFFFFE000  }
0x1d6: {  	_ =	swait.ge [sflag:s13], $0x2000  }
0x1d7: {  	[sflag:s13] =	ssyncset.done $0x0  }
0x1d8: {  	s1 =	sadd.s32 s23, s25;
	s25 =	sld [smem:$0x7F3];
	[sflag:s13] =	ssyncadd.s32 $0xFFFFE000  }
0x1d9: {  	[hbm4b:s1+s2] =	stream.linear.scatter [tilespmem:s14], [sflag:$0x3], $0x1400, $0x38;
	[tilespmem:$0x14C80] =	vst v63  }
0x1da: {  	s26 =	sadd.s32 s23, s26;
	s30 =	sld [smem:$0x7F4]  }
0x1db: {  	[hbm4b:s26+s2] =	stream.linear.scatter [tilespmem:s25], [sflag:$0x3], $0x3200, $0x38;
	[tilespmem:$0x14C80] =	vst v63  }
0x1dc: {  	s1 =	sadd.s32 s23, s28;
	s28 =	sld [smem:$0x7F5]  }
0x1dd: {  	[hbm4b:s1+s2] =	stream.linear.scatter [tilespmem:s30], [sflag:$0x3], $0x3200, $0x38;
	[tilespmem:$0x14C80] =	vst v63  }
0x1de: {  	s26 =	sadd.s32 s23, s29  }
0x1df: {  	[hbm4b:s26+s2] =	stream.linear.scatter [tilespmem:s28], [sflag:$0x3], $0x2800, $0x38;
	[tilespmem:$0x14C80] =	vst v63  }
0x1e0: {  	s29 =	rddreg [dreg:$0x7];
	_ =	swait.ge [sflag:s19], $0xA00  }
0x1e1: {  	[sflag:s19] =	ssyncset.done $0x0  }
0x1e2: {  	[sflag:s19] =	ssyncadd.s32 $0xFFFFF600  }
0x1e3: {  	s26 =	rddreg [dreg:$0x5];
	_ =	swait.ge [sflag:s19], $0x3200  }
0x1e4: {  	[sflag:s19] =	ssyncset.done $0x0  }
0x1e5: {  	[sflag:s19] =	ssyncadd.s32 $0xFFFFCE00  }
0x1e6: {  	s25 =	rddreg [dreg:$0x4];
	_ =	swait.ge [sflag:s19], $0x3200  }
0x1e7: {  	[sflag:s19] =	ssyncset.done $0x0  }
0x1e8: {  	[sflag:s19] =	ssyncadd.s32 $0xFFFFCE00  }
0x1e9: {  	s28 =	sadd.s32 s23, s26;
	s26 =	rddreg [dreg:$0x3];
	_ =	swait.ge [sflag:s19], $0x3200  }
0x1ea: {  	s1 =	sld [smem:$0x7F6]  }
0x1eb: {  	[sflag:s19] =	ssyncset.done $0x0  }
0x1ec: {  	s30 =	sld [smem:$0x7F7];
	[sflag:s19] =	ssyncadd.s32 $0xFFFFCE00  }
0x1ed: {  	[tilespmem:s8], [sflag:$0x1] =	stream.indirect.gather [hbm4b:s3+s7], $0x40, s1, s7, $0xb8;
	[tilespmem:$0x14C80] =	vst v63  }
0x1ee: {  	s31 =	sld [smem:$0x7F8]  }
0x1ef: {  	[tilespmem:s9], [sflag:$0x1] =	stream.indirect.gather [hbm4b:s3+s7], $0x40, s30, s7, $0xb8;
	[tilespmem:$0x14C80] =	vst v63  }
0x1f0: {  	s1 =	sld [smem:$0x7F9]  }
0x1f1: {  	[tilespmem:s10], [sflag:$0x1] =	stream.indirect.gather [hbm4b:s3+s7], $0x40, s31, s7, $0xb8;
	[tilespmem:$0x14C80] =	vst v63  }
0x1f2: {  	s30 =	sld [smem:$0x7FA]  }
0x1f3: {  	[tilespmem:s11], [sflag:$0x1] =	stream.indirect.gather [hbm4b:s3+s7], $0x40, s1, s7, $0xb8;
	[tilespmem:$0x14C80] =	vst v63  }
0x1f4: {  	_ = 	snop  }
0x1f5: {  	[tilespmem:s12], [sflag:$0x1] =	stream.indirect.gather [hbm4b:s3+s7], $0x40, s30, s7, $0xb8;
	[tilespmem:$0x14C80] =	vst v63  }
0x1f6: {  	_ =	swait.ge [sflag:s13], $0x2000  }
0x1f7: {  	[sflag:s13] =	ssyncset.done $0x0  }
0x1f8: {  	[sflag:s13] =	ssyncadd.s32 $0xFFFFE000  }
0x1f9: {  	_ =	swait.ge [sflag:s13], $0x2000  }
0x1fa: {  	[sflag:s13] =	ssyncset.done $0x0  }
0x1fb: {  	[sflag:s13] =	ssyncadd.s32 $0xFFFFE000  }
0x1fc: {  	_ =	swait.ge [sflag:s13], $0x2000  }
0x1fd: {  	[sflag:s13] =	ssyncset.done $0x0  }
0x1fe: {  	s22 =	sadd.s32 $0x6400, s22;
	[sflag:s13] =	ssyncadd.s32 $0xFFFFE000  }
0x1ff: {  	p0 =	sne.s32 s22, $0x32000;
	_ =	swait.ge [sflag:s13], $0x2000  }
.Ltmp0:
0x200: {  	[sflag:s13] =	ssyncset.done $0x0;
	(pc) =	sbr.rel @p0 .LBB2_2-.Ltmp0, $4  }
0x201: {  	[sflag:s13] =	ssyncadd.s32 $0xFFFFE000  }
0x202: {  	_ =	swait.ge [sflag:s13], $0x2000  }
0x203: {  	s24 =	sadd.s32 $0x190, s24;
	[sflag:s13] =	ssyncset.done $0x0;
	s30 =	sld [smem:$0x7FB]  }
0x204: {  	s31 =	sadd.s32 s23, s29;
	s29 =	sld [smem:$0x7FC];
	[sflag:s13] =	ssyncadd.s32 $0xFFFFE000  }
0x205: {  	[hbm4b:s31+s2] =	stream.linear.scatter [tilespmem:s8], [sflag:$0x2], $0xA00, $0x38;
	[tilespmem:$0x14C80] =	vst v63  }
0x206: {  	_ = 	snop  }
0x207: {  	[hbm4b:s28+s2] =	stream.linear.scatter [tilespmem:s30], [sflag:$0x2], $0x3200, $0x38;
	[tilespmem:$0x14C80] =	vst v63  }
0x208: {  	s1 =	sadd.s32 s23, s25;
	s22 =	sld [smem:$0x7FD]  }
0x209: {  	[hbm4b:s1+s2] =	stream.linear.scatter [tilespmem:s29], [sflag:$0x2], $0x3200, $0x38;
	[tilespmem:$0x14C80] =	vst v63  }
0x20a: {  	s31 =	sadd.s32 s23, s26  }
0x20b: {  	[hbm4b:s31+s2] =	stream.linear.scatter [tilespmem:s22], [sflag:$0x2], $0x3200, $0x38;
	[tilespmem:$0x14C80] =	vst v63  }
0x20c: {  	_ =	swait.ge [sflag:s19], $0xA00  }
0x20d: {  	[sflag:s19] =	ssyncset.done $0x0  }
0x20e: {  	[sflag:s19] =	ssyncadd.s32 $0xFFFFF600  }
0x20f: {  	_ =	swait.ge [sflag:s19], $0x3200  }
0x210: {  	[sflag:s19] =	ssyncset.done $0x0  }
0x211: {  	[sflag:s19] =	ssyncadd.s32 $0xFFFFCE00  }
0x212: {  	_ =	swait.ge [sflag:s19], $0x3200  }
0x213: {  	[sflag:s19] =	ssyncset.done $0x0  }
0x214: {  	[sflag:s19] =	ssyncadd.s32 $0xFFFFCE00  }
0x215: {  	_ =	swait.ge [sflag:s19], $0x3200  }
0x216: {  	[sflag:s19] =	ssyncset.done $0x0  }
0x217: {  	[sflag:s19] =	ssyncadd.s32 $0xFFFFCE00  }
0x218: {  	_ =	swait.ge [sflag:s20], $0x1400  }
0x219: {  	[sflag:s20] =	ssyncset.done $0x0  }
0x21a: {  	[sflag:s20] =	ssyncadd.s32 $0xFFFFEC00  }
0x21b: {  	_ =	swait.ge [sflag:s20], $0x3200  }
0x21c: {  	[sflag:s20] =	ssyncset.done $0x0  }
0x21d: {  	s21 =	sadd.s32 $0x1, s21;
	[sflag:s20] =	ssyncadd.s32 $0xFFFFCE00  }
0x21e: {  	p0 =	sne.s32 s21, s4;
	_ =	swait.ge [sflag:s20], $0x3200  }
.Ltmp1:
0x21f: {  	[sflag:s20] =	ssyncset.done $0x0;
	(pc) =	sbr.rel @p0 .LBB2_1-.Ltmp1, $4  }
0x220: {  	[sflag:s20] =	ssyncadd.s32 $0xFFFFCE00  }
0x221: {  	_ =	swait.ge [sflag:s20], $0x2800  }
0x222: {  	[sflag:s20] =	ssyncset.done $0x0  }
0x223: {  	[sflag:s20] =	ssyncadd.s32 $0xFFFFD800  }
0x224: {  	_ =	sfence.sel $0x180000  }
0x225: {  	[bflag:$0x0] =	sbarrier.arrive $0xFFFF  }
0x226: {  	_ =	strace $0x90000047  }
0x227: {  	[bflag:$0x2] =	sbarrier.arrive $0xFFFF  }
0x228: {  	p0 =	sne.s32 s0, $0x0;
	s0 =	rddreg [dreg:$0x2]  }
0x229: {  	s0 =	sadd.s32 @!p0 $0x100000, s0  }
0x22a: {  	[sflag:s0] =	ssyncadd.tile.s32 @!p0 $0x1;
	_ =	shalt  }
.Lfunc_end2:
_tile_overlayer_lowered:
.L_overlay_start_2:
0x22b: {  	(tag) =	ssettag $0x2  }
0x22c: {  	s0 =	rddreg [dreg:$0x0];
	s2 =	stileid.u32  }
0x22d: {  	s1 =	rddreg [dreg:$0x1];
	p0 =	sne.s32 s2, $0x0  }
0x22e: {  	s3 =	rddreg [dreg:$0x2];
	[bflag:$0x3] =	sbarrier.arrive $0xFFFF;
	s2 =	simm.s32 @!p0 $0x1C04  }
0x22f: {  	[timem:s3], [sflag:s2] =	dma.local @!p0 [hbm:s0], s1  }
0x230: {  	s0 =	simm.s32 @!p0 $0x4  }
0x231: {  	_ =	swait.ge @!p0 [sflag:s0], s1  }
0x232: {  	s1 =	ssub.s32 @!p0 $0x0, s1;
	[sflag:s0] =	ssyncset.done @!p0 $0x0  }
0x233: {  	[sflag:s0] =	ssyncadd.s32 @!p0 s1  }
0x234: {  	[bflag:$0x3] =	sbarrier.arrive $0xFFFF  }
0x235: {  	_ =	shalt  }

// kernel: sparse-core-data-format-call.cloned.1.call-start
scs
called_computation_lowered:
.L_overlay_start_0:
0x0: {  	s2 =	sld [smem:$0x3FD9]  }
0x1: {  	s3 =	sld [smem:$0x3FFE];
	_ =	sdelay $0x1  }
0x2: {  	s1 =	srdreg.scid  }
0x3: {  	s0 =	sand.u32 $0x1, s1  }
0x4: {  	s18 =	sshll.u32 s0, $0xA;
	s2 =	sadd.s32 s3, s2  }
0x5: {  	s2 =	sadd.s32 s2, s18  }
0x6: {  	[smem:$0x3FC6] =	sst s2  }
0x7: {  	_ = 	snop  }
0x8: {  	s2 =	sld [smem:$0x3FD0];
	(tm) =	ssettm $0x1  }
0x9: {  	s19 =	sld [smem:$0x3FFB];
	_ =	sdelay $0x3  }
0xa: {  	_ =	strace s19  }
0xb: {  	s3 =	sld [smem:$0x3FFC];
	_ =	sdelay $0x3  }
0xc: {  	_ =	strace s3  }
0xd: {  	s3 =	sld [smem:$0x3FFD];
	_ =	sdelay $0x3  }
0xe: {  	_ =	strace s3  }
0xf: {  	_ =	strace $0x8FFFFFFF  }
0x10: {  	s20 =	sld [smem:$0x3FDB];
	_ =	sdelay $0x1  }
0x11: {  	s4 =	simm.s32 $_scs_section_size  }
0x12: {  	s5 =	simm.s32 $_size__tile_overlayer_lowered;
	s6 =	simm.s32 $_tile_overlayer_lowered  }
0x13: {  	s23 =	simm.s32 $0x1BFF;
	s22 =	sshll.u32 s6, $0x1;
	s3 =	sadd.s32 s4, s20  }
0x14: {  	s7 =	simm.s32 $0x0;
	s21 =	sshll.u32 s5, $0x1;
	s5 =	sadd.s32 s22, s3  }
0x15: {  	[timem:s7], [sflag:s23] =	dma.local [hbm:s5], s21  }
0x16: {  	_ =	swait.ge [sflag:s23], s21  }
0x17: {  	s4 =	ssub.s32 $0x0, s21;
	[sflag:s23] =	ssyncset.done $0x0  }
0x18: {  	[sflag:s23] =	ssyncadd.s32 s4;
	_ =	sdelay $0x1  }
0x19: {  	s24 =	simm.s32 $0x1B8B  }
0x1a: {  	_ =	swait.ge [sflag:s24], $0x1  }
0x1b: {  	[sflag:s24] =	ssyncset.done $0x0  }
0x1c: {  	s26 =	simm.s32 $0x1B8E;
	s25 =	sld [smem:$0x3FFE];
	[sflag:s24] =	ssyncadd.s32 $0xFFFFFFFF  }
0x1d: {  	s27 =	simm.s32 $execute0_lowered;
	[smem:$0x3FD2] =	sst s26  }
0x1e: {  	s5 =	sshll.u32 s27, $0x1;
	_ =	strace $0x80000049;
	[dreg:$0x1] =	wrdreg $0xFFFFFFFF  }
0x1f: {  	s28 =	simm.s32 $_size_execute0_lowered;
	s3 =	sadd.s32 s3, s5;
	[dreg:$0x0] =	wrdreg $0x0  }
0x20: {  	s5 =	sshll.u32 s28, $0x1;
	[dreg:$0x2] =	wrdreg s3  }
0x21: {  	[dreg:$0x3] =	wrdreg s5  }
0x22: {  	[dreg:$0x4] =	wrdreg $0xC0  }
0x23: {  	_ =	task [dreg:s7], $0x5FFFF  }
0x24: {  	[dreg:$0x1] =	wrdreg $0xFFFFFFFF  }
0x25: {  	[dreg:$0x0] =	wrdreg $0x60  }
0x26: {  	[dreg:$0x2] =	wrdreg s25  }
0x27: {  	[dreg:$0x3] =	wrdreg s2  }
0x28: {  	[dreg:$0x4] =	wrdreg $0x9  }
0x29: {  	_ =	task.clear_ibuf [dreg:s7], $0x5FFFF;
	_ =	strace $0x90000049  }
0x2a: {  	s29 =	simm.s32 $0x9;
	_ =	strace $0x8000004B  }
0x2b: {  	_ =	swait.ge [sflag:s29], $0x1  }
0x2c: {  	[sflag:s29] =	ssyncadd.s32 $0xFFFFFFFF  }
0x2d: {  	_ =	strace $0x9000004B  }
0x2e: {  	_ =	sfence  }
0x2f: {  	s30 =	sld [smem:$0x0];
	_ =	sdelay $0x2  }
0x30: {  	s31 =	sshll.u32 s1, $0xD;
	s1 =	sshrl.u32 s1, $0x2  }
0x31: {  	s3 =	sand.u32 $0x4000, s31;
	s1 =	sadd.s32 s1, s30  }
0x32: {  	s0 =	sor.u32 s3, s0;
	s1 =	sshll.u32 s1, $0x11  }
0x33: {  	s0 =	sor.u32 s1, s0  }
0x34: {  	s0 =	sadd.s32 $0x8F2B, s0  }
0x35: {  	[sflag:s0] =	ssyncadd.remote.s32 $0x1  }
0x36: {  	_ =	sfence.sel $0xFFFF  }
0x37: {  	[dreg:$0x0] =	wrdreg $0xFFFFFFFF;
	(pc) =	sbr.abs _section_cstart, $3  }
0x38: {  	[dreg:$0x1] =	wrdreg $0xFFFFFFFF  }
0x39: {  	_ =	task.clear_ibuf [dreg:s7], $0x2FFFF;
	_ =	strace $0x9FFFFFFF  }
0x3a: {  	(tm) =	ssettm $0x7FFFFFFF  }
0x3b: {  	_ =	shalt  }
tec
execute0_lowered:
.L_overlay_start_1:
0x0: {  	(tag) =	ssettag $0x1  }
0x1: {  	s0 =	srdreg.scid  }
0x2: {  	s1 =	sshll.u32 s0, $0x4  }
0x3: {  	s0 =	stileid.u32;
	s1 =	sand.u32 $0x10, s1  }
0x4: {  	s1 =	sor.u32 s0, s1  }
0x5: {  	s6 =	rddreg [dreg:$0x0];
	s4 =	simm.s32 $0x1;
	s2 =	sshll.u32 s1, $0x7  }
0x6: {  	s7 =	simm.s32 $0x2;
	s12 =	simm.s32 $0x0;
	s1 =	ssub.s32 $0x1000, s2  }
0x7: {  	s8 =	simm.s32 $0x8000;
	s13 =	simm.s32 $0x0;
	s3 =	sand.u32 $0xF80, s1  }
0x8: {  	s9 =	simm.s32 $0x0;
	s5 =	sshrl.u32 s1, $0xC;
	p0 =	sne.s32 s3, $0x0  }
.Ltmp0:
0x9: {  	s1 =	rddreg [dreg:$0x2];
	s4 =	simm.s32 @!p0 $0x0;
	(pc) =	sbr.rel .LBB1_1-.Ltmp0, $4  }
0xa: {  	s11 =	simm.s32 $0x0;
	s3 =	rddreg [dreg:$0x1];
	s5 =	sadd.s32 s4, s5  }
0xb: {  	_ =	strace $0x8000004A;
	s4 =	simm.s32 $0x1;
	s5 =	smul.u32 $0xC8, s5  }
0xc: {  	s6 =	sadd.s32 $0xA00, s6;
	s10 =	smov.u32 s2;
	[sflag:s4] =	ssyncpa.u1 $0x0  }
0xd: {  	p0 =	por $0x0, $0x0;
	[sflag:s7] =	ssyncpa.u1 $0x0;
	s7 =	sor.u32 $0x1, s5  }
.LBB1_4:
0xe: {  	s16 =	sshll.u32 s13, $0x3;
	s17 =	sand.u32 $0x78, s13  }
0xf: {  	s30 =	sand.u32 $0x7E00, s13;
	s12 =	sshll.u32 s12, $0xF;
	s16 =	sand.u32 $0xC00, s16  }
0x10: {  	[tilespmem:s15+$0x810 ss:$0x81] =	vst.msk $0xffff, v2;
	s31 =	sand.u32 $0x7, s13;
	s16 =	sor.u32 s17, s16;
	s17 =	sadd.s32 s3, s30  }
0x11: {  	[tilespmem:s15+$0x1020 ss:$0x81] =	vst.msk $0xffff, v0;
	s13 =	sshll.u32 s31, $0x12;
	s12 =	sadd.s32 s12, s17;
	s16 =	sshrl.u32 s16, $0x3  }
0x12: {  	[tilespmem:s15+$0x0 ss:$0x81] =	vst.msk $0xffff, v1;
	s13 =	sor.u32 $0x400, s13;
	s12 =	sadd.s32 s16, s12  }
0x13: {  	[hbm4b:s12+s13] =	stream.strided.scatter [tilespmem:s14], [sflag:$0x2], $0x2000, s8, s13, $0x20;
	[tilespmem:$0x8080] =	vst v63  }
.LBB1_5:
0x14: {  	s14 =	sadd.s32 $0x1, s9  }
0x15: {  	s12 =	sadd.s32 $0x1000, s10;
	s16 =	smov.u32 s10;
	p2 =	sgt.s32 s14, $0xC7  }
0x16: {  	s16 =	smov.u32 @p2 s12  }
0x17: {  	s14 =	simm.s32 @p2 $0x0;
	p2 =	sgt.s32 s16, $0xFFF  }
0x18: {  	s16 =	smov.u32 @p2 s2;
	p2 =	sne.s32 s11, s7  }
.Ltmp1:
0x19: {  	p1 =	slt.u32 s11, $0x2;
	(pc) =	sbr.rel @!p2 .LBB1_6-.Ltmp1, $4  }
0x1a: {  	s15 =	simm.s32 @!p1 $0x2  }
0x1b: {  	s13 =	smov.u32 s10;
	p0 =	por !p0, !p0;
	_ =	swait.ge @!p1 [sflag:s15], $0x2000  }
0x1c: {  	s12 =	smov.u32 s9;
	[sflag:s15] =	ssyncset.done @!p1 $0x0;
	s9 =	smov.u32 s14  }
0x1d: {  	s11 =	sadd.s32 $0x1, s11;
	[sflag:s15] =	ssyncadd.s32 @!p1 $0xFFFFE000;
	s10 =	smov.u32 s16  }
.LBB1_1:
0x1e: {  	p1 =	sge.u32 s11, s5  }
0x1f: {  	s14 =	sand.u32 @!p1 $0x1FFFFFF, s9  }
0x20: {  	s15 =	smulhi.u32 @!p1 $0x147AE15, s14;
	_ =	sdelay $0x1  }
0x21: {  	s15 =	smul.u32 @!p1 $0xC8, s15  }
0x22: {  	s16 =	sxor.u32 @!p1 $0xFFFFFFFF, s11;
	s17 =	smul.u32 @!p1 $0xC80, s10  }
0x23: {  	s31 =	sadd.s32 $0xFFFFFFFF, s11;
	s16 =	sshll.u32 @!p1 s16, $0xD;
	s14 =	ssub.s32 @!p1 s14, s15  }
0x24: {  	s15 =	sand.u32 @!p1 $0x2000, s16;
	s16 =	sadd.s32 @!p1 s6, s17;
	s14 =	sshll.u32 @!p1 s14, $0x4  }
0x25: {  	s17 =	simm.s32 @!p1 $0x6400;
	s14 =	sadd.s32 @!p1 s14, s16;
	s16 =	simm.s32 @!p1 $0x40  }
0x26: {  	[tilespmem:s15], [sflag:$0x1] =	stream.strided.gather @!p1 [hbm4b:s14+s16], $0x2000, s17, s16, $0x38;
	[tilespmem:$0x8080] =	vst v63  }
0x27: {  	p1 =	sge.u32 s31, s5  }
.Ltmp2:
0x28: {  	_ = 	snop;
	(pc) =	sbr.rel @p1 .LBB1_5-.Ltmp2, $1  }
0x29: {  	_ =	sdelay $0x3  }
0x2a: {  	s14 =	simm.s32 $0x1  }
0x2b: {  	_ =	swait.ge [sflag:s4], $0x2000;
	s14 =	simm.s32 @!p0 $0x0  }
0x2c: {  	[sflag:s4] =	ssyncset.done $0x0;
	s15 =	sshll.u32 s14, $0xD  }
0x2d: {  	[sflag:s4] =	ssyncadd.s32 $0xFFFFE000;
	s18 =	sor.u32 $0x20, s15  }
0x2e: {  	s14 =	smul.u32 $0x8100, s14;
	v3 =	vld [tilespmem:s18+$0x10]  }
0x2f: {  	s30 =	sand.u32 $0x1, s11;
	v2 =	vld [tilespmem:s18+$0xFFFFFFF0]  }
0x30: {  	s15 =	smul.u32 $0x8100, s30;
	s14 =	sshrl.u32 s14, $0x2;
	v0 =	vld [tilespmem:s18+$0x0]  }
0x31: {  	v1 =	vld [tilespmem:s18+$0xFFFFFFE0];
	s16 =	sor.u32 $0x4000, s14  }
0x32: {  	s31 =	sshrl.u32 s15, $0x2;
	s15 =	sadd.s32 $0x0, s16  }
0x33: {  	s17 =	simm.s32 $0x4;
	s18 =	sadd.s32 $0x40, s18;
	s14 =	sor.u32 $0x4000, s31;
	[tilespmem:s15+$0x1830 ss:$0x81] =	vst.msk $0xffff, v3  }
.LBB1_3:
0x34: {  	v3 =	vld [tilespmem:s18+$0x10];
	p1 =	sne.s32 s17, $0x1FC;
	[tilespmem:s15+$0x810 ss:$0x81] =	vst.msk $0xffff, v2;
	s19 =	smov.u32 s17;
	s17 =	sadd.s32 $0x4, s17  }
.Ltmp3:
0x35: {  	v2 =	vld [tilespmem:s18+$0xFFFFFFF0];
	[tilespmem:s15+$0x1020 ss:$0x81] =	vst.msk $0xffff, v0;
	(pc) =	sbr.rel @p1 .LBB1_3-.Ltmp3, $4  }
0x36: {  	v0 =	vld [tilespmem:s18+$0x0];
	[tilespmem:s15+$0x0 ss:$0x81] =	vst.msk $0xffff, v1  }
0x37: {  	s15 =	sshra.s32 s19, $0x2;
	v1 =	vld [tilespmem:s18+$0xFFFFFFE0]  }
0x38: {  	s15 =	sadd.s32 s15, s16  }
0x39: {  	s18 =	sadd.s32 $0x40, s18;
	[tilespmem:s15+$0x1830 ss:$0x81] =	vst.msk $0xffff, v3  }
.Ltmp4:
0x3a: {  	_ = 	snop;
	(pc) =	sbr.rel .LBB1_4-.Ltmp4, $1  }
0x3b: {  	_ =	sdelay $0x3  }
.LBB1_6:
0x3c: {  	_ =	sfence.sel $0x180000  }
0x3d: {  	s2 =	simm.s32 $0x1;
	[bflag:$0x0] =	sbarrier.arrive $0xFFFF  }
0x3e: {  	s31 =	simm.s32 $0x2;
	[sflag:s2] =	ssyncpa.u1 $0x1  }
0x3f: {  	[sflag:s31] =	ssyncpa.u1 $0x1  }
0x40: {  	p0 =	sne.s32 s0, $0x0;
	_ =	strace $0x9000004A  }
0x41: {  	s0 =	sadd.s32 @!p0 $0x100000, s1;
	[bflag:$0x2] =	sbarrier.arrive $0xFFFF  }
0x42: {  	[sflag:s0] =	ssyncadd.tile.s32 @!p0 $0x1;
	_ =	shalt  }
.Lfunc_end1:
_tile_overlayer_lowered:
.L_overlay_start_2:
0x43: {  	(tag) =	ssettag $0x2  }
0x44: {  	s0 =	rddreg [dreg:$0x0];
	s2 =	stileid.u32  }
0x45: {  	s1 =	rddreg [dreg:$0x1];
	p0 =	sne.s32 s2, $0x0  }
0x46: {  	s3 =	rddreg [dreg:$0x2];
	[bflag:$0x3] =	sbarrier.arrive $0xFFFF;
	s2 =	simm.s32 @!p0 $0x1C01  }
0x47: {  	[timem:s3], [sflag:s2] =	dma.local @!p0 [hbm:s0], s1  }
0x48: {  	s0 =	simm.s32 @!p0 $0x1  }
0x49: {  	_ =	swait.ge @!p0 [sflag:s0], s1  }
0x4a: {  	s1 =	ssub.s32 @!p0 $0x0, s1;
	[sflag:s0] =	ssyncset.done @!p0 $0x0  }
0x4b: {  	[sflag:s0] =	ssyncadd.s32 @!p0 s1  }
0x4c: {  	[bflag:$0x3] =	sbarrier.arrive $0xFFFF  }
0x4d: {  	_ =	shalt  }

</sc_bundles>
